<compile_context>
chip_gen: v7x
topology: tpu7x:2x2x1
jax: 0.10.2.dev20260603
libtpu: 0.0.44.dev20260713+nightly
codegen_flags: <defaults>
</compile_context>

<pallas_src>
import functools

import jax
import jax.numpy as jnp
from jax import lax
from jax.experimental import pallas as pl
from jax.experimental.pallas import tpu as pltpu
from jax.experimental.pallas import tpu_sc as plsc

VOCAB = 1000
B = 1024
T = 20
NC, NS = 2, 16
NW = NC * NS
B_PER_W = B // NW
BPC = 2
CHUNK = BPC * T
N_CHUNKS = B_PER_W // BPC

_mesh = plsc.VectorSubcoreMesh(core_axis_name="c", subcore_axis_name="s")


@functools.partial(
    pl.kernel,
    out_type=jax.ShapeDtypeStruct((B, T, VOCAB), jnp.float32),
    mesh=_mesh,
    compiler_params=pltpu.CompilerParams(use_tc_tiling_on_sc=False),
    scratch_types=[
        pltpu.VMEM((B_PER_W * T,), jnp.int32),
        pltpu.VMEM((CHUNK, 1024), jnp.float32),
        pltpu.VMEM((CHUNK, 1024), jnp.float32),
        pltpu.VMEM((CHUNK, 1024), jnp.float32),
        pltpu.SemaphoreType.DMA,
        pltpu.SemaphoreType.DMA,
        pltpu.SemaphoreType.DMA,
        pltpu.SemaphoreType.DMA,
        pltpu.SemaphoreType.DMA,
        pltpu.SemaphoreType.DMA,
    ],
)
def _gather_rows(emb_hbm, idx_hbm, out_hbm, idx_v,
                 buf0, buf1, buf2, g0, g1, g2, s0, s1, s2):
    wid = lax.axis_index("s") * NC + lax.axis_index("c")
    base_b = wid * B_PER_W
    pltpu.sync_copy(idx_hbm.at[pl.ds(base_b * T, B_PER_W * T)], idx_v)

    bufs = (buf0, buf1, buf2)
    gsems = (g0, g1, g2)
    ssems = (s0, s1, s2)

    def gather(j):
        return pltpu.make_async_copy(
            emb_hbm.at[idx_v.at[pl.ds(j * CHUNK, CHUNK)]],
            bufs[j % 3],
            gsems[j % 3],
        )

    def scatter(j):
        buf = bufs[j % 3]
        a = pltpu.make_async_copy(
            buf.at[pl.ds(0, T), pl.ds(0, VOCAB)],
            out_hbm.at[base_b + BPC * j], ssems[j % 3])
        b = pltpu.make_async_copy(
            buf.at[pl.ds(T, T), pl.ds(0, VOCAB)],
            out_hbm.at[base_b + BPC * j + 1],
            ssems[j % 3])
        return a, b

    gathers = [gather(0), gather(1)]
    gathers[0].start()
    gathers[1].start()
    scatters = []
    for j in range(N_CHUNKS):
        if j + 2 < N_CHUNKS:
            if j >= 1:
                for cp in scatters[j - 1]:
                    cp.wait()
            g = gather(j + 2)
            g.start()
            gathers.append(g)
        gathers[j].wait()
        a, b = scatter(j)
        a.start()
        b.start()
        scatters.append((a, b))
    for j in (N_CHUNKS - 3, N_CHUNKS - 2, N_CHUNKS - 1):
        for cp in scatters[j]:
            cp.wait()


def kernel(xb, emb):
    idx = xb.reshape(-1)
    embp = jnp.pad(emb, ((0, 0), (0, 1024 - VOCAB)))
    return _gather_rows(embp, idx)

# --- scband reference (transcript-rebuilt; emitter-appended) ---
"""Pipeline reference for scband-bi-gram-language-model-65094524339017 (READ-ONLY COPY).

The authoritative reference and input builder live on the scoring server;
editing this copy changes nothing except your own understanding.
"""

import jax, jax.numpy as jnp
import numpy as np

VOCAB = 1000
BATCH = 1024
T = 20

def setup_inputs(seed: int = 0) -> dict:
    key = jax.random.key(seed)
    k1, k2 = jax.random.split(key)
    xb = jax.random.randint(k1, (BATCH, T), 0, VOCAB, dtype=jnp.int32)
    # learned parameter: nn.Embedding(vocab_size, vocab_size) weight table
    emb = jax.random.normal(k2, (VOCAB, VOCAB), dtype=jnp.float32) * 0.02
    return {"xb": xb, "emb": emb}

def reference(xb, emb):
    # logits = self.emb(xb)  -> gather rows of the embedding table
    logits = jnp.take(emb, xb, axis=0)  # [B, T, vocab]
    # target is None in this configuration, so loss = None; we return logits only
    return logits

if __name__ == "__main__":
    import jax
    _d = setup_inputs()
    print(jax.jit(kernel)(*tuple(_d.values())))

</pallas_src>

<mosaic_0001>
#map = affine_map<(d0, d1) -> (0, 0)>
#map1 = affine_map<(d0, d1) -> (0)>
#map2 = affine_map<(d0, d1) -> (0, 0, 0)>
module attributes {stable_mosaic.version = 14 : i64} {
  func.func @_gather_rows(%arg0: i32, %arg1: i32, %arg2: memref<1000x1024xf32, #tpu.memory_space<hbm>>, %arg3: memref<20480xi32, #tpu.memory_space<hbm>>, %arg4: memref<1024x20x1000xf32, #tpu.memory_space<hbm>>, %arg5: memref<640xi32, #tpu.memory_space<vmem>>, %arg6: memref<40x1024xf32, #tpu.memory_space<vmem>>, %arg7: memref<40x1024xf32, #tpu.memory_space<vmem>>, %arg8: memref<40x1024xf32, #tpu.memory_space<vmem>>, %arg9: memref<!tpu.dma_semaphore, #tpu.memory_space<semaphore_mem>>, %arg10: memref<!tpu.dma_semaphore, #tpu.memory_space<semaphore_mem>>, %arg11: memref<!tpu.dma_semaphore, #tpu.memory_space<semaphore_mem>>, %arg12: memref<!tpu.dma_semaphore, #tpu.memory_space<semaphore_mem>>, %arg13: memref<!tpu.dma_semaphore, #tpu.memory_space<semaphore_mem>>, %arg14: memref<!tpu.dma_semaphore, #tpu.memory_space<semaphore_mem>>) attributes {dimension_semantics = [#tpu.dimension_semantics<core_parallel>, #tpu.dimension_semantics<subcore_parallel>], iteration_bounds = array<i64: 2, 16>, scalar_prefetch = 0 : i64, scratch_operands = 10 : i64, tpu.core_type = #tpu.core_type<sc_vector_subcore>, window_params = [{transform_indices = #map}, {transform_indices = #map1}, {transform_indices = #map2}]} {
    %mul3A = arith.constant 2 : i32
    %mul3A_0 = arith.muli %arg1, %mul3A : i32
    %add3A = arith.addi %mul3A_0, %arg0 : i32
    %mul3A_1 = arith.constant 32 : i32
    %mul3A_2 = arith.muli %add3A, %mul3A_1 : i32
    %mul3A_3 = arith.constant 20 : i32
    %mul3A_4 = arith.muli %mul3A_2, %mul3A_3 : i32
    "tpu.region"() ({
      %run_scoped3A = tpu.sem_alloc : memref<!tpu.dma_semaphore, #tpu.memory_space<semaphore_mem>>
      %dma_start3A_1155 = tpu.memref_slice %arg3[%mul3A_4] : memref<20480xi32, #tpu.memory_space<hbm>> -> memref<640xi32, #tpu.memory_space<hbm>>
      %dma_start3A_1156 = tpu.memref_slice %arg3[%mul3A_4] : memref<20480xi32, #tpu.memory_space<hbm>> -> memref<640xi32, #tpu.memory_space<hbm>>
      tpu.enqueue_dma source(%dma_start3A_1156 : memref<640xi32, #tpu.memory_space<hbm>>) target(%arg5 : memref<640xi32, #tpu.memory_space<vmem>>) target_semaphore(%run_scoped3A : memref<!tpu.dma_semaphore, #tpu.memory_space<semaphore_mem>>)
      %dma_wait3A_1157 = tpu.memref_slice %arg3[%mul3A_4] : memref<20480xi32, #tpu.memory_space<hbm>> -> memref<640xi32, #tpu.memory_space<hbm>>
      %dma_wait3A_1158 = tpu.memref_slice %arg3[%mul3A_4] : memref<20480xi32, #tpu.memory_space<hbm>> -> memref<640xi32, #tpu.memory_space<hbm>>
      tpu.wait_dma2 semaphore(%run_scoped3A : memref<!tpu.dma_semaphore, #tpu.memory_space<semaphore_mem>>) src(%dma_wait3A_1158 : memref<640xi32, #tpu.memory_space<hbm>>) dst(%arg5 : memref<640xi32, #tpu.memory_space<vmem>>)
      tpu.yield
    }) : () -> ()
    %dma_start3A = arith.constant 0 : i32
    %dma_start3A_5 = tpu.memref_slice %arg5[%dma_start3A] : memref<640xi32, #tpu.memory_space<vmem>> -> memref<40xi32, #tpu.memory_space<vmem>>
    %dma_start3A_6 = arith.constant 0 : i32
    %dma_start3A_7 = arith.constant 0 : i32
    %dma_start3A_8 = tpu.memref_slice %arg2[%dma_start3A_6, %dma_start3A_7] : memref<1000x1024xf32, #tpu.memory_space<hbm>> -> memref<1000x1024xf32, #tpu.memory_space<hbm>>
    tpu.enqueue_indirect_dma source(%dma_start3A_8 : memref<1000x1024xf32, #tpu.memory_space<hbm>>) target(%arg6 : memref<40x1024xf32, #tpu.memory_space<vmem>>) offsets(%dma_start3A_5 : memref<40xi32, #tpu.memory_space<vmem>>) semaphore(%arg9 : memref<!tpu.dma_semaphore, #tpu.memory_space<semaphore_mem>>)
    %dma_start3A_9 = arith.constant 40 : i32
    %dma_start3A_10 = tpu.memref_slice %arg5[%dma_start3A_9] : memref<640xi32, #tpu.memory_space<vmem>> -> memref<40xi32, #tpu.memory_space<vmem>>
    %dma_start3A_11 = arith.constant 0 : i32
    %dma_start3A_12 = arith.constant 0 : i32
    %dma_start3A_13 = tpu.memref_slice %arg2[%dma_start3A_11, %dma_start3A_12] : memref<1000x1024xf32, #tpu.memory_space<hbm>> -> memref<1000x1024xf32, #tpu.memory_space<hbm>>
    tpu.enqueue_indirect_dma source(%dma_start3A_13 : memref<1000x1024xf32, #tpu.memory_space<hbm>>) target(%arg7 : memref<40x1024xf32, #tpu.memory_space<vmem>>) offsets(%dma_start3A_10 : memref<40xi32, #tpu.memory_space<vmem>>) semaphore(%arg10 : memref<!tpu.dma_semaphore, #tpu.memory_space<semaphore_mem>>)
    %dma_start3A_14 = arith.constant 80 : i32
    %dma_start3A_15 = tpu.memref_slice %arg5[%dma_start3A_14] : memref<640xi32, #tpu.memory_space<vmem>> -> memref<40xi32, #tpu.memory_space<vmem>>
    %dma_start3A_16 = arith.constant 0 : i32
    %dma_start3A_17 = arith.constant 0 : i32
    %dma_start3A_18 = tpu.memref_slice %arg2[%dma_start3A_16, %dma_start3A_17] : memref<1000x1024xf32, #tpu.memory_space<hbm>> -> memref<1000x1024xf32, #tpu.memory_space<hbm>>
    tpu.enqueue_indirect_dma source(%dma_start3A_18 : memref<1000x1024xf32, #tpu.memory_space<hbm>>) target(%arg8 : memref<40x1024xf32, #tpu.memory_space<vmem>>) offsets(%dma_start3A_15 : memref<40xi32, #tpu.memory_space<vmem>>) semaphore(%arg11 : memref<!tpu.dma_semaphore, #tpu.memory_space<semaphore_mem>>)
    %dma_wait3A = arith.constant 0 : i32
    %dma_wait3A_19 = tpu.memref_slice %arg5[%dma_wait3A] : memref<640xi32, #tpu.memory_space<vmem>> -> memref<40xi32, #tpu.memory_space<vmem>>
    %dma_wait3A_20 = arith.constant 0 : i32
    %dma_wait3A_21 = arith.constant 0 : i32
    %dma_wait3A_22 = tpu.memref_slice %arg2[%dma_wait3A_20, %dma_wait3A_21] : memref<1000x1024xf32, #tpu.memory_space<hbm>> -> memref<1000x1024xf32, #tpu.memory_space<hbm>>
    tpu.wait_indirect_dma semaphore(%arg9 : memref<!tpu.dma_semaphore, #tpu.memory_space<semaphore_mem>>) src(%dma_wait3A_22 : memref<1000x1024xf32, #tpu.memory_space<hbm>>) dst(%arg6 : memref<40x1024xf32, #tpu.memory_space<vmem>>)
    %add3A_23 = arith.constant 0 : i32
    %add3A_24 = arith.addi %mul3A_2, %add3A_23 : i32
    %add3A_25 = arith.constant 0 : i32
    %add3A_26 = arith.addi %mul3A_2, %add3A_25 : i32
    %add3A_27 = arith.constant 1 : i32
    %add3A_28 = arith.addi %add3A_26, %add3A_27 : i32
    %dma_start3A_29 = arith.constant 0 : i32
    %dma_start3A_30 = arith.constant 0 : i32
    %dma_start3A_31 = tpu.memref_slice %arg6[%dma_start3A_29, %dma_start3A_30] : memref<40x1024xf32, #tpu.memory_space<vmem>> -> memref<20x1000xf32, #tpu.memory_space<vmem>>
    %dma_start3A_32 = arith.constant 0 : i32
    %dma_start3A_33 = arith.constant 0 : i32
    %dma_start3A_34 = tpu.memref_slice %arg4[%add3A_24, %dma_start3A_32, %dma_start3A_33] : memref<1024x20x1000xf32, #tpu.memory_space<hbm>> -> memref<1x20x1000xf32, #tpu.memory_space<hbm>>
    %dma_start3A_35 = tpu.memref_squeeze %dma_start3A_34 : memref<1x20x1000xf32, #tpu.memory_space<hbm>> -> memref<20x1000xf32, #tpu.memory_space<hbm>>
    %dma_start3A_36 = arith.constant 0 : i32
    %dma_start3A_37 = arith.constant 0 : i32
    %dma_start3A_38 = tpu.memref_slice %arg4[%add3A_24, %dma_start3A_36, %dma_start3A_37] : memref<1024x20x1000xf32, #tpu.memory_space<hbm>> -> memref<1x20x1000xf32, #tpu.memory_space<hbm>>
    %dma_start3A_39 = tpu.memref_squeeze %dma_start3A_38 : memref<1x20x1000xf32, #tpu.memory_space<hbm>> -> memref<20x1000xf32, #tpu.memory_space<hbm>>
    %dma_start3A_40 = arith.constant 0 : i32
    %dma_start3A_41 = arith.constant 0 : i32
    %dma_start3A_42 = tpu.memref_slice %arg6[%dma_start3A_40, %dma_start3A_41] : memref<40x1024xf32, #tpu.memory_space<vmem>> -> memref<20x1000xf32, #tpu.memory_space<vmem>>
    tpu.enqueue_dma source(%dma_start3A_42 : memref<20x1000xf32, #tpu.memory_space<vmem>>) target(%dma_start3A_39 : memref<20x1000xf32, #tpu.memory_space<hbm>>) target_semaphore(%arg12 : memref<!tpu.dma_semaphore, #tpu.memory_space<semaphore_mem>>)
    %dma_start3A_43 = arith.constant 20 : i32
    %dma_start3A_44 = arith.constant 0 : i32
    %dma_start3A_45 = tpu.memref_slice %arg6[%dma_start3A_43, %dma_start3A_44] : memref<40x1024xf32, #tpu.memory_space<vmem>> -> memref<20x1000xf32, #tpu.memory_space<vmem>>
    %dma_start3A_46 = arith.constant 0 : i32
    %dma_start3A_47 = arith.constant 0 : i32
    %dma_start3A_48 = tpu.memref_slice %arg4[%add3A_28, %dma_start3A_46, %dma_start3A_47] : memref<1024x20x1000xf32, #tpu.memory_space<hbm>> -> memref<1x20x1000xf32, #tpu.memory_space<hbm>>
    %dma_start3A_49 = tpu.memref_squeeze %dma_start3A_48 : memref<1x20x1000xf32, #tpu.memory_space<hbm>> -> memref<20x1000xf32, #tpu.memory_space<hbm>>
    %dma_start3A_50 = arith.constant 0 : i32
    %dma_start3A_51 = arith.constant 0 : i32
    %dma_start3A_52 = tpu.memref_slice %arg4[%add3A_28, %dma_start3A_50, %dma_start3A_51] : memref<1024x20x1000xf32, #tpu.memory_space<hbm>> -> memref<1x20x1000xf32, #tpu.memory_space<hbm>>
    %dma_start3A_53 = tpu.memref_squeeze %dma_start3A_52 : memref<1x20x1000xf32, #tpu.memory_space<hbm>> -> memref<20x1000xf32, #tpu.memory_space<hbm>>
    %dma_start3A_54 = arith.constant 20 : i32
    %dma_start3A_55 = arith.constant 0 : i32
    %dma_start3A_56 = tpu.memref_slice %arg6[%dma_start3A_54, %dma_start3A_55] : memref<40x1024xf32, #tpu.memory_space<vmem>> -> memref<20x1000xf32, #tpu.memory_space<vmem>>
    tpu.enqueue_dma source(%dma_start3A_56 : memref<20x1000xf32, #tpu.memory_space<vmem>>) target(%dma_start3A_53 : memref<20x1000xf32, #tpu.memory_space<hbm>>) target_semaphore(%arg12 : memref<!tpu.dma_semaphore, #tpu.memory_space<semaphore_mem>>)
    %dma_wait3A_57 = arith.constant 0 : i32
    %dma_wait3A_58 = arith.constant 0 : i32
    %dma_wait3A_59 = tpu.memref_slice %arg6[%dma_wait3A_57, %dma_wait3A_58] : memref<40x1024xf32, #tpu.memory_space<vmem>> -> memref<20x1000xf32, #tpu.memory_space<vmem>>
    %dma_wait3A_60 = arith.constant 0 : i32
    %dma_wait3A_61 = arith.constant 0 : i32
    %dma_wait3A_62 = tpu.memref_slice %arg4[%add3A_24, %dma_wait3A_60, %dma_wait3A_61] : memref<1024x20x1000xf32, #tpu.memory_space<hbm>> -> memref<1x20x1000xf32, #tpu.memory_space<hbm>>
    %dma_wait3A_63 = tpu.memref_squeeze %dma_wait3A_62 : memref<1x20x1000xf32, #tpu.memory_space<hbm>> -> memref<20x1000xf32, #tpu.memory_space<hbm>>
    %dma_wait3A_64 = arith.constant 0 : i32
    %dma_wait3A_65 = arith.constant 0 : i32
    %dma_wait3A_66 = tpu.memref_slice %arg4[%add3A_24, %dma_wait3A_64, %dma_wait3A_65] : memref<1024x20x1000xf32, #tpu.memory_space<hbm>> -> memref<1x20x1000xf32, #tpu.memory_space<hbm>>
    %dma_wait3A_67 = tpu.memref_squeeze %dma_wait3A_66 : memref<1x20x1000xf32, #tpu.memory_space<hbm>> -> memref<20x1000xf32, #tpu.memory_space<hbm>>
    %dma_wait3A_68 = arith.constant 0 : i32
    %dma_wait3A_69 = arith.constant 0 : i32
    %dma_wait3A_70 = tpu.memref_slice %arg6[%dma_wait3A_68, %dma_wait3A_69] : memref<40x1024xf32, #tpu.memory_space<vmem>> -> memref<20x1000xf32, #tpu.memory_space<vmem>>
    tpu.wait_dma2 semaphore(%arg12 : memref<!tpu.dma_semaphore, #tpu.memory_space<semaphore_mem>>) src(%dma_wait3A_70 : memref<20x1000xf32, #tpu.memory_space<vmem>>) dst(%dma_wait3A_67 : memref<20x1000xf32, #tpu.memory_space<hbm>>)
    %dma_wait3A_71 = arith.constant 20 : i32
    %dma_wait3A_72 = arith.constant 0 : i32
    %dma_wait3A_73 = tpu.memref_slice %arg6[%dma_wait3A_71, %dma_wait3A_72] : memref<40x1024xf32, #tpu.memory_space<vmem>> -> memref<20x1000xf32, #tpu.memory_space<vmem>>
    %dma_wait3A_74 = arith.constant 0 : i32
    %dma_wait3A_75 = arith.constant 0 : i32
    %dma_wait3A_76 = tpu.memref_slice %arg4[%add3A_28, %dma_wait3A_74, %dma_wait3A_75] : memref<1024x20x1000xf32, #tpu.memory_space<hbm>> -> memref<1x20x1000xf32, #tpu.memory_space<hbm>>
    %dma_wait3A_77 = tpu.memref_squeeze %dma_wait3A_76 : memref<1x20x1000xf32, #tpu.memory_space<hbm>> -> memref<20x1000xf32, #tpu.memory_space<hbm>>
    %dma_wait3A_78 = arith.constant 0 : i32
    %dma_wait3A_79 = arith.constant 0 : i32
    %dma_wait3A_80 = tpu.memref_slice %arg4[%add3A_28, %dma_wait3A_78, %dma_wait3A_79] : memref<1024x20x1000xf32, #tpu.memory_space<hbm>> -> memref<1x20x1000xf32, #tpu.memory_space<hbm>>
    %dma_wait3A_81 = tpu.memref_squeeze %dma_wait3A_80 : memref<1x20x1000xf32, #tpu.memory_space<hbm>> -> memref<20x1000xf32, #tpu.memory_space<hbm>>
    %dma_wait3A_82 = arith.constant 20 : i32
    %dma_wait3A_83 = arith.constant 0 : i32
    %dma_wait3A_84 = tpu.memref_slice %arg6[%dma_wait3A_82, %dma_wait3A_83] : memref<40x1024xf32, #tpu.memory_space<vmem>> -> memref<20x1000xf32, #tpu.memory_space<vmem>>
    tpu.wait_dma2 semaphore(%arg12 : memref<!tpu.dma_semaphore, #tpu.memory_space<semaphore_mem>>) src(%dma_wait3A_84 : memref<20x1000xf32, #tpu.memory_space<vmem>>) dst(%dma_wait3A_81 : memref<20x1000xf32, #tpu.memory_space<hbm>>)
    %dma_start3A_85 = arith.constant 120 : i32
    %dma_start3A_86 = tpu.memref_slice %arg5[%dma_start3A_85] : memref<640xi32, #tpu.memory_space<vmem>> -> memref<40xi32, #tpu.memory_space<vmem>>
    %dma_start3A_87 = arith.constant 0 : i32
    %dma_start3A_88 = arith.constant 0 : i32
    %dma_start3A_89 = tpu.memref_slice %arg2[%dma_start3A_87, %dma_start3A_88] : memref<1000x1024xf32, #tpu.memory_space<hbm>> -> memref<1000x1024xf32, #tpu.memory_space<hbm>>
    tpu.enqueue_indirect_dma source(%dma_start3A_89 : memref<1000x1024xf32, #tpu.memory_space<hbm>>) target(%arg6 : memref<40x1024xf32, #tpu.memory_space<vmem>>) offsets(%dma_start3A_86 : memref<40xi32, #tpu.memory_space<vmem>>) semaphore(%arg9 : memref<!tpu.dma_semaphore, #tpu.memory_space<semaphore_mem>>)
    %dma_wait3A_90 = arith.constant 40 : i32
    %dma_wait3A_91 = tpu.memref_slice %arg5[%dma_wait3A_90] : memref<640xi32, #tpu.memory_space<vmem>> -> memref<40xi32, #tpu.memory_space<vmem>>
    %dma_wait3A_92 = arith.constant 0 : i32
    %dma_wait3A_93 = arith.constant 0 : i32
    %dma_wait3A_94 = tpu.memref_slice %arg2[%dma_wait3A_92, %dma_wait3A_93] : memref<1000x1024xf32, #tpu.memory_space<hbm>> -> memref<1000x1024xf32, #tpu.memory_space<hbm>>
    tpu.wait_indirect_dma semaphore(%arg10 : memref<!tpu.dma_semaphore, #tpu.memory_space<semaphore_mem>>) src(%dma_wait3A_94 : memref<1000x1024xf32, #tpu.memory_space<hbm>>) dst(%arg7 : memref<40x1024xf32, #tpu.memory_space<vmem>>)
    %add3A_95 = arith.constant 2 : i32
    %add3A_96 = arith.addi %mul3A_2, %add3A_95 : i32
    %add3A_97 = arith.constant 2 : i32
    %add3A_98 = arith.addi %mul3A_2, %add3A_97 : i32
    %add3A_99 = arith.constant 1 : i32
    %add3A_100 = arith.addi %add3A_98, %add3A_99 : i32
    %dma_start3A_101 = arith.constant 0 : i32
    %dma_start3A_102 = arith.constant 0 : i32
    %dma_start3A_103 = tpu.memref_slice %arg7[%dma_start3A_101, %dma_start3A_102] : memref<40x1024xf32, #tpu.memory_space<vmem>> -> memref<20x1000xf32, #tpu.memory_space<vmem>>
    %dma_start3A_104 = arith.constant 0 : i32
    %dma_start3A_105 = arith.constant 0 : i32
    %dma_start3A_106 = tpu.memref_slice %arg4[%add3A_96, %dma_start3A_104, %dma_start3A_105] : memref<1024x20x1000xf32, #tpu.memory_space<hbm>> -> memref<1x20x1000xf32, #tpu.memory_space<hbm>>
    %dma_start3A_107 = tpu.memref_squeeze %dma_start3A_106 : memref<1x20x1000xf32, #tpu.memory_space<hbm>> -> memref<20x1000xf32, #tpu.memory_space<hbm>>
    %dma_start3A_108 = arith.constant 0 : i32
    %dma_start3A_109 = arith.constant 0 : i32
    %dma_start3A_110 = tpu.memref_slice %arg4[%add3A_96, %dma_start3A_108, %dma_start3A_109] : memref<1024x20x1000xf32, #tpu.memory_space<hbm>> -> memref<1x20x1000xf32, #tpu.memory_space<hbm>>
    %dma_start3A_111 = tpu.memref_squeeze %dma_start3A_110 : memref<1x20x1000xf32, #tpu.memory_space<hbm>> -> memref<20x1000xf32, #tpu.memory_space<hbm>>
    %dma_start3A_112 = arith.constant 0 : i32
    %dma_start3A_113 = arith.constant 0 : i32
    %dma_start3A_114 = tpu.memref_slice %arg7[%dma_start3A_112, %dma_start3A_113] : memref<40x1024xf32, #tpu.memory_space<vmem>> -> memref<20x1000xf32, #tpu.memory_space<vmem>>
    tpu.enqueue_dma source(%dma_start3A_114 : memref<20x1000xf32, #tpu.memory_space<vmem>>) target(%dma_start3A_111 : memref<20x1000xf32, #tpu.memory_space<hbm>>) target_semaphore(%arg13 : memref<!tpu.dma_semaphore, #tpu.memory_space<semaphore_mem>>)
    %dma_start3A_115 = arith.constant 20 : i32
    %dma_start3A_116 = arith.constant 0 : i32
    %dma_start3A_117 = tpu.memref_slice %arg7[%dma_start3A_115, %dma_start3A_116] : memref<40x1024xf32, #tpu.memory_space<vmem>> -> memref<20x1000xf32, #tpu.memory_space<vmem>>
    %dma_start3A_118 = arith.constant 0 : i32
    %dma_start3A_119 = arith.constant 0 : i32
    %dma_start3A_120 = tpu.memref_slice %arg4[%add3A_100, %dma_start3A_118, %dma_start3A_119] : memref<1024x20x1000xf32, #tpu.memory_space<hbm>> -> memref<1x20x1000xf32, #tpu.memory_space<hbm>>
    %dma_start3A_121 = tpu.memref_squeeze %dma_start3A_120 : memref<1x20x1000xf32, #tpu.memory_space<hbm>> -> memref<20x1000xf32, #tpu.memory_space<hbm>>
    %dma_start3A_122 = arith.constant 0 : i32
    %dma_start3A_123 = arith.constant 0 : i32
    %dma_start3A_124 = tpu.memref_slice %arg4[%add3A_100, %dma_start3A_122, %dma_start3A_123] : memref<1024x20x1000xf32, #tpu.memory_space<hbm>> -> memref<1x20x1000xf32, #tpu.memory_space<hbm>>
    %dma_start3A_125 = tpu.memref_squeeze %dma_start3A_124 : memref<1x20x1000xf32, #tpu.memory_space<hbm>> -> memref<20x1000xf32, #tpu.memory_space<hbm>>
    %dma_start3A_126 = arith.constant 20 : i32
    %dma_start3A_127 = arith.constant 0 : i32
    %dma_start3A_128 = tpu.memref_slice %arg7[%dma_start3A_126, %dma_start3A_127] : memref<40x1024xf32, #tpu.memory_space<vmem>> -> memref<20x1000xf32, #tpu.memory_space<vmem>>
    tpu.enqueue_dma source(%dma_start3A_128 : memref<20x1000xf32, #tpu.memory_space<vmem>>) target(%dma_start3A_125 : memref<20x1000xf32, #tpu.memory_space<hbm>>) target_semaphore(%arg13 : memref<!tpu.dma_semaphore, #tpu.memory_space<semaphore_mem>>)
    %dma_wait3A_129 = arith.constant 0 : i32
    %dma_wait3A_130 = arith.constant 0 : i32
    %dma_wait3A_131 = tpu.memref_slice %arg7[%dma_wait3A_129, %dma_wait3A_130] : memref<40x1024xf32, #tpu.memory_space<vmem>> -> memref<20x1000xf32, #tpu.memory_space<vmem>>
    %dma_wait3A_132 = arith.constant 0 : i32
    %dma_wait3A_133 = arith.constant 0 : i32
    %dma_wait3A_134 = tpu.memref_slice %arg4[%add3A_96, %dma_wait3A_132, %dma_wait3A_133] : memref<1024x20x1000xf32, #tpu.memory_space<hbm>> -> memref<1x20x1000xf32, #tpu.memory_space<hbm>>
    %dma_wait3A_135 = tpu.memref_squeeze %dma_wait3A_134 : memref<1x20x1000xf32, #tpu.memory_space<hbm>> -> memref<20x1000xf32, #tpu.memory_space<hbm>>
    %dma_wait3A_136 = arith.constant 0 : i32
    %dma_wait3A_137 = arith.constant 0 : i32
    %dma_wait3A_138 = tpu.memref_slice %arg4[%add3A_96, %dma_wait3A_136, %dma_wait3A_137] : memref<1024x20x1000xf32, #tpu.memory_space<hbm>> -> memref<1x20x1000xf32, #tpu.memory_space<hbm>>
    %dma_wait3A_139 = tpu.memref_squeeze %dma_wait3A_138 : memref<1x20x1000xf32, #tpu.memory_space<hbm>> -> memref<20x1000xf32, #tpu.memory_space<hbm>>
    %dma_wait3A_140 = arith.constant 0 : i32
    %dma_wait3A_141 = arith.constant 0 : i32
    %dma_wait3A_142 = tpu.memref_slice %arg7[%dma_wait3A_140, %dma_wait3A_141] : memref<40x1024xf32, #tpu.memory_space<vmem>> -> memref<20x1000xf32, #tpu.memory_space<vmem>>
    tpu.wait_dma2 semaphore(%arg13 : memref<!tpu.dma_semaphore, #tpu.memory_space<semaphore_mem>>) src(%dma_wait3A_142 : memref<20x1000xf32, #tpu.memory_space<vmem>>) dst(%dma_wait3A_139 : memref<20x1000xf32, #tpu.memory_space<hbm>>)
    %dma_wait3A_143 = arith.constant 20 : i32
    %dma_wait3A_144 = arith.constant 0 : i32
    %dma_wait3A_145 = tpu.memref_slice %arg7[%dma_wait3A_143, %dma_wait3A_144] : memref<40x1024xf32, #tpu.memory_space<vmem>> -> memref<20x1000xf32, #tpu.memory_space<vmem>>
    %dma_wait3A_146 = arith.constant 0 : i32
    %dma_wait3A_147 = arith.constant 0 : i32
    %dma_wait3A_148 = tpu.memref_slice %arg4[%add3A_100, %dma_wait3A_146, %dma_wait3A_147] : memref<1024x20x1000xf32, #tpu.memory_space<hbm>> -> memref<1x20x1000xf32, #tpu.memory_space<hbm>>
    %dma_wait3A_149 = tpu.memref_squeeze %dma_wait3A_148 : memref<1x20x1000xf32, #tpu.memory_space<hbm>> -> memref<20x1000xf32, #tpu.memory_space<hbm>>
    %dma_wait3A_150 = arith.constant 0 : i32
    %dma_wait3A_151 = arith.constant 0 : i32
    %dma_wait3A_152 = tpu.memref_slice %arg4[%add3A_100, %dma_wait3A_150, %dma_wait3A_151] : memref<1024x20x1000xf32, #tpu.memory_space<hbm>> -> memref<1x20x1000xf32, #tpu.memory_space<hbm>>
    %dma_wait3A_153 = tpu.memref_squeeze %dma_wait3A_152 : memref<1x20x1000xf32, #tpu.memory_space<hbm>> -> memref<20x1000xf32, #tpu.memory_space<hbm>>
    %dma_wait3A_154 = arith.constant 20 : i32
    %dma_wait3A_155 = arith.constant 0 : i32
    %dma_wait3A_156 = tpu.memref_slice %arg7[%dma_wait3A_154, %dma_wait3A_155] : memref<40x1024xf32, #tpu.memory_space<vmem>> -> memref<20x1000xf32, #tpu.memory_space<vmem>>
    tpu.wait_dma2 semaphore(%arg13 : memref<!tpu.dma_semaphore, #tpu.memory_space<semaphore_mem>>) src(%dma_wait3A_156 : memref<20x1000xf32, #tpu.memory_space<vmem>>) dst(%dma_wait3A_153 : memref<20x1000xf32, #tpu.memory_space<hbm>>)
    %dma_start3A_157 = arith.constant 160 : i32
    %dma_start3A_158 = tpu.memref_slice %arg5[%dma_start3A_157] : memref<640xi32, #tpu.memory_space<vmem>> -> memref<40xi32, #tpu.memory_space<vmem>>
    %dma_start3A_159 = arith.constant 0 : i32
    %dma_start3A_160 = arith.constant 0 : i32
    %dma_start3A_161 = tpu.memref_slice %arg2[%dma_start3A_159, %dma_start3A_160] : memref<1000x1024xf32, #tpu.memory_space<hbm>> -> memref<1000x1024xf32, #tpu.memory_space<hbm>>
    tpu.enqueue_indirect_dma source(%dma_start3A_161 : memref<1000x1024xf32, #tpu.memory_space<hbm>>) target(%arg7 : memref<40x1024xf32, #tpu.memory_space<vmem>>) offsets(%dma_start3A_158 : memref<40xi32, #tpu.memory_space<vmem>>) semaphore(%arg10 : memref<!tpu.dma_semaphore, #tpu.memory_space<semaphore_mem>>)
    %dma_wait3A_162 = arith.constant 80 : i32
    %dma_wait3A_163 = tpu.memref_slice %arg5[%dma_wait3A_162] : memref<640xi32, #tpu.memory_space<vmem>> -> memref<40xi32, #tpu.memory_space<vmem>>
    %dma_wait3A_164 = arith.constant 0 : i32
    %dma_wait3A_165 = arith.constant 0 : i32
    %dma_wait3A_166 = tpu.memref_slice %arg2[%dma_wait3A_164, %dma_wait3A_165] : memref<1000x1024xf32, #tpu.memory_space<hbm>> -> memref<1000x1024xf32, #tpu.memory_space<hbm>>
    tpu.wait_indirect_dma semaphore(%arg11 : memref<!tpu.dma_semaphore, #tpu.memory_space<semaphore_mem>>) src(%dma_wait3A_166 : memref<1000x1024xf32, #tpu.memory_space<hbm>>) dst(%arg8 : memref<40x1024xf32, #tpu.memory_space<vmem>>)
    %add3A_167 = arith.constant 4 : i32
    %add3A_168 = arith.addi %mul3A_2, %add3A_167 : i32
    %add3A_169 = arith.constant 4 : i32
    %add3A_170 = arith.addi %mul3A_2, %add3A_169 : i32
    %add3A_171 = arith.constant 1 : i32
    %add3A_172 = arith.addi %add3A_170, %add3A_171 : i32
    %dma_start3A_173 = arith.constant 0 : i32
    %dma_start3A_174 = arith.constant 0 : i32
    %dma_start3A_175 = tpu.memref_slice %arg8[%dma_start3A_173, %dma_start3A_174] : memref<40x1024xf32, #tpu.memory_space<vmem>> -> memref<20x1000xf32, #tpu.memory_space<vmem>>
    %dma_start3A_176 = arith.constant 0 : i32
    %dma_start3A_177 = arith.constant 0 : i32
    %dma_start3A_178 = tpu.memref_slice %arg4[%add3A_168, %dma_start3A_176, %dma_start3A_177] : memref<1024x20x1000xf32, #tpu.memory_space<hbm>> -> memref<1x20x1000xf32, #tpu.memory_space<hbm>>
    %dma_start3A_179 = tpu.memref_squeeze %dma_start3A_178 : memref<1x20x1000xf32, #tpu.memory_space<hbm>> -> memref<20x1000xf32, #tpu.memory_space<hbm>>
    %dma_start3A_180 = arith.constant 0 : i32
    %dma_start3A_181 = arith.constant 0 : i32
    %dma_start3A_182 = tpu.memref_slice %arg4[%add3A_168, %dma_start3A_180, %dma_start3A_181] : memref<1024x20x1000xf32, #tpu.memory_space<hbm>> -> memref<1x20x1000xf32, #tpu.memory_space<hbm>>
    %dma_start3A_183 = tpu.memref_squeeze %dma_start3A_182 : memref<1x20x1000xf32, #tpu.memory_space<hbm>> -> memref<20x1000xf32, #tpu.memory_space<hbm>>
    %dma_start3A_184 = arith.constant 0 : i32
    %dma_start3A_185 = arith.constant 0 : i32
    %dma_start3A_186 = tpu.memref_slice %arg8[%dma_start3A_184, %dma_start3A_185] : memref<40x1024xf32, #tpu.memory_space<vmem>> -> memref<20x1000xf32, #tpu.memory_space<vmem>>
    tpu.enqueue_dma source(%dma_start3A_186 : memref<20x1000xf32, #tpu.memory_space<vmem>>) target(%dma_start3A_183 : memref<20x1000xf32, #tpu.memory_space<hbm>>) target_semaphore(%arg14 : memref<!tpu.dma_semaphore, #tpu.memory_space<semaphore_mem>>)
    %dma_start3A_187 = arith.constant 20 : i32
    %dma_start3A_188 = arith.constant 0 : i32
    %dma_start3A_189 = tpu.memref_slice %arg8[%dma_start3A_187, %dma_start3A_188] : memref<40x1024xf32, #tpu.memory_space<vmem>> -> memref<20x1000xf32, #tpu.memory_space<vmem>>
    %dma_start3A_190 = arith.constant 0 : i32
    %dma_start3A_191 = arith.constant 0 : i32
    %dma_start3A_192 = tpu.memref_slice %arg4[%add3A_172, %dma_start3A_190, %dma_start3A_191] : memref<1024x20x1000xf32, #tpu.memory_space<hbm>> -> memref<1x20x1000xf32, #tpu.memory_space<hbm>>
    %dma_start3A_193 = tpu.memref_squeeze %dma_start3A_192 : memref<1x20x1000xf32, #tpu.memory_space<hbm>> -> memref<20x1000xf32, #tpu.memory_space<hbm>>
    %dma_start3A_194 = arith.constant 0 : i32
    %dma_start3A_195 = arith.constant 0 : i32
    %dma_start3A_196 = tpu.memref_slice %arg4[%add3A_172, %dma_start3A_194, %dma_start3A_195] : memref<1024x20x1000xf32, #tpu.memory_space<hbm>> -> memref<1x20x1000xf32, #tpu.memory_space<hbm>>
    %dma_start3A_197 = tpu.memref_squeeze %dma_start3A_196 : memref<1x20x1000xf32, #tpu.memory_space<hbm>> -> memref<20x1000xf32, #tpu.memory_space<hbm>>
    %dma_start3A_198 = arith.constant 20 : i32
    %dma_start3A_199 = arith.constant 0 : i32
    %dma_start3A_200 = tpu.memref_slice %arg8[%dma_start3A_198, %dma_start3A_199] : memref<40x1024xf32, #tpu.memory_space<vmem>> -> memref<20x1000xf32, #tpu.memory_space<vmem>>
    tpu.enqueue_dma source(%dma_start3A_200 : memref<20x1000xf32, #tpu.memory_space<vmem>>) target(%dma_start3A_197 : memref<20x1000xf32, #tpu.memory_space<hbm>>) target_semaphore(%arg14 : memref<!tpu.dma_semaphore, #tpu.memory_space<semaphore_mem>>)
    %dma_wait3A_201 = arith.constant 0 : i32
    %dma_wait3A_202 = arith.constant 0 : i32
    %dma_wait3A_203 = tpu.memref_slice %arg8[%dma_wait3A_201, %dma_wait3A_202] : memref<40x1024xf32, #tpu.memory_space<vmem>> -> memref<20x1000xf32, #tpu.memory_space<vmem>>
    %dma_wait3A_204 = arith.constant 0 : i32
    %dma_wait3A_205 = arith.constant 0 : i32
    %dma_wait3A_206 = tpu.memref_slice %arg4[%add3A_168, %dma_wait3A_204, %dma_wait3A_205] : memref<1024x20x1000xf32, #tpu.memory_space<hbm>> -> memref<1x20x1000xf32, #tpu.memory_space<hbm>>
    %dma_wait3A_207 = tpu.memref_squeeze %dma_wait3A_206 : memref<1x20x1000xf32, #tpu.memory_space<hbm>> -> memref<20x1000xf32, #tpu.memory_space<hbm>>
    %dma_wait3A_208 = arith.constant 0 : i32
    %dma_wait3A_209 = arith.constant 0 : i32
    %dma_wait3A_210 = tpu.memref_slice %arg4[%add3A_168, %dma_wait3A_208, %dma_wait3A_209] : memref<1024x20x1000xf32, #tpu.memory_space<hbm>> -> memref<1x20x1000xf32, #tpu.memory_space<hbm>>
    %dma_wait3A_211 = tpu.memref_squeeze %dma_wait3A_210 : memref<1x20x1000xf32, #tpu.memory_space<hbm>> -> memref<20x1000xf32, #tpu.memory_space<hbm>>
    %dma_wait3A_212 = arith.constant 0 : i32
    %dma_wait3A_213 = arith.constant 0 : i32
    %dma_wait3A_214 = tpu.memref_slice %arg8[%dma_wait3A_212, %dma_wait3A_213] : memref<40x1024xf32, #tpu.memory_space<vmem>> -> memref<20x1000xf32, #tpu.memory_space<vmem>>
    tpu.wait_dma2 semaphore(%arg14 : memref<!tpu.dma_semaphore, #tpu.memory_space<semaphore_mem>>) src(%dma_wait3A_214 : memref<20x1000xf32, #tpu.memory_space<vmem>>) dst(%dma_wait3A_211 : memref<20x1000xf32, #tpu.memory_space<hbm>>)
    %dma_wait3A_215 = arith.constant 20 : i32
    %dma_wait3A_216 = arith.constant 0 : i32
    %dma_wait3A_217 = tpu.memref_slice %arg8[%dma_wait3A_215, %dma_wait3A_216] : memref<40x1024xf32, #tpu.memory_space<vmem>> -> memref<20x1000xf32, #tpu.memory_space<vmem>>
    %dma_wait3A_218 = arith.constant 0 : i32
    %dma_wait3A_219 = arith.constant 0 : i32
    %dma_wait3A_220 = tpu.memref_slice %arg4[%add3A_172, %dma_wait3A_218, %dma_wait3A_219] : memref<1024x20x1000xf32, #tpu.memory_space<hbm>> -> memref<1x20x1000xf32, #tpu.memory_space<hbm>>
    %dma_wait3A_221 = tpu.memref_squeeze %dma_wait3A_220 : memref<1x20x1000xf32, #tpu.memory_space<hbm>> -> memref<20x1000xf32, #tpu.memory_space<hbm>>
    %dma_wait3A_222 = arith.constant 0 : i32
    %dma_wait3A_223 = arith.constant 0 : i32
    %dma_wait3A_224 = tpu.memref_slice %arg4[%add3A_172, %dma_wait3A_222, %dma_wait3A_223] : memref<1024x20x1000xf32, #tpu.memory_space<hbm>> -> memref<1x20x1000xf32, #tpu.memory_space<hbm>>
    %dma_wait3A_225 = tpu.memref_squeeze %dma_wait3A_224 : memref<1x20x1000xf32, #tpu.memory_space<hbm>> -> memref<20x1000xf32, #tpu.memory_space<hbm>>
    %dma_wait3A_226 = arith.constant 20 : i32
    %dma_wait3A_227 = arith.constant 0 : i32
    %dma_wait3A_228 = tpu.memref_slice %arg8[%dma_wait3A_226, %dma_wait3A_227] : memref<40x1024xf32, #tpu.memory_space<vmem>> -> memref<20x1000xf32, #tpu.memory_space<vmem>>
    tpu.wait_dma2 semaphore(%arg14 : memref<!tpu.dma_semaphore, #tpu.memory_space<semaphore_mem>>) src(%dma_wait3A_228 : memref<20x1000xf32, #tpu.memory_space<vmem>>) dst(%dma_wait3A_225 : memref<20x1000xf32, #tpu.memory_space<hbm>>)
    %dma_start3A_229 = arith.constant 200 : i32
    %dma_start3A_230 = tpu.memref_slice %arg5[%dma_start3A_229] : memref<640xi32, #tpu.memory_space<vmem>> -> memref<40xi32, #tpu.memory_space<vmem>>
    %dma_start3A_231 = arith.constant 0 : i32
    %dma_start3A_232 = arith.constant 0 : i32
    %dma_start3A_233 = tpu.memref_slice %arg2[%dma_start3A_231, %dma_start3A_232] : memref<1000x1024xf32, #tpu.memory_space<hbm>> -> memref<1000x1024xf32, #tpu.memory_space<hbm>>
    tpu.enqueue_indirect_dma source(%dma_start3A_233 : memref<1000x1024xf32, #tpu.memory_space<hbm>>) target(%arg8 : memref<40x1024xf32, #tpu.memory_space<vmem>>) offsets(%dma_start3A_230 : memref<40xi32, #tpu.memory_space<vmem>>) semaphore(%arg11 : memref<!tpu.dma_semaphore, #tpu.memory_space<semaphore_mem>>)
    %dma_wait3A_234 = arith.constant 120 : i32
    %dma_wait3A_235 = tpu.memref_slice %arg5[%dma_wait3A_234] : memref<640xi32, #tpu.memory_space<vmem>> -> memref<40xi32, #tpu.memory_space<vmem>>
    %dma_wait3A_236 = arith.constant 0 : i32
    %dma_wait3A_237 = arith.constant 0 : i32
    %dma_wait3A_238 = tpu.memref_slice %arg2[%dma_wait3A_236, %dma_wait3A_237] : memref<1000x1024xf32, #tpu.memory_space<hbm>> -> memref<1000x1024xf32, #tpu.memory_space<hbm>>
    tpu.wait_indirect_dma semaphore(%arg9 : memref<!tpu.dma_semaphore, #tpu.memory_space<semaphore_mem>>) src(%dma_wait3A_238 : memref<1000x1024xf32, #tpu.memory_space<hbm>>) dst(%arg6 : memref<40x1024xf32, #tpu.memory_space<vmem>>)
    %add3A_239 = arith.constant 6 : i32
    %add3A_240 = arith.addi %mul3A_2, %add3A_239 : i32
    %add3A_241 = arith.constant 6 : i32
    %add3A_242 = arith.addi %mul3A_2, %add3A_241 : i32
    %add3A_243 = arith.constant 1 : i32
    %add3A_244 = arith.addi %add3A_242, %add3A_243 : i32
    %dma_start3A_245 = arith.constant 0 : i32
    %dma_start3A_246 = arith.constant 0 : i32
    %dma_start3A_247 = tpu.memref_slice %arg6[%dma_start3A_245, %dma_start3A_246] : memref<40x1024xf32, #tpu.memory_space<vmem>> -> memref<20x1000xf32, #tpu.memory_space<vmem>>
    %dma_start3A_248 = arith.constant 0 : i32
    %dma_start3A_249 = arith.constant 0 : i32
    %dma_start3A_250 = tpu.memref_slice %arg4[%add3A_240, %dma_start3A_248, %dma_start3A_249] : memref<1024x20x1000xf32, #tpu.memory_space<hbm>> -> memref<1x20x1000xf32, #tpu.memory_space<hbm>>
    %dma_start3A_251 = tpu.memref_squeeze %dma_start3A_250 : memref<1x20x1000xf32, #tpu.memory_space<hbm>> -> memref<20x1000xf32, #tpu.memory_space<hbm>>
    %dma_start3A_252 = arith.constant 0 : i32
    %dma_start3A_253 = arith.constant 0 : i32
    %dma_start3A_254 = tpu.memref_slice %arg4[%add3A_240, %dma_start3A_252, %dma_start3A_253] : memref<1024x20x1000xf32, #tpu.memory_space<hbm>> -> memref<1x20x1000xf32, #tpu.memory_space<hbm>>
    %dma_start3A_255 = tpu.memref_squeeze %dma_start3A_254 : memref<1x20x1000xf32, #tpu.memory_space<hbm>> -> memref<20x1000xf32, #tpu.memory_space<hbm>>
    %dma_start3A_256 = arith.constant 0 : i32
    %dma_start3A_257 = arith.constant 0 : i32
    %dma_start3A_258 = tpu.memref_slice %arg6[%dma_start3A_256, %dma_start3A_257] : memref<40x1024xf32, #tpu.memory_space<vmem>> -> memref<20x1000xf32, #tpu.memory_space<vmem>>
    tpu.enqueue_dma source(%dma_start3A_258 : memref<20x1000xf32, #tpu.memory_space<vmem>>) target(%dma_start3A_255 : memref<20x1000xf32, #tpu.memory_space<hbm>>) target_semaphore(%arg12 : memref<!tpu.dma_semaphore, #tpu.memory_space<semaphore_mem>>)
    %dma_start3A_259 = arith.constant 20 : i32
    %dma_start3A_260 = arith.constant 0 : i32
    %dma_start3A_261 = tpu.memref_slice %arg6[%dma_start3A_259, %dma_start3A_260] : memref<40x1024xf32, #tpu.memory_space<vmem>> -> memref<20x1000xf32, #tpu.memory_space<vmem>>
    %dma_start3A_262 = arith.constant 0 : i32
    %dma_start3A_263 = arith.constant 0 : i32
    %dma_start3A_264 = tpu.memref_slice %arg4[%add3A_244, %dma_start3A_262, %dma_start3A_263] : memref<1024x20x1000xf32, #tpu.memory_space<hbm>> -> memref<1x20x1000xf32, #tpu.memory_space<hbm>>
    %dma_start3A_265 = tpu.memref_squeeze %dma_start3A_264 : memref<1x20x1000xf32, #tpu.memory_space<hbm>> -> memref<20x1000xf32, #tpu.memory_space<hbm>>
    %dma_start3A_266 = arith.constant 0 : i32
    %dma_start3A_267 = arith.constant 0 : i32
    %dma_start3A_268 = tpu.memref_slice %arg4[%add3A_244, %dma_start3A_266, %dma_start3A_267] : memref<1024x20x1000xf32, #tpu.memory_space<hbm>> -> memref<1x20x1000xf32, #tpu.memory_space<hbm>>
    %dma_start3A_269 = tpu.memref_squeeze %dma_start3A_268 : memref<1x20x1000xf32, #tpu.memory_space<hbm>> -> memref<20x1000xf32, #tpu.memory_space<hbm>>
    %dma_start3A_270 = arith.constant 20 : i32
    %dma_start3A_271 = arith.constant 0 : i32
    %dma_start3A_272 = tpu.memref_slice %arg6[%dma_start3A_270, %dma_start3A_271] : memref<40x1024xf32, #tpu.memory_space<vmem>> -> memref<20x1000xf32, #tpu.memory_space<vmem>>
    tpu.enqueue_dma source(%dma_start3A_272 : memref<20x1000xf32, #tpu.memory_space<vmem>>) target(%dma_start3A_269 : memref<20x1000xf32, #tpu.memory_space<hbm>>) target_semaphore(%arg12 : memref<!tpu.dma_semaphore, #tpu.memory_space<semaphore_mem>>)
    %dma_wait3A_273 = arith.constant 0 : i32
    %dma_wait3A_274 = arith.constant 0 : i32
    %dma_wait3A_275 = tpu.memref_slice %arg6[%dma_wait3A_273, %dma_wait3A_274] : memref<40x1024xf32, #tpu.memory_space<vmem>> -> memref<20x1000xf32, #tpu.memory_space<vmem>>
    %dma_wait3A_276 = arith.constant 0 : i32
    %dma_wait3A_277 = arith.constant 0 : i32
    %dma_wait3A_278 = tpu.memref_slice %arg4[%add3A_240, %dma_wait3A_276, %dma_wait3A_277] : memref<1024x20x1000xf32, #tpu.memory_space<hbm>> -> memref<1x20x1000xf32, #tpu.memory_space<hbm>>
    %dma_wait3A_279 = tpu.memref_squeeze %dma_wait3A_278 : memref<1x20x1000xf32, #tpu.memory_space<hbm>> -> memref<20x1000xf32, #tpu.memory_space<hbm>>
    %dma_wait3A_280 = arith.constant 0 : i32
    %dma_wait3A_281 = arith.constant 0 : i32
    %dma_wait3A_282 = tpu.memref_slice %arg4[%add3A_240, %dma_wait3A_280, %dma_wait3A_281] : memref<1024x20x1000xf32, #tpu.memory_space<hbm>> -> memref<1x20x1000xf32, #tpu.memory_space<hbm>>
    %dma_wait3A_283 = tpu.memref_squeeze %dma_wait3A_282 : memref<1x20x1000xf32, #tpu.memory_space<hbm>> -> memref<20x1000xf32, #tpu.memory_space<hbm>>
    %dma_wait3A_284 = arith.constant 0 : i32
    %dma_wait3A_285 = arith.constant 0 : i32
    %dma_wait3A_286 = tpu.memref_slice %arg6[%dma_wait3A_284, %dma_wait3A_285] : memref<40x1024xf32, #tpu.memory_space<vmem>> -> memref<20x1000xf32, #tpu.memory_space<vmem>>
    tpu.wait_dma2 semaphore(%arg12 : memref<!tpu.dma_semaphore, #tpu.memory_space<semaphore_mem>>) src(%dma_wait3A_286 : memref<20x1000xf32, #tpu.memory_space<vmem>>) dst(%dma_wait3A_283 : memref<20x1000xf32, #tpu.memory_space<hbm>>)
    %dma_wait3A_287 = arith.constant 20 : i32
    %dma_wait3A_288 = arith.constant 0 : i32
    %dma_wait3A_289 = tpu.memref_slice %arg6[%dma_wait3A_287, %dma_wait3A_288] : memref<40x1024xf32, #tpu.memory_space<vmem>> -> memref<20x1000xf32, #tpu.memory_space<vmem>>
    %dma_wait3A_290 = arith.constant 0 : i32
    %dma_wait3A_291 = arith.constant 0 : i32
    %dma_wait3A_292 = tpu.memref_slice %arg4[%add3A_244, %dma_wait3A_290, %dma_wait3A_291] : memref<1024x20x1000xf32, #tpu.memory_space<hbm>> -> memref<1x20x1000xf32, #tpu.memory_space<hbm>>
    %dma_wait3A_293 = tpu.memref_squeeze %dma_wait3A_292 : memref<1x20x1000xf32, #tpu.memory_space<hbm>> -> memref<20x1000xf32, #tpu.memory_space<hbm>>
    %dma_wait3A_294 = arith.constant 0 : i32
    %dma_wait3A_295 = arith.constant 0 : i32
    %dma_wait3A_296 = tpu.memref_slice %arg4[%add3A_244, %dma_wait3A_294, %dma_wait3A_295] : memref<1024x20x1000xf32, #tpu.memory_space<hbm>> -> memref<1x20x1000xf32, #tpu.memory_space<hbm>>
    %dma_wait3A_297 = tpu.memref_squeeze %dma_wait3A_296 : memref<1x20x1000xf32, #tpu.memory_space<hbm>> -> memref<20x1000xf32, #tpu.memory_space<hbm>>
    %dma_wait3A_298 = arith.constant 20 : i32
    %dma_wait3A_299 = arith.constant 0 : i32
    %dma_wait3A_300 = tpu.memref_slice %arg6[%dma_wait3A_298, %dma_wait3A_299] : memref<40x1024xf32, #tpu.memory_space<vmem>> -> memref<20x1000xf32, #tpu.memory_space<vmem>>
    tpu.wait_dma2 semaphore(%arg12 : memref<!tpu.dma_semaphore, #tpu.memory_space<semaphore_mem>>) src(%dma_wait3A_300 : memref<20x1000xf32, #tpu.memory_space<vmem>>) dst(%dma_wait3A_297 : memref<20x1000xf32, #tpu.memory_space<hbm>>)
    %dma_start3A_301 = arith.constant 240 : i32
    %dma_start3A_302 = tpu.memref_slice %arg5[%dma_start3A_301] : memref<640xi32, #tpu.memory_space<vmem>> -> memref<40xi32, #tpu.memory_space<vmem>>
    %dma_start3A_303 = arith.constant 0 : i32
    %dma_start3A_304 = arith.constant 0 : i32
    %dma_start3A_305 = tpu.memref_slice %arg2[%dma_start3A_303, %dma_start3A_304] : memref<1000x1024xf32, #tpu.memory_space<hbm>> -> memref<1000x1024xf32, #tpu.memory_space<hbm>>
    tpu.enqueue_indirect_dma source(%dma_start3A_305 : memref<1000x1024xf32, #tpu.memory_space<hbm>>) target(%arg6 : memref<40x1024xf32, #tpu.memory_space<vmem>>) offsets(%dma_start3A_302 : memref<40xi32, #tpu.memory_space<vmem>>) semaphore(%arg9 : memref<!tpu.dma_semaphore, #tpu.memory_space<semaphore_mem>>)
    %dma_wait3A_306 = arith.constant 160 : i32
    %dma_wait3A_307 = tpu.memref_slice %arg5[%dma_wait3A_306] : memref<640xi32, #tpu.memory_space<vmem>> -> memref<40xi32, #tpu.memory_space<vmem>>
    %dma_wait3A_308 = arith.constant 0 : i32
    %dma_wait3A_309 = arith.constant 0 : i32
    %dma_wait3A_310 = tpu.memref_slice %arg2[%dma_wait3A_308, %dma_wait3A_309] : memref<1000x1024xf32, #tpu.memory_space<hbm>> -> memref<1000x1024xf32, #tpu.memory_space<hbm>>
    tpu.wait_indirect_dma semaphore(%arg10 : memref<!tpu.dma_semaphore, #tpu.memory_space<semaphore_mem>>) src(%dma_wait3A_310 : memref<1000x1024xf32, #tpu.memory_space<hbm>>) dst(%arg7 : memref<40x1024xf32, #tpu.memory_space<vmem>>)
    %add3A_311 = arith.constant 8 : i32
    %add3A_312 = arith.addi %mul3A_2, %add3A_311 : i32
    %add3A_313 = arith.constant 8 : i32
    %add3A_314 = arith.addi %mul3A_2, %add3A_313 : i32
    %add3A_315 = arith.constant 1 : i32
    %add3A_316 = arith.addi %add3A_314, %add3A_315 : i32
    %dma_start3A_317 = arith.constant 0 : i32
    %dma_start3A_318 = arith.constant 0 : i32
    %dma_start3A_319 = tpu.memref_slice %arg7[%dma_start3A_317, %dma_start3A_318] : memref<40x1024xf32, #tpu.memory_space<vmem>> -> memref<20x1000xf32, #tpu.memory_space<vmem>>
    %dma_start3A_320 = arith.constant 0 : i32
    %dma_start3A_321 = arith.constant 0 : i32
    %dma_start3A_322 = tpu.memref_slice %arg4[%add3A_312, %dma_start3A_320, %dma_start3A_321] : memref<1024x20x1000xf32, #tpu.memory_space<hbm>> -> memref<1x20x1000xf32, #tpu.memory_space<hbm>>
    %dma_start3A_323 = tpu.memref_squeeze %dma_start3A_322 : memref<1x20x1000xf32, #tpu.memory_space<hbm>> -> memref<20x1000xf32, #tpu.memory_space<hbm>>
    %dma_start3A_324 = arith.constant 0 : i32
    %dma_start3A_325 = arith.constant 0 : i32
    %dma_start3A_326 = tpu.memref_slice %arg4[%add3A_312, %dma_start3A_324, %dma_start3A_325] : memref<1024x20x1000xf32, #tpu.memory_space<hbm>> -> memref<1x20x1000xf32, #tpu.memory_space<hbm>>
    %dma_start3A_327 = tpu.memref_squeeze %dma_start3A_326 : memref<1x20x1000xf32, #tpu.memory_space<hbm>> -> memref<20x1000xf32, #tpu.memory_space<hbm>>
    %dma_start3A_328 = arith.constant 0 : i32
    %dma_start3A_329 = arith.constant 0 : i32
    %dma_start3A_330 = tpu.memref_slice %arg7[%dma_start3A_328, %dma_start3A_329] : memref<40x1024xf32, #tpu.memory_space<vmem>> -> memref<20x1000xf32, #tpu.memory_space<vmem>>
    tpu.enqueue_dma source(%dma_start3A_330 : memref<20x1000xf32, #tpu.memory_space<vmem>>) target(%dma_start3A_327 : memref<20x1000xf32, #tpu.memory_space<hbm>>) target_semaphore(%arg13 : memref<!tpu.dma_semaphore, #tpu.memory_space<semaphore_mem>>)
    %dma_start3A_331 = arith.constant 20 : i32
    %dma_start3A_332 = arith.constant 0 : i32
    %dma_start3A_333 = tpu.memref_slice %arg7[%dma_start3A_331, %dma_start3A_332] : memref<40x1024xf32, #tpu.memory_space<vmem>> -> memref<20x1000xf32, #tpu.memory_space<vmem>>
    %dma_start3A_334 = arith.constant 0 : i32
    %dma_start3A_335 = arith.constant 0 : i32
    %dma_start3A_336 = tpu.memref_slice %arg4[%add3A_316, %dma_start3A_334, %dma_start3A_335] : memref<1024x20x1000xf32, #tpu.memory_space<hbm>> -> memref<1x20x1000xf32, #tpu.memory_space<hbm>>
    %dma_start3A_337 = tpu.memref_squeeze %dma_start3A_336 : memref<1x20x1000xf32, #tpu.memory_space<hbm>> -> memref<20x1000xf32, #tpu.memory_space<hbm>>
    %dma_start3A_338 = arith.constant 0 : i32
    %dma_start3A_339 = arith.constant 0 : i32
    %dma_start3A_340 = tpu.memref_slice %arg4[%add3A_316, %dma_start3A_338, %dma_start3A_339] : memref<1024x20x1000xf32, #tpu.memory_space<hbm>> -> memref<1x20x1000xf32, #tpu.memory_space<hbm>>
    %dma_start3A_341 = tpu.memref_squeeze %dma_start3A_340 : memref<1x20x1000xf32, #tpu.memory_space<hbm>> -> memref<20x1000xf32, #tpu.memory_space<hbm>>
    %dma_start3A_342 = arith.constant 20 : i32
    %dma_start3A_343 = arith.constant 0 : i32
    %dma_start3A_344 = tpu.memref_slice %arg7[%dma_start3A_342, %dma_start3A_343] : memref<40x1024xf32, #tpu.memory_space<vmem>> -> memref<20x1000xf32, #tpu.memory_space<vmem>>
    tpu.enqueue_dma source(%dma_start3A_344 : memref<20x1000xf32, #tpu.memory_space<vmem>>) target(%dma_start3A_341 : memref<20x1000xf32, #tpu.memory_space<hbm>>) target_semaphore(%arg13 : memref<!tpu.dma_semaphore, #tpu.memory_space<semaphore_mem>>)
    %dma_wait3A_345 = arith.constant 0 : i32
    %dma_wait3A_346 = arith.constant 0 : i32
    %dma_wait3A_347 = tpu.memref_slice %arg7[%dma_wait3A_345, %dma_wait3A_346] : memref<40x1024xf32, #tpu.memory_space<vmem>> -> memref<20x1000xf32, #tpu.memory_space<vmem>>
    %dma_wait3A_348 = arith.constant 0 : i32
    %dma_wait3A_349 = arith.constant 0 : i32
    %dma_wait3A_350 = tpu.memref_slice %arg4[%add3A_312, %dma_wait3A_348, %dma_wait3A_349] : memref<1024x20x1000xf32, #tpu.memory_space<hbm>> -> memref<1x20x1000xf32, #tpu.memory_space<hbm>>
    %dma_wait3A_351 = tpu.memref_squeeze %dma_wait3A_350 : memref<1x20x1000xf32, #tpu.memory_space<hbm>> -> memref<20x1000xf32, #tpu.memory_space<hbm>>
    %dma_wait3A_352 = arith.constant 0 : i32
    %dma_wait3A_353 = arith.constant 0 : i32
    %dma_wait3A_354 = tpu.memref_slice %arg4[%add3A_312, %dma_wait3A_352, %dma_wait3A_353] : memref<1024x20x1000xf32, #tpu.memory_space<hbm>> -> memref<1x20x1000xf32, #tpu.memory_space<hbm>>
    %dma_wait3A_355 = tpu.memref_squeeze %dma_wait3A_354 : memref<1x20x1000xf32, #tpu.memory_space<hbm>> -> memref<20x1000xf32, #tpu.memory_space<hbm>>
    %dma_wait3A_356 = arith.constant 0 : i32
    %dma_wait3A_357 = arith.constant 0 : i32
    %dma_wait3A_358 = tpu.memref_slice %arg7[%dma_wait3A_356, %dma_wait3A_357] : memref<40x1024xf32, #tpu.memory_space<vmem>> -> memref<20x1000xf32, #tpu.memory_space<vmem>>
    tpu.wait_dma2 semaphore(%arg13 : memref<!tpu.dma_semaphore, #tpu.memory_space<semaphore_mem>>) src(%dma_wait3A_358 : memref<20x1000xf32, #tpu.memory_space<vmem>>) dst(%dma_wait3A_355 : memref<20x1000xf32, #tpu.memory_space<hbm>>)
    %dma_wait3A_359 = arith.constant 20 : i32
    %dma_wait3A_360 = arith.constant 0 : i32
    %dma_wait3A_361 = tpu.memref_slice %arg7[%dma_wait3A_359, %dma_wait3A_360] : memref<40x1024xf32, #tpu.memory_space<vmem>> -> memref<20x1000xf32, #tpu.memory_space<vmem>>
    %dma_wait3A_362 = arith.constant 0 : i32
    %dma_wait3A_363 = arith.constant 0 : i32
    %dma_wait3A_364 = tpu.memref_slice %arg4[%add3A_316, %dma_wait3A_362, %dma_wait3A_363] : memref<1024x20x1000xf32, #tpu.memory_space<hbm>> -> memref<1x20x1000xf32, #tpu.memory_space<hbm>>
    %dma_wait3A_365 = tpu.memref_squeeze %dma_wait3A_364 : memref<1x20x1000xf32, #tpu.memory_space<hbm>> -> memref<20x1000xf32, #tpu.memory_space<hbm>>
    %dma_wait3A_366 = arith.constant 0 : i32
    %dma_wait3A_367 = arith.constant 0 : i32
    %dma_wait3A_368 = tpu.memref_slice %arg4[%add3A_316, %dma_wait3A_366, %dma_wait3A_367] : memref<1024x20x1000xf32, #tpu.memory_space<hbm>> -> memref<1x20x1000xf32, #tpu.memory_space<hbm>>
    %dma_wait3A_369 = tpu.memref_squeeze %dma_wait3A_368 : memref<1x20x1000xf32, #tpu.memory_space<hbm>> -> memref<20x1000xf32, #tpu.memory_space<hbm>>
    %dma_wait3A_370 = arith.constant 20 : i32
    %dma_wait3A_371 = arith.constant 0 : i32
    %dma_wait3A_372 = tpu.memref_slice %arg7[%dma_wait3A_370, %dma_wait3A_371] : memref<40x1024xf32, #tpu.memory_space<vmem>> -> memref<20x1000xf32, #tpu.memory_space<vmem>>
    tpu.wait_dma2 semaphore(%arg13 : memref<!tpu.dma_semaphore, #tpu.memory_space<semaphore_mem>>) src(%dma_wait3A_372 : memref<20x1000xf32, #tpu.memory_space<vmem>>) dst(%dma_wait3A_369 : memref<20x1000xf32, #tpu.memory_space<hbm>>)
    %dma_start3A_373 = arith.constant 280 : i32
    %dma_start3A_374 = tpu.memref_slice %arg5[%dma_start3A_373] : memref<640xi32, #tpu.memory_space<vmem>> -> memref<40xi32, #tpu.memory_space<vmem>>
    %dma_start3A_375 = arith.constant 0 : i32
    %dma_start3A_376 = arith.constant 0 : i32
    %dma_start3A_377 = tpu.memref_slice %arg2[%dma_start3A_375, %dma_start3A_376] : memref<1000x1024xf32, #tpu.memory_space<hbm>> -> memref<1000x1024xf32, #tpu.memory_space<hbm>>
    tpu.enqueue_indirect_dma source(%dma_start3A_377 : memref<1000x1024xf32, #tpu.memory_space<hbm>>) target(%arg7 : memref<40x1024xf32, #tpu.memory_space<vmem>>) offsets(%dma_start3A_374 : memref<40xi32, #tpu.memory_space<vmem>>) semaphore(%arg10 : memref<!tpu.dma_semaphore, #tpu.memory_space<semaphore_mem>>)
    %dma_wait3A_378 = arith.constant 200 : i32
    %dma_wait3A_379 = tpu.memref_slice %arg5[%dma_wait3A_378] : memref<640xi32, #tpu.memory_space<vmem>> -> memref<40xi32, #tpu.memory_space<vmem>>
    %dma_wait3A_380 = arith.constant 0 : i32
    %dma_wait3A_381 = arith.constant 0 : i32
    %dma_wait3A_382 = tpu.memref_slice %arg2[%dma_wait3A_380, %dma_wait3A_381] : memref<1000x1024xf32, #tpu.memory_space<hbm>> -> memref<1000x1024xf32, #tpu.memory_space<hbm>>
    tpu.wait_indirect_dma semaphore(%arg11 : memref<!tpu.dma_semaphore, #tpu.memory_space<semaphore_mem>>) src(%dma_wait3A_382 : memref<1000x1024xf32, #tpu.memory_space<hbm>>) dst(%arg8 : memref<40x1024xf32, #tpu.memory_space<vmem>>)
    %add3A_383 = arith.constant 10 : i32
    %add3A_384 = arith.addi %mul3A_2, %add3A_383 : i32
    %add3A_385 = arith.constant 10 : i32
    %add3A_386 = arith.addi %mul3A_2, %add3A_385 : i32
    %add3A_387 = arith.constant 1 : i32
    %add3A_388 = arith.addi %add3A_386, %add3A_387 : i32
    %dma_start3A_389 = arith.constant 0 : i32
    %dma_start3A_390 = arith.constant 0 : i32
    %dma_start3A_391 = tpu.memref_slice %arg8[%dma_start3A_389, %dma_start3A_390] : memref<40x1024xf32, #tpu.memory_space<vmem>> -> memref<20x1000xf32, #tpu.memory_space<vmem>>
    %dma_start3A_392 = arith.constant 0 : i32
    %dma_start3A_393 = arith.constant 0 : i32
    %dma_start3A_394 = tpu.memref_slice %arg4[%add3A_384, %dma_start3A_392, %dma_start3A_393] : memref<1024x20x1000xf32, #tpu.memory_space<hbm>> -> memref<1x20x1000xf32, #tpu.memory_space<hbm>>
    %dma_start3A_395 = tpu.memref_squeeze %dma_start3A_394 : memref<1x20x1000xf32, #tpu.memory_space<hbm>> -> memref<20x1000xf32, #tpu.memory_space<hbm>>
    %dma_start3A_396 = arith.constant 0 : i32
    %dma_start3A_397 = arith.constant 0 : i32
    %dma_start3A_398 = tpu.memref_slice %arg4[%add3A_384, %dma_start3A_396, %dma_start3A_397] : memref<1024x20x1000xf32, #tpu.memory_space<hbm>> -> memref<1x20x1000xf32, #tpu.memory_space<hbm>>
    %dma_start3A_399 = tpu.memref_squeeze %dma_start3A_398 : memref<1x20x1000xf32, #tpu.memory_space<hbm>> -> memref<20x1000xf32, #tpu.memory_space<hbm>>
    %dma_start3A_400 = arith.constant 0 : i32
    %dma_start3A_401 = arith.constant 0 : i32
    %dma_start3A_402 = tpu.memref_slice %arg8[%dma_start3A_400, %dma_start3A_401] : memref<40x1024xf32, #tpu.memory_space<vmem>> -> memref<20x1000xf32, #tpu.memory_space<vmem>>
    tpu.enqueue_dma source(%dma_start3A_402 : memref<20x1000xf32, #tpu.memory_space<vmem>>) target(%dma_start3A_399 : memref<20x1000xf32, #tpu.memory_space<hbm>>) target_semaphore(%arg14 : memref<!tpu.dma_semaphore, #tpu.memory_space<semaphore_mem>>)
    %dma_start3A_403 = arith.constant 20 : i32
    %dma_start3A_404 = arith.constant 0 : i32
    %dma_start3A_405 = tpu.memref_slice %arg8[%dma_start3A_403, %dma_start3A_404] : memref<40x1024xf32, #tpu.memory_space<vmem>> -> memref<20x1000xf32, #tpu.memory_space<vmem>>
    %dma_start3A_406 = arith.constant 0 : i32
    %dma_start3A_407 = arith.constant 0 : i32
    %dma_start3A_408 = tpu.memref_slice %arg4[%add3A_388, %dma_start3A_406, %dma_start3A_407] : memref<1024x20x1000xf32, #tpu.memory_space<hbm>> -> memref<1x20x1000xf32, #tpu.memory_space<hbm>>
    %dma_start3A_409 = tpu.memref_squeeze %dma_start3A_408 : memref<1x20x1000xf32, #tpu.memory_space<hbm>> -> memref<20x1000xf32, #tpu.memory_space<hbm>>
    %dma_start3A_410 = arith.constant 0 : i32
    %dma_start3A_411 = arith.constant 0 : i32
    %dma_start3A_412 = tpu.memref_slice %arg4[%add3A_388, %dma_start3A_410, %dma_start3A_411] : memref<1024x20x1000xf32, #tpu.memory_space<hbm>> -> memref<1x20x1000xf32, #tpu.memory_space<hbm>>
    %dma_start3A_413 = tpu.memref_squeeze %dma_start3A_412 : memref<1x20x1000xf32, #tpu.memory_space<hbm>> -> memref<20x1000xf32, #tpu.memory_space<hbm>>
    %dma_start3A_414 = arith.constant 20 : i32
    %dma_start3A_415 = arith.constant 0 : i32
    %dma_start3A_416 = tpu.memref_slice %arg8[%dma_start3A_414, %dma_start3A_415] : memref<40x1024xf32, #tpu.memory_space<vmem>> -> memref<20x1000xf32, #tpu.memory_space<vmem>>
    tpu.enqueue_dma source(%dma_start3A_416 : memref<20x1000xf32, #tpu.memory_space<vmem>>) target(%dma_start3A_413 : memref<20x1000xf32, #tpu.memory_space<hbm>>) target_semaphore(%arg14 : memref<!tpu.dma_semaphore, #tpu.memory_space<semaphore_mem>>)
    %dma_wait3A_417 = arith.constant 0 : i32
    %dma_wait3A_418 = arith.constant 0 : i32
    %dma_wait3A_419 = tpu.memref_slice %arg8[%dma_wait3A_417, %dma_wait3A_418] : memref<40x1024xf32, #tpu.memory_space<vmem>> -> memref<20x1000xf32, #tpu.memory_space<vmem>>
    %dma_wait3A_420 = arith.constant 0 : i32
    %dma_wait3A_421 = arith.constant 0 : i32
    %dma_wait3A_422 = tpu.memref_slice %arg4[%add3A_384, %dma_wait3A_420, %dma_wait3A_421] : memref<1024x20x1000xf32, #tpu.memory_space<hbm>> -> memref<1x20x1000xf32, #tpu.memory_space<hbm>>
    %dma_wait3A_423 = tpu.memref_squeeze %dma_wait3A_422 : memref<1x20x1000xf32, #tpu.memory_space<hbm>> -> memref<20x1000xf32, #tpu.memory_space<hbm>>
    %dma_wait3A_424 = arith.constant 0 : i32
    %dma_wait3A_425 = arith.constant 0 : i32
    %dma_wait3A_426 = tpu.memref_slice %arg4[%add3A_384, %dma_wait3A_424, %dma_wait3A_425] : memref<1024x20x1000xf32, #tpu.memory_space<hbm>> -> memref<1x20x1000xf32, #tpu.memory_space<hbm>>
    %dma_wait3A_427 = tpu.memref_squeeze %dma_wait3A_426 : memref<1x20x1000xf32, #tpu.memory_space<hbm>> -> memref<20x1000xf32, #tpu.memory_space<hbm>>
    %dma_wait3A_428 = arith.constant 0 : i32
    %dma_wait3A_429 = arith.constant 0 : i32
    %dma_wait3A_430 = tpu.memref_slice %arg8[%dma_wait3A_428, %dma_wait3A_429] : memref<40x1024xf32, #tpu.memory_space<vmem>> -> memref<20x1000xf32, #tpu.memory_space<vmem>>
    tpu.wait_dma2 semaphore(%arg14 : memref<!tpu.dma_semaphore, #tpu.memory_space<semaphore_mem>>) src(%dma_wait3A_430 : memref<20x1000xf32, #tpu.memory_space<vmem>>) dst(%dma_wait3A_427 : memref<20x1000xf32, #tpu.memory_space<hbm>>)
    %dma_wait3A_431 = arith.constant 20 : i32
    %dma_wait3A_432 = arith.constant 0 : i32
    %dma_wait3A_433 = tpu.memref_slice %arg8[%dma_wait3A_431, %dma_wait3A_432] : memref<40x1024xf32, #tpu.memory_space<vmem>> -> memref<20x1000xf32, #tpu.memory_space<vmem>>
    %dma_wait3A_434 = arith.constant 0 : i32
    %dma_wait3A_435 = arith.constant 0 : i32
    %dma_wait3A_436 = tpu.memref_slice %arg4[%add3A_388, %dma_wait3A_434, %dma_wait3A_435] : memref<1024x20x1000xf32, #tpu.memory_space<hbm>> -> memref<1x20x1000xf32, #tpu.memory_space<hbm>>
    %dma_wait3A_437 = tpu.memref_squeeze %dma_wait3A_436 : memref<1x20x1000xf32, #tpu.memory_space<hbm>> -> memref<20x1000xf32, #tpu.memory_space<hbm>>
    %dma_wait3A_438 = arith.constant 0 : i32
    %dma_wait3A_439 = arith.constant 0 : i32
    %dma_wait3A_440 = tpu.memref_slice %arg4[%add3A_388, %dma_wait3A_438, %dma_wait3A_439] : memref<1024x20x1000xf32, #tpu.memory_space<hbm>> -> memref<1x20x1000xf32, #tpu.memory_space<hbm>>
    %dma_wait3A_441 = tpu.memref_squeeze %dma_wait3A_440 : memref<1x20x1000xf32, #tpu.memory_space<hbm>> -> memref<20x1000xf32, #tpu.memory_space<hbm>>
    %dma_wait3A_442 = arith.constant 20 : i32
    %dma_wait3A_443 = arith.constant 0 : i32
    %dma_wait3A_444 = tpu.memref_slice %arg8[%dma_wait3A_442, %dma_wait3A_443] : memref<40x1024xf32, #tpu.memory_space<vmem>> -> memref<20x1000xf32, #tpu.memory_space<vmem>>
    tpu.wait_dma2 semaphore(%arg14 : memref<!tpu.dma_semaphore, #tpu.memory_space<semaphore_mem>>) src(%dma_wait3A_444 : memref<20x1000xf32, #tpu.memory_space<vmem>>) dst(%dma_wait3A_441 : memref<20x1000xf32, #tpu.memory_space<hbm>>)
    %dma_start3A_445 = arith.constant 320 : i32
    %dma_start3A_446 = tpu.memref_slice %arg5[%dma_start3A_445] : memref<640xi32, #tpu.memory_space<vmem>> -> memref<40xi32, #tpu.memory_space<vmem>>
    %dma_start3A_447 = arith.constant 0 : i32
    %dma_start3A_448 = arith.constant 0 : i32
    %dma_start3A_449 = tpu.memref_slice %arg2[%dma_start3A_447, %dma_start3A_448] : memref<1000x1024xf32, #tpu.memory_space<hbm>> -> memref<1000x1024xf32, #tpu.memory_space<hbm>>
    tpu.enqueue_indirect_dma source(%dma_start3A_449 : memref<1000x1024xf32, #tpu.memory_space<hbm>>) target(%arg8 : memref<40x1024xf32, #tpu.memory_space<vmem>>) offsets(%dma_start3A_446 : memref<40xi32, #tpu.memory_space<vmem>>) semaphore(%arg11 : memref<!tpu.dma_semaphore, #tpu.memory_space<semaphore_mem>>)
    %dma_wait3A_450 = arith.constant 240 : i32
    %dma_wait3A_451 = tpu.memref_slice %arg5[%dma_wait3A_450] : memref<640xi32, #tpu.memory_space<vmem>> -> memref<40xi32, #tpu.memory_space<vmem>>
    %dma_wait3A_452 = arith.constant 0 : i32
    %dma_wait3A_453 = arith.constant 0 : i32
    %dma_wait3A_454 = tpu.memref_slice %arg2[%dma_wait3A_452, %dma_wait3A_453] : memref<1000x1024xf32, #tpu.memory_space<hbm>> -> memref<1000x1024xf32, #tpu.memory_space<hbm>>
    tpu.wait_indirect_dma semaphore(%arg9 : memref<!tpu.dma_semaphore, #tpu.memory_space<semaphore_mem>>) src(%dma_wait3A_454 : memref<1000x1024xf32, #tpu.memory_space<hbm>>) dst(%arg6 : memref<40x1024xf32, #tpu.memory_space<vmem>>)
    %add3A_455 = arith.constant 12 : i32
    %add3A_456 = arith.addi %mul3A_2, %add3A_455 : i32
    %add3A_457 = arith.constant 12 : i32
    %add3A_458 = arith.addi %mul3A_2, %add3A_457 : i32
    %add3A_459 = arith.constant 1 : i32
    %add3A_460 = arith.addi %add3A_458, %add3A_459 : i32
    %dma_start3A_461 = arith.constant 0 : i32
    %dma_start3A_462 = arith.constant 0 : i32
    %dma_start3A_463 = tpu.memref_slice %arg6[%dma_start3A_461, %dma_start3A_462] : memref<40x1024xf32, #tpu.memory_space<vmem>> -> memref<20x1000xf32, #tpu.memory_space<vmem>>
    %dma_start3A_464 = arith.constant 0 : i32
    %dma_start3A_465 = arith.constant 0 : i32
    %dma_start3A_466 = tpu.memref_slice %arg4[%add3A_456, %dma_start3A_464, %dma_start3A_465] : memref<1024x20x1000xf32, #tpu.memory_space<hbm>> -> memref<1x20x1000xf32, #tpu.memory_space<hbm>>
    %dma_start3A_467 = tpu.memref_squeeze %dma_start3A_466 : memref<1x20x1000xf32, #tpu.memory_space<hbm>> -> memref<20x1000xf32, #tpu.memory_space<hbm>>
    %dma_start3A_468 = arith.constant 0 : i32
    %dma_start3A_469 = arith.constant 0 : i32
    %dma_start3A_470 = tpu.memref_slice %arg4[%add3A_456, %dma_start3A_468, %dma_start3A_469] : memref<1024x20x1000xf32, #tpu.memory_space<hbm>> -> memref<1x20x1000xf32, #tpu.memory_space<hbm>>
    %dma_start3A_471 = tpu.memref_squeeze %dma_start3A_470 : memref<1x20x1000xf32, #tpu.memory_space<hbm>> -> memref<20x1000xf32, #tpu.memory_space<hbm>>
    %dma_start3A_472 = arith.constant 0 : i32
    %dma_start3A_473 = arith.constant 0 : i32
    %dma_start3A_474 = tpu.memref_slice %arg6[%dma_start3A_472, %dma_start3A_473] : memref<40x1024xf32, #tpu.memory_space<vmem>> -> memref<20x1000xf32, #tpu.memory_space<vmem>>
    tpu.enqueue_dma source(%dma_start3A_474 : memref<20x1000xf32, #tpu.memory_space<vmem>>) target(%dma_start3A_471 : memref<20x1000xf32, #tpu.memory_space<hbm>>) target_semaphore(%arg12 : memref<!tpu.dma_semaphore, #tpu.memory_space<semaphore_mem>>)
    %dma_start3A_475 = arith.constant 20 : i32
    %dma_start3A_476 = arith.constant 0 : i32
    %dma_start3A_477 = tpu.memref_slice %arg6[%dma_start3A_475, %dma_start3A_476] : memref<40x1024xf32, #tpu.memory_space<vmem>> -> memref<20x1000xf32, #tpu.memory_space<vmem>>
    %dma_start3A_478 = arith.constant 0 : i32
    %dma_start3A_479 = arith.constant 0 : i32
    %dma_start3A_480 = tpu.memref_slice %arg4[%add3A_460, %dma_start3A_478, %dma_start3A_479] : memref<1024x20x1000xf32, #tpu.memory_space<hbm>> -> memref<1x20x1000xf32, #tpu.memory_space<hbm>>
    %dma_start3A_481 = tpu.memref_squeeze %dma_start3A_480 : memref<1x20x1000xf32, #tpu.memory_space<hbm>> -> memref<20x1000xf32, #tpu.memory_space<hbm>>
    %dma_start3A_482 = arith.constant 0 : i32
    %dma_start3A_483 = arith.constant 0 : i32
    %dma_start3A_484 = tpu.memref_slice %arg4[%add3A_460, %dma_start3A_482, %dma_start3A_483] : memref<1024x20x1000xf32, #tpu.memory_space<hbm>> -> memref<1x20x1000xf32, #tpu.memory_space<hbm>>
    %dma_start3A_485 = tpu.memref_squeeze %dma_start3A_484 : memref<1x20x1000xf32, #tpu.memory_space<hbm>> -> memref<20x1000xf32, #tpu.memory_space<hbm>>
    %dma_start3A_486 = arith.constant 20 : i32
    %dma_start3A_487 = arith.constant 0 : i32
    %dma_start3A_488 = tpu.memref_slice %arg6[%dma_start3A_486, %dma_start3A_487] : memref<40x1024xf32, #tpu.memory_space<vmem>> -> memref<20x1000xf32, #tpu.memory_space<vmem>>
    tpu.enqueue_dma source(%dma_start3A_488 : memref<20x1000xf32, #tpu.memory_space<vmem>>) target(%dma_start3A_485 : memref<20x1000xf32, #tpu.memory_space<hbm>>) target_semaphore(%arg12 : memref<!tpu.dma_semaphore, #tpu.memory_space<semaphore_mem>>)
    %dma_wait3A_489 = arith.constant 0 : i32
    %dma_wait3A_490 = arith.constant 0 : i32
    %dma_wait3A_491 = tpu.memref_slice %arg6[%dma_wait3A_489, %dma_wait3A_490] : memref<40x1024xf32, #tpu.memory_space<vmem>> -> memref<20x1000xf32, #tpu.memory_space<vmem>>
    %dma_wait3A_492 = arith.constant 0 : i32
    %dma_wait3A_493 = arith.constant 0 : i32
    %dma_wait3A_494 = tpu.memref_slice %arg4[%add3A_456, %dma_wait3A_492, %dma_wait3A_493] : memref<1024x20x1000xf32, #tpu.memory_space<hbm>> -> memref<1x20x1000xf32, #tpu.memory_space<hbm>>
    %dma_wait3A_495 = tpu.memref_squeeze %dma_wait3A_494 : memref<1x20x1000xf32, #tpu.memory_space<hbm>> -> memref<20x1000xf32, #tpu.memory_space<hbm>>
    %dma_wait3A_496 = arith.constant 0 : i32
    %dma_wait3A_497 = arith.constant 0 : i32
    %dma_wait3A_498 = tpu.memref_slice %arg4[%add3A_456, %dma_wait3A_496, %dma_wait3A_497] : memref<1024x20x1000xf32, #tpu.memory_space<hbm>> -> memref<1x20x1000xf32, #tpu.memory_space<hbm>>
    %dma_wait3A_499 = tpu.memref_squeeze %dma_wait3A_498 : memref<1x20x1000xf32, #tpu.memory_space<hbm>> -> memref<20x1000xf32, #tpu.memory_space<hbm>>
    %dma_wait3A_500 = arith.constant 0 : i32
    %dma_wait3A_501 = arith.constant 0 : i32
    %dma_wait3A_502 = tpu.memref_slice %arg6[%dma_wait3A_500, %dma_wait3A_501] : memref<40x1024xf32, #tpu.memory_space<vmem>> -> memref<20x1000xf32, #tpu.memory_space<vmem>>
    tpu.wait_dma2 semaphore(%arg12 : memref<!tpu.dma_semaphore, #tpu.memory_space<semaphore_mem>>) src(%dma_wait3A_502 : memref<20x1000xf32, #tpu.memory_space<vmem>>) dst(%dma_wait3A_499 : memref<20x1000xf32, #tpu.memory_space<hbm>>)
    %dma_wait3A_503 = arith.constant 20 : i32
    %dma_wait3A_504 = arith.constant 0 : i32
    %dma_wait3A_505 = tpu.memref_slice %arg6[%dma_wait3A_503, %dma_wait3A_504] : memref<40x1024xf32, #tpu.memory_space<vmem>> -> memref<20x1000xf32, #tpu.memory_space<vmem>>
    %dma_wait3A_506 = arith.constant 0 : i32
    %dma_wait3A_507 = arith.constant 0 : i32
    %dma_wait3A_508 = tpu.memref_slice %arg4[%add3A_460, %dma_wait3A_506, %dma_wait3A_507] : memref<1024x20x1000xf32, #tpu.memory_space<hbm>> -> memref<1x20x1000xf32, #tpu.memory_space<hbm>>
    %dma_wait3A_509 = tpu.memref_squeeze %dma_wait3A_508 : memref<1x20x1000xf32, #tpu.memory_space<hbm>> -> memref<20x1000xf32, #tpu.memory_space<hbm>>
    %dma_wait3A_510 = arith.constant 0 : i32
    %dma_wait3A_511 = arith.constant 0 : i32
    %dma_wait3A_512 = tpu.memref_slice %arg4[%add3A_460, %dma_wait3A_510, %dma_wait3A_511] : memref<1024x20x1000xf32, #tpu.memory_space<hbm>> -> memref<1x20x1000xf32, #tpu.memory_space<hbm>>
    %dma_wait3A_513 = tpu.memref_squeeze %dma_wait3A_512 : memref<1x20x1000xf32, #tpu.memory_space<hbm>> -> memref<20x1000xf32, #tpu.memory_space<hbm>>
    %dma_wait3A_514 = arith.constant 20 : i32
    %dma_wait3A_515 = arith.constant 0 : i32
    %dma_wait3A_516 = tpu.memref_slice %arg6[%dma_wait3A_514, %dma_wait3A_515] : memref<40x1024xf32, #tpu.memory_space<vmem>> -> memref<20x1000xf32, #tpu.memory_space<vmem>>
    tpu.wait_dma2 semaphore(%arg12 : memref<!tpu.dma_semaphore, #tpu.memory_space<semaphore_mem>>) src(%dma_wait3A_516 : memref<20x1000xf32, #tpu.memory_space<vmem>>) dst(%dma_wait3A_513 : memref<20x1000xf32, #tpu.memory_space<hbm>>)
    %dma_start3A_517 = arith.constant 360 : i32
    %dma_start3A_518 = tpu.memref_slice %arg5[%dma_start3A_517] : memref<640xi32, #tpu.memory_space<vmem>> -> memref<40xi32, #tpu.memory_space<vmem>>
    %dma_start3A_519 = arith.constant 0 : i32
    %dma_start3A_520 = arith.constant 0 : i32
    %dma_start3A_521 = tpu.memref_slice %arg2[%dma_start3A_519, %dma_start3A_520] : memref<1000x1024xf32, #tpu.memory_space<hbm>> -> memref<1000x1024xf32, #tpu.memory_space<hbm>>
    tpu.enqueue_indirect_dma source(%dma_start3A_521 : memref<1000x1024xf32, #tpu.memory_space<hbm>>) target(%arg6 : memref<40x1024xf32, #tpu.memory_space<vmem>>) offsets(%dma_start3A_518 : memref<40xi32, #tpu.memory_space<vmem>>) semaphore(%arg9 : memref<!tpu.dma_semaphore, #tpu.memory_space<semaphore_mem>>)
    %dma_wait3A_522 = arith.constant 280 : i32
    %dma_wait3A_523 = tpu.memref_slice %arg5[%dma_wait3A_522] : memref<640xi32, #tpu.memory_space<vmem>> -> memref<40xi32, #tpu.memory_space<vmem>>
    %dma_wait3A_524 = arith.constant 0 : i32
    %dma_wait3A_525 = arith.constant 0 : i32
    %dma_wait3A_526 = tpu.memref_slice %arg2[%dma_wait3A_524, %dma_wait3A_525] : memref<1000x1024xf32, #tpu.memory_space<hbm>> -> memref<1000x1024xf32, #tpu.memory_space<hbm>>
    tpu.wait_indirect_dma semaphore(%arg10 : memref<!tpu.dma_semaphore, #tpu.memory_space<semaphore_mem>>) src(%dma_wait3A_526 : memref<1000x1024xf32, #tpu.memory_space<hbm>>) dst(%arg7 : memref<40x1024xf32, #tpu.memory_space<vmem>>)
    %add3A_527 = arith.constant 14 : i32
    %add3A_528 = arith.addi %mul3A_2, %add3A_527 : i32
    %add3A_529 = arith.constant 14 : i32
    %add3A_530 = arith.addi %mul3A_2, %add3A_529 : i32
    %add3A_531 = arith.constant 1 : i32
    %add3A_532 = arith.addi %add3A_530, %add3A_531 : i32
    %dma_start3A_533 = arith.constant 0 : i32
    %dma_start3A_534 = arith.constant 0 : i32
    %dma_start3A_535 = tpu.memref_slice %arg7[%dma_start3A_533, %dma_start3A_534] : memref<40x1024xf32, #tpu.memory_space<vmem>> -> memref<20x1000xf32, #tpu.memory_space<vmem>>
    %dma_start3A_536 = arith.constant 0 : i32
    %dma_start3A_537 = arith.constant 0 : i32
    %dma_start3A_538 = tpu.memref_slice %arg4[%add3A_528, %dma_start3A_536, %dma_start3A_537] : memref<1024x20x1000xf32, #tpu.memory_space<hbm>> -> memref<1x20x1000xf32, #tpu.memory_space<hbm>>
    %dma_start3A_539 = tpu.memref_squeeze %dma_start3A_538 : memref<1x20x1000xf32, #tpu.memory_space<hbm>> -> memref<20x1000xf32, #tpu.memory_space<hbm>>
    %dma_start3A_540 = arith.constant 0 : i32
    %dma_start3A_541 = arith.constant 0 : i32
    %dma_start3A_542 = tpu.memref_slice %arg4[%add3A_528, %dma_start3A_540, %dma_start3A_541] : memref<1024x20x1000xf32, #tpu.memory_space<hbm>> -> memref<1x20x1000xf32, #tpu.memory_space<hbm>>
    %dma_start3A_543 = tpu.memref_squeeze %dma_start3A_542 : memref<1x20x1000xf32, #tpu.memory_space<hbm>> -> memref<20x1000xf32, #tpu.memory_space<hbm>>
    %dma_start3A_544 = arith.constant 0 : i32
    %dma_start3A_545 = arith.constant 0 : i32
    %dma_start3A_546 = tpu.memref_slice %arg7[%dma_start3A_544, %dma_start3A_545] : memref<40x1024xf32, #tpu.memory_space<vmem>> -> memref<20x1000xf32, #tpu.memory_space<vmem>>
    tpu.enqueue_dma source(%dma_start3A_546 : memref<20x1000xf32, #tpu.memory_space<vmem>>) target(%dma_start3A_543 : memref<20x1000xf32, #tpu.memory_space<hbm>>) target_semaphore(%arg13 : memref<!tpu.dma_semaphore, #tpu.memory_space<semaphore_mem>>)
    %dma_start3A_547 = arith.constant 20 : i32
    %dma_start3A_548 = arith.constant 0 : i32
    %dma_start3A_549 = tpu.memref_slice %arg7[%dma_start3A_547, %dma_start3A_548] : memref<40x1024xf32, #tpu.memory_space<vmem>> -> memref<20x1000xf32, #tpu.memory_space<vmem>>
    %dma_start3A_550 = arith.constant 0 : i32
    %dma_start3A_551 = arith.constant 0 : i32
    %dma_start3A_552 = tpu.memref_slice %arg4[%add3A_532, %dma_start3A_550, %dma_start3A_551] : memref<1024x20x1000xf32, #tpu.memory_space<hbm>> -> memref<1x20x1000xf32, #tpu.memory_space<hbm>>
    %dma_start3A_553 = tpu.memref_squeeze %dma_start3A_552 : memref<1x20x1000xf32, #tpu.memory_space<hbm>> -> memref<20x1000xf32, #tpu.memory_space<hbm>>
    %dma_start3A_554 = arith.constant 0 : i32
    %dma_start3A_555 = arith.constant 0 : i32
    %dma_start3A_556 = tpu.memref_slice %arg4[%add3A_532, %dma_start3A_554, %dma_start3A_555] : memref<1024x20x1000xf32, #tpu.memory_space<hbm>> -> memref<1x20x1000xf32, #tpu.memory_space<hbm>>
    %dma_start3A_557 = tpu.memref_squeeze %dma_start3A_556 : memref<1x20x1000xf32, #tpu.memory_space<hbm>> -> memref<20x1000xf32, #tpu.memory_space<hbm>>
    %dma_start3A_558 = arith.constant 20 : i32
    %dma_start3A_559 = arith.constant 0 : i32
    %dma_start3A_560 = tpu.memref_slice %arg7[%dma_start3A_558, %dma_start3A_559] : memref<40x1024xf32, #tpu.memory_space<vmem>> -> memref<20x1000xf32, #tpu.memory_space<vmem>>
    tpu.enqueue_dma source(%dma_start3A_560 : memref<20x1000xf32, #tpu.memory_space<vmem>>) target(%dma_start3A_557 : memref<20x1000xf32, #tpu.memory_space<hbm>>) target_semaphore(%arg13 : memref<!tpu.dma_semaphore, #tpu.memory_space<semaphore_mem>>)
    %dma_wait3A_561 = arith.constant 0 : i32
    %dma_wait3A_562 = arith.constant 0 : i32
    %dma_wait3A_563 = tpu.memref_slice %arg7[%dma_wait3A_561, %dma_wait3A_562] : memref<40x1024xf32, #tpu.memory_space<vmem>> -> memref<20x1000xf32, #tpu.memory_space<vmem>>
    %dma_wait3A_564 = arith.constant 0 : i32
    %dma_wait3A_565 = arith.constant 0 : i32
    %dma_wait3A_566 = tpu.memref_slice %arg4[%add3A_528, %dma_wait3A_564, %dma_wait3A_565] : memref<1024x20x1000xf32, #tpu.memory_space<hbm>> -> memref<1x20x1000xf32, #tpu.memory_space<hbm>>
    %dma_wait3A_567 = tpu.memref_squeeze %dma_wait3A_566 : memref<1x20x1000xf32, #tpu.memory_space<hbm>> -> memref<20x1000xf32, #tpu.memory_space<hbm>>
    %dma_wait3A_568 = arith.constant 0 : i32
    %dma_wait3A_569 = arith.constant 0 : i32
    %dma_wait3A_570 = tpu.memref_slice %arg4[%add3A_528, %dma_wait3A_568, %dma_wait3A_569] : memref<1024x20x1000xf32, #tpu.memory_space<hbm>> -> memref<1x20x1000xf32, #tpu.memory_space<hbm>>
    %dma_wait3A_571 = tpu.memref_squeeze %dma_wait3A_570 : memref<1x20x1000xf32, #tpu.memory_space<hbm>> -> memref<20x1000xf32, #tpu.memory_space<hbm>>
    %dma_wait3A_572 = arith.constant 0 : i32
    %dma_wait3A_573 = arith.constant 0 : i32
    %dma_wait3A_574 = tpu.memref_slice %arg7[%dma_wait3A_572, %dma_wait3A_573] : memref<40x1024xf32, #tpu.memory_space<vmem>> -> memref<20x1000xf32, #tpu.memory_space<vmem>>
    tpu.wait_dma2 semaphore(%arg13 : memref<!tpu.dma_semaphore, #tpu.memory_space<semaphore_mem>>) src(%dma_wait3A_574 : memref<20x1000xf32, #tpu.memory_space<vmem>>) dst(%dma_wait3A_571 : memref<20x1000xf32, #tpu.memory_space<hbm>>)
    %dma_wait3A_575 = arith.constant 20 : i32
    %dma_wait3A_576 = arith.constant 0 : i32
    %dma_wait3A_577 = tpu.memref_slice %arg7[%dma_wait3A_575, %dma_wait3A_576] : memref<40x1024xf32, #tpu.memory_space<vmem>> -> memref<20x1000xf32, #tpu.memory_space<vmem>>
    %dma_wait3A_578 = arith.constant 0 : i32
    %dma_wait3A_579 = arith.constant 0 : i32
    %dma_wait3A_580 = tpu.memref_slice %arg4[%add3A_532, %dma_wait3A_578, %dma_wait3A_579] : memref<1024x20x1000xf32, #tpu.memory_space<hbm>> -> memref<1x20x1000xf32, #tpu.memory_space<hbm>>
    %dma_wait3A_581 = tpu.memref_squeeze %dma_wait3A_580 : memref<1x20x1000xf32, #tpu.memory_space<hbm>> -> memref<20x1000xf32, #tpu.memory_space<hbm>>
    %dma_wait3A_582 = arith.constant 0 : i32
    %dma_wait3A_583 = arith.constant 0 : i32
    %dma_wait3A_584 = tpu.memref_slice %arg4[%add3A_532, %dma_wait3A_582, %dma_wait3A_583] : memref<1024x20x1000xf32, #tpu.memory_space<hbm>> -> memref<1x20x1000xf32, #tpu.memory_space<hbm>>
    %dma_wait3A_585 = tpu.memref_squeeze %dma_wait3A_584 : memref<1x20x1000xf32, #tpu.memory_space<hbm>> -> memref<20x1000xf32, #tpu.memory_space<hbm>>
    %dma_wait3A_586 = arith.constant 20 : i32
    %dma_wait3A_587 = arith.constant 0 : i32
    %dma_wait3A_588 = tpu.memref_slice %arg7[%dma_wait3A_586, %dma_wait3A_587] : memref<40x1024xf32, #tpu.memory_space<vmem>> -> memref<20x1000xf32, #tpu.memory_space<vmem>>
    tpu.wait_dma2 semaphore(%arg13 : memref<!tpu.dma_semaphore, #tpu.memory_space<semaphore_mem>>) src(%dma_wait3A_588 : memref<20x1000xf32, #tpu.memory_space<vmem>>) dst(%dma_wait3A_585 : memref<20x1000xf32, #tpu.memory_space<hbm>>)
    %dma_start3A_589 = arith.constant 400 : i32
    %dma_start3A_590 = tpu.memref_slice %arg5[%dma_start3A_589] : memref<640xi32, #tpu.memory_space<vmem>> -> memref<40xi32, #tpu.memory_space<vmem>>
    %dma_start3A_591 = arith.constant 0 : i32
    %dma_start3A_592 = arith.constant 0 : i32
    %dma_start3A_593 = tpu.memref_slice %arg2[%dma_start3A_591, %dma_start3A_592] : memref<1000x1024xf32, #tpu.memory_space<hbm>> -> memref<1000x1024xf32, #tpu.memory_space<hbm>>
    tpu.enqueue_indirect_dma source(%dma_start3A_593 : memref<1000x1024xf32, #tpu.memory_space<hbm>>) target(%arg7 : memref<40x1024xf32, #tpu.memory_space<vmem>>) offsets(%dma_start3A_590 : memref<40xi32, #tpu.memory_space<vmem>>) semaphore(%arg10 : memref<!tpu.dma_semaphore, #tpu.memory_space<semaphore_mem>>)
    %dma_wait3A_594 = arith.constant 320 : i32
    %dma_wait3A_595 = tpu.memref_slice %arg5[%dma_wait3A_594] : memref<640xi32, #tpu.memory_space<vmem>> -> memref<40xi32, #tpu.memory_space<vmem>>
    %dma_wait3A_596 = arith.constant 0 : i32
    %dma_wait3A_597 = arith.constant 0 : i32
    %dma_wait3A_598 = tpu.memref_slice %arg2[%dma_wait3A_596, %dma_wait3A_597] : memref<1000x1024xf32, #tpu.memory_space<hbm>> -> memref<1000x1024xf32, #tpu.memory_space<hbm>>
    tpu.wait_indirect_dma semaphore(%arg11 : memref<!tpu.dma_semaphore, #tpu.memory_space<semaphore_mem>>) src(%dma_wait3A_598 : memref<1000x1024xf32, #tpu.memory_space<hbm>>) dst(%arg8 : memref<40x1024xf32, #tpu.memory_space<vmem>>)
    %add3A_599 = arith.constant 16 : i32
    %add3A_600 = arith.addi %mul3A_2, %add3A_599 : i32
    %add3A_601 = arith.constant 16 : i32
    %add3A_602 = arith.addi %mul3A_2, %add3A_601 : i32
    %add3A_603 = arith.constant 1 : i32
    %add3A_604 = arith.addi %add3A_602, %add3A_603 : i32
    %dma_start3A_605 = arith.constant 0 : i32
    %dma_start3A_606 = arith.constant 0 : i32
    %dma_start3A_607 = tpu.memref_slice %arg8[%dma_start3A_605, %dma_start3A_606] : memref<40x1024xf32, #tpu.memory_space<vmem>> -> memref<20x1000xf32, #tpu.memory_space<vmem>>
    %dma_start3A_608 = arith.constant 0 : i32
    %dma_start3A_609 = arith.constant 0 : i32
    %dma_start3A_610 = tpu.memref_slice %arg4[%add3A_600, %dma_start3A_608, %dma_start3A_609] : memref<1024x20x1000xf32, #tpu.memory_space<hbm>> -> memref<1x20x1000xf32, #tpu.memory_space<hbm>>
    %dma_start3A_611 = tpu.memref_squeeze %dma_start3A_610 : memref<1x20x1000xf32, #tpu.memory_space<hbm>> -> memref<20x1000xf32, #tpu.memory_space<hbm>>
    %dma_start3A_612 = arith.constant 0 : i32
    %dma_start3A_613 = arith.constant 0 : i32
    %dma_start3A_614 = tpu.memref_slice %arg4[%add3A_600, %dma_start3A_612, %dma_start3A_613] : memref<1024x20x1000xf32, #tpu.memory_space<hbm>> -> memref<1x20x1000xf32, #tpu.memory_space<hbm>>
    %dma_start3A_615 = tpu.memref_squeeze %dma_start3A_614 : memref<1x20x1000xf32, #tpu.memory_space<hbm>> -> memref<20x1000xf32, #tpu.memory_space<hbm>>
    %dma_start3A_616 = arith.constant 0 : i32
    %dma_start3A_617 = arith.constant 0 : i32
    %dma_start3A_618 = tpu.memref_slice %arg8[%dma_start3A_616, %dma_start3A_617] : memref<40x1024xf32, #tpu.memory_space<vmem>> -> memref<20x1000xf32, #tpu.memory_space<vmem>>
    tpu.enqueue_dma source(%dma_start3A_618 : memref<20x1000xf32, #tpu.memory_space<vmem>>) target(%dma_start3A_615 : memref<20x1000xf32, #tpu.memory_space<hbm>>) target_semaphore(%arg14 : memref<!tpu.dma_semaphore, #tpu.memory_space<semaphore_mem>>)
    %dma_start3A_619 = arith.constant 20 : i32
    %dma_start3A_620 = arith.constant 0 : i32
    %dma_start3A_621 = tpu.memref_slice %arg8[%dma_start3A_619, %dma_start3A_620] : memref<40x1024xf32, #tpu.memory_space<vmem>> -> memref<20x1000xf32, #tpu.memory_space<vmem>>
    %dma_start3A_622 = arith.constant 0 : i32
    %dma_start3A_623 = arith.constant 0 : i32
    %dma_start3A_624 = tpu.memref_slice %arg4[%add3A_604, %dma_start3A_622, %dma_start3A_623] : memref<1024x20x1000xf32, #tpu.memory_space<hbm>> -> memref<1x20x1000xf32, #tpu.memory_space<hbm>>
    %dma_start3A_625 = tpu.memref_squeeze %dma_start3A_624 : memref<1x20x1000xf32, #tpu.memory_space<hbm>> -> memref<20x1000xf32, #tpu.memory_space<hbm>>
    %dma_start3A_626 = arith.constant 0 : i32
    %dma_start3A_627 = arith.constant 0 : i32
    %dma_start3A_628 = tpu.memref_slice %arg4[%add3A_604, %dma_start3A_626, %dma_start3A_627] : memref<1024x20x1000xf32, #tpu.memory_space<hbm>> -> memref<1x20x1000xf32, #tpu.memory_space<hbm>>
    %dma_start3A_629 = tpu.memref_squeeze %dma_start3A_628 : memref<1x20x1000xf32, #tpu.memory_space<hbm>> -> memref<20x1000xf32, #tpu.memory_space<hbm>>
    %dma_start3A_630 = arith.constant 20 : i32
    %dma_start3A_631 = arith.constant 0 : i32
    %dma_start3A_632 = tpu.memref_slice %arg8[%dma_start3A_630, %dma_start3A_631] : memref<40x1024xf32, #tpu.memory_space<vmem>> -> memref<20x1000xf32, #tpu.memory_space<vmem>>
    tpu.enqueue_dma source(%dma_start3A_632 : memref<20x1000xf32, #tpu.memory_space<vmem>>) target(%dma_start3A_629 : memref<20x1000xf32, #tpu.memory_space<hbm>>) target_semaphore(%arg14 : memref<!tpu.dma_semaphore, #tpu.memory_space<semaphore_mem>>)
    %dma_wait3A_633 = arith.constant 0 : i32
    %dma_wait3A_634 = arith.constant 0 : i32
    %dma_wait3A_635 = tpu.memref_slice %arg8[%dma_wait3A_633, %dma_wait3A_634] : memref<40x1024xf32, #tpu.memory_space<vmem>> -> memref<20x1000xf32, #tpu.memory_space<vmem>>
    %dma_wait3A_636 = arith.constant 0 : i32
    %dma_wait3A_637 = arith.constant 0 : i32
    %dma_wait3A_638 = tpu.memref_slice %arg4[%add3A_600, %dma_wait3A_636, %dma_wait3A_637] : memref<1024x20x1000xf32, #tpu.memory_space<hbm>> -> memref<1x20x1000xf32, #tpu.memory_space<hbm>>
    %dma_wait3A_639 = tpu.memref_squeeze %dma_wait3A_638 : memref<1x20x1000xf32, #tpu.memory_space<hbm>> -> memref<20x1000xf32, #tpu.memory_space<hbm>>
    %dma_wait3A_640 = arith.constant 0 : i32
    %dma_wait3A_641 = arith.constant 0 : i32
    %dma_wait3A_642 = tpu.memref_slice %arg4[%add3A_600, %dma_wait3A_640, %dma_wait3A_641] : memref<1024x20x1000xf32, #tpu.memory_space<hbm>> -> memref<1x20x1000xf32, #tpu.memory_space<hbm>>
    %dma_wait3A_643 = tpu.memref_squeeze %dma_wait3A_642 : memref<1x20x1000xf32, #tpu.memory_space<hbm>> -> memref<20x1000xf32, #tpu.memory_space<hbm>>
    %dma_wait3A_644 = arith.constant 0 : i32
    %dma_wait3A_645 = arith.constant 0 : i32
    %dma_wait3A_646 = tpu.memref_slice %arg8[%dma_wait3A_644, %dma_wait3A_645] : memref<40x1024xf32, #tpu.memory_space<vmem>> -> memref<20x1000xf32, #tpu.memory_space<vmem>>
    tpu.wait_dma2 semaphore(%arg14 : memref<!tpu.dma_semaphore, #tpu.memory_space<semaphore_mem>>) src(%dma_wait3A_646 : memref<20x1000xf32, #tpu.memory_space<vmem>>) dst(%dma_wait3A_643 : memref<20x1000xf32, #tpu.memory_space<hbm>>)
    %dma_wait3A_647 = arith.constant 20 : i32
    %dma_wait3A_648 = arith.constant 0 : i32
    %dma_wait3A_649 = tpu.memref_slice %arg8[%dma_wait3A_647, %dma_wait3A_648] : memref<40x1024xf32, #tpu.memory_space<vmem>> -> memref<20x1000xf32, #tpu.memory_space<vmem>>
    %dma_wait3A_650 = arith.constant 0 : i32
    %dma_wait3A_651 = arith.constant 0 : i32
    %dma_wait3A_652 = tpu.memref_slice %arg4[%add3A_604, %dma_wait3A_650, %dma_wait3A_651] : memref<1024x20x1000xf32, #tpu.memory_space<hbm>> -> memref<1x20x1000xf32, #tpu.memory_space<hbm>>
    %dma_wait3A_653 = tpu.memref_squeeze %dma_wait3A_652 : memref<1x20x1000xf32, #tpu.memory_space<hbm>> -> memref<20x1000xf32, #tpu.memory_space<hbm>>
    %dma_wait3A_654 = arith.constant 0 : i32
    %dma_wait3A_655 = arith.constant 0 : i32
    %dma_wait3A_656 = tpu.memref_slice %arg4[%add3A_604, %dma_wait3A_654, %dma_wait3A_655] : memref<1024x20x1000xf32, #tpu.memory_space<hbm>> -> memref<1x20x1000xf32, #tpu.memory_space<hbm>>
    %dma_wait3A_657 = tpu.memref_squeeze %dma_wait3A_656 : memref<1x20x1000xf32, #tpu.memory_space<hbm>> -> memref<20x1000xf32, #tpu.memory_space<hbm>>
    %dma_wait3A_658 = arith.constant 20 : i32
    %dma_wait3A_659 = arith.constant 0 : i32
    %dma_wait3A_660 = tpu.memref_slice %arg8[%dma_wait3A_658, %dma_wait3A_659] : memref<40x1024xf32, #tpu.memory_space<vmem>> -> memref<20x1000xf32, #tpu.memory_space<vmem>>
    tpu.wait_dma2 semaphore(%arg14 : memref<!tpu.dma_semaphore, #tpu.memory_space<semaphore_mem>>) src(%dma_wait3A_660 : memref<20x1000xf32, #tpu.memory_space<vmem>>) dst(%dma_wait3A_657 : memref<20x1000xf32, #tpu.memory_space<hbm>>)
    %dma_start3A_661 = arith.constant 440 : i32
    %dma_start3A_662 = tpu.memref_slice %arg5[%dma_start3A_661] : memref<640xi32, #tpu.memory_space<vmem>> -> memref<40xi32, #tpu.memory_space<vmem>>
    %dma_start3A_663 = arith.constant 0 : i32
    %dma_start3A_664 = arith.constant 0 : i32
    %dma_start3A_665 = tpu.memref_slice %arg2[%dma_start3A_663, %dma_start3A_664] : memref<1000x1024xf32, #tpu.memory_space<hbm>> -> memref<1000x1024xf32, #tpu.memory_space<hbm>>
    tpu.enqueue_indirect_dma source(%dma_start3A_665 : memref<1000x1024xf32, #tpu.memory_space<hbm>>) target(%arg8 : memref<40x1024xf32, #tpu.memory_space<vmem>>) offsets(%dma_start3A_662 : memref<40xi32, #tpu.memory_space<vmem>>) semaphore(%arg11 : memref<!tpu.dma_semaphore, #tpu.memory_space<semaphore_mem>>)
    %dma_wait3A_666 = arith.constant 360 : i32
    %dma_wait3A_667 = tpu.memref_slice %arg5[%dma_wait3A_666] : memref<640xi32, #tpu.memory_space<vmem>> -> memref<40xi32, #tpu.memory_space<vmem>>
    %dma_wait3A_668 = arith.constant 0 : i32
    %dma_wait3A_669 = arith.constant 0 : i32
    %dma_wait3A_670 = tpu.memref_slice %arg2[%dma_wait3A_668, %dma_wait3A_669] : memref<1000x1024xf32, #tpu.memory_space<hbm>> -> memref<1000x1024xf32, #tpu.memory_space<hbm>>
    tpu.wait_indirect_dma semaphore(%arg9 : memref<!tpu.dma_semaphore, #tpu.memory_space<semaphore_mem>>) src(%dma_wait3A_670 : memref<1000x1024xf32, #tpu.memory_space<hbm>>) dst(%arg6 : memref<40x1024xf32, #tpu.memory_space<vmem>>)
    %add3A_671 = arith.constant 18 : i32
    %add3A_672 = arith.addi %mul3A_2, %add3A_671 : i32
    %add3A_673 = arith.constant 18 : i32
    %add3A_674 = arith.addi %mul3A_2, %add3A_673 : i32
    %add3A_675 = arith.constant 1 : i32
    %add3A_676 = arith.addi %add3A_674, %add3A_675 : i32
    %dma_start3A_677 = arith.constant 0 : i32
    %dma_start3A_678 = arith.constant 0 : i32
    %dma_start3A_679 = tpu.memref_slice %arg6[%dma_start3A_677, %dma_start3A_678] : memref<40x1024xf32, #tpu.memory_space<vmem>> -> memref<20x1000xf32, #tpu.memory_space<vmem>>
    %dma_start3A_680 = arith.constant 0 : i32
    %dma_start3A_681 = arith.constant 0 : i32
    %dma_start3A_682 = tpu.memref_slice %arg4[%add3A_672, %dma_start3A_680, %dma_start3A_681] : memref<1024x20x1000xf32, #tpu.memory_space<hbm>> -> memref<1x20x1000xf32, #tpu.memory_space<hbm>>
    %dma_start3A_683 = tpu.memref_squeeze %dma_start3A_682 : memref<1x20x1000xf32, #tpu.memory_space<hbm>> -> memref<20x1000xf32, #tpu.memory_space<hbm>>
    %dma_start3A_684 = arith.constant 0 : i32
    %dma_start3A_685 = arith.constant 0 : i32
    %dma_start3A_686 = tpu.memref_slice %arg4[%add3A_672, %dma_start3A_684, %dma_start3A_685] : memref<1024x20x1000xf32, #tpu.memory_space<hbm>> -> memref<1x20x1000xf32, #tpu.memory_space<hbm>>
    %dma_start3A_687 = tpu.memref_squeeze %dma_start3A_686 : memref<1x20x1000xf32, #tpu.memory_space<hbm>> -> memref<20x1000xf32, #tpu.memory_space<hbm>>
    %dma_start3A_688 = arith.constant 0 : i32
    %dma_start3A_689 = arith.constant 0 : i32
    %dma_start3A_690 = tpu.memref_slice %arg6[%dma_start3A_688, %dma_start3A_689] : memref<40x1024xf32, #tpu.memory_space<vmem>> -> memref<20x1000xf32, #tpu.memory_space<vmem>>
    tpu.enqueue_dma source(%dma_start3A_690 : memref<20x1000xf32, #tpu.memory_space<vmem>>) target(%dma_start3A_687 : memref<20x1000xf32, #tpu.memory_space<hbm>>) target_semaphore(%arg12 : memref<!tpu.dma_semaphore, #tpu.memory_space<semaphore_mem>>)
    %dma_start3A_691 = arith.constant 20 : i32
    %dma_start3A_692 = arith.constant 0 : i32
    %dma_start3A_693 = tpu.memref_slice %arg6[%dma_start3A_691, %dma_start3A_692] : memref<40x1024xf32, #tpu.memory_space<vmem>> -> memref<20x1000xf32, #tpu.memory_space<vmem>>
    %dma_start3A_694 = arith.constant 0 : i32
    %dma_start3A_695 = arith.constant 0 : i32
    %dma_start3A_696 = tpu.memref_slice %arg4[%add3A_676, %dma_start3A_694, %dma_start3A_695] : memref<1024x20x1000xf32, #tpu.memory_space<hbm>> -> memref<1x20x1000xf32, #tpu.memory_space<hbm>>
    %dma_start3A_697 = tpu.memref_squeeze %dma_start3A_696 : memref<1x20x1000xf32, #tpu.memory_space<hbm>> -> memref<20x1000xf32, #tpu.memory_space<hbm>>
    %dma_start3A_698 = arith.constant 0 : i32
    %dma_start3A_699 = arith.constant 0 : i32
    %dma_start3A_700 = tpu.memref_slice %arg4[%add3A_676, %dma_start3A_698, %dma_start3A_699] : memref<1024x20x1000xf32, #tpu.memory_space<hbm>> -> memref<1x20x1000xf32, #tpu.memory_space<hbm>>
    %dma_start3A_701 = tpu.memref_squeeze %dma_start3A_700 : memref<1x20x1000xf32, #tpu.memory_space<hbm>> -> memref<20x1000xf32, #tpu.memory_space<hbm>>
    %dma_start3A_702 = arith.constant 20 : i32
    %dma_start3A_703 = arith.constant 0 : i32
    %dma_start3A_704 = tpu.memref_slice %arg6[%dma_start3A_702, %dma_start3A_703] : memref<40x1024xf32, #tpu.memory_space<vmem>> -> memref<20x1000xf32, #tpu.memory_space<vmem>>
    tpu.enqueue_dma source(%dma_start3A_704 : memref<20x1000xf32, #tpu.memory_space<vmem>>) target(%dma_start3A_701 : memref<20x1000xf32, #tpu.memory_space<hbm>>) target_semaphore(%arg12 : memref<!tpu.dma_semaphore, #tpu.memory_space<semaphore_mem>>)
    %dma_wait3A_705 = arith.constant 0 : i32
    %dma_wait3A_706 = arith.constant 0 : i32
    %dma_wait3A_707 = tpu.memref_slice %arg6[%dma_wait3A_705, %dma_wait3A_706] : memref<40x1024xf32, #tpu.memory_space<vmem>> -> memref<20x1000xf32, #tpu.memory_space<vmem>>
    %dma_wait3A_708 = arith.constant 0 : i32
    %dma_wait3A_709 = arith.constant 0 : i32
    %dma_wait3A_710 = tpu.memref_slice %arg4[%add3A_672, %dma_wait3A_708, %dma_wait3A_709] : memref<1024x20x1000xf32, #tpu.memory_space<hbm>> -> memref<1x20x1000xf32, #tpu.memory_space<hbm>>
    %dma_wait3A_711 = tpu.memref_squeeze %dma_wait3A_710 : memref<1x20x1000xf32, #tpu.memory_space<hbm>> -> memref<20x1000xf32, #tpu.memory_space<hbm>>
    %dma_wait3A_712 = arith.constant 0 : i32
    %dma_wait3A_713 = arith.constant 0 : i32
    %dma_wait3A_714 = tpu.memref_slice %arg4[%add3A_672, %dma_wait3A_712, %dma_wait3A_713] : memref<1024x20x1000xf32, #tpu.memory_space<hbm>> -> memref<1x20x1000xf32, #tpu.memory_space<hbm>>
    %dma_wait3A_715 = tpu.memref_squeeze %dma_wait3A_714 : memref<1x20x1000xf32, #tpu.memory_space<hbm>> -> memref<20x1000xf32, #tpu.memory_space<hbm>>
    %dma_wait3A_716 = arith.constant 0 : i32
    %dma_wait3A_717 = arith.constant 0 : i32
    %dma_wait3A_718 = tpu.memref_slice %arg6[%dma_wait3A_716, %dma_wait3A_717] : memref<40x1024xf32, #tpu.memory_space<vmem>> -> memref<20x1000xf32, #tpu.memory_space<vmem>>
    tpu.wait_dma2 semaphore(%arg12 : memref<!tpu.dma_semaphore, #tpu.memory_space<semaphore_mem>>) src(%dma_wait3A_718 : memref<20x1000xf32, #tpu.memory_space<vmem>>) dst(%dma_wait3A_715 : memref<20x1000xf32, #tpu.memory_space<hbm>>)
    %dma_wait3A_719 = arith.constant 20 : i32
    %dma_wait3A_720 = arith.constant 0 : i32
    %dma_wait3A_721 = tpu.memref_slice %arg6[%dma_wait3A_719, %dma_wait3A_720] : memref<40x1024xf32, #tpu.memory_space<vmem>> -> memref<20x1000xf32, #tpu.memory_space<vmem>>
    %dma_wait3A_722 = arith.constant 0 : i32
    %dma_wait3A_723 = arith.constant 0 : i32
    %dma_wait3A_724 = tpu.memref_slice %arg4[%add3A_676, %dma_wait3A_722, %dma_wait3A_723] : memref<1024x20x1000xf32, #tpu.memory_space<hbm>> -> memref<1x20x1000xf32, #tpu.memory_space<hbm>>
    %dma_wait3A_725 = tpu.memref_squeeze %dma_wait3A_724 : memref<1x20x1000xf32, #tpu.memory_space<hbm>> -> memref<20x1000xf32, #tpu.memory_space<hbm>>
    %dma_wait3A_726 = arith.constant 0 : i32
    %dma_wait3A_727 = arith.constant 0 : i32
    %dma_wait3A_728 = tpu.memref_slice %arg4[%add3A_676, %dma_wait3A_726, %dma_wait3A_727] : memref<1024x20x1000xf32, #tpu.memory_space<hbm>> -> memref<1x20x1000xf32, #tpu.memory_space<hbm>>
    %dma_wait3A_729 = tpu.memref_squeeze %dma_wait3A_728 : memref<1x20x1000xf32, #tpu.memory_space<hbm>> -> memref<20x1000xf32, #tpu.memory_space<hbm>>
    %dma_wait3A_730 = arith.constant 20 : i32
    %dma_wait3A_731 = arith.constant 0 : i32
    %dma_wait3A_732 = tpu.memref_slice %arg6[%dma_wait3A_730, %dma_wait3A_731] : memref<40x1024xf32, #tpu.memory_space<vmem>> -> memref<20x1000xf32, #tpu.memory_space<vmem>>
    tpu.wait_dma2 semaphore(%arg12 : memref<!tpu.dma_semaphore, #tpu.memory_space<semaphore_mem>>) src(%dma_wait3A_732 : memref<20x1000xf32, #tpu.memory_space<vmem>>) dst(%dma_wait3A_729 : memref<20x1000xf32, #tpu.memory_space<hbm>>)
    %dma_start3A_733 = arith.constant 480 : i32
    %dma_start3A_734 = tpu.memref_slice %arg5[%dma_start3A_733] : memref<640xi32, #tpu.memory_space<vmem>> -> memref<40xi32, #tpu.memory_space<vmem>>
    %dma_start3A_735 = arith.constant 0 : i32
    %dma_start3A_736 = arith.constant 0 : i32
    %dma_start3A_737 = tpu.memref_slice %arg2[%dma_start3A_735, %dma_start3A_736] : memref<1000x1024xf32, #tpu.memory_space<hbm>> -> memref<1000x1024xf32, #tpu.memory_space<hbm>>
    tpu.enqueue_indirect_dma source(%dma_start3A_737 : memref<1000x1024xf32, #tpu.memory_space<hbm>>) target(%arg6 : memref<40x1024xf32, #tpu.memory_space<vmem>>) offsets(%dma_start3A_734 : memref<40xi32, #tpu.memory_space<vmem>>) semaphore(%arg9 : memref<!tpu.dma_semaphore, #tpu.memory_space<semaphore_mem>>)
    %dma_wait3A_738 = arith.constant 400 : i32
    %dma_wait3A_739 = tpu.memref_slice %arg5[%dma_wait3A_738] : memref<640xi32, #tpu.memory_space<vmem>> -> memref<40xi32, #tpu.memory_space<vmem>>
    %dma_wait3A_740 = arith.constant 0 : i32
    %dma_wait3A_741 = arith.constant 0 : i32
    %dma_wait3A_742 = tpu.memref_slice %arg2[%dma_wait3A_740, %dma_wait3A_741] : memref<1000x1024xf32, #tpu.memory_space<hbm>> -> memref<1000x1024xf32, #tpu.memory_space<hbm>>
    tpu.wait_indirect_dma semaphore(%arg10 : memref<!tpu.dma_semaphore, #tpu.memory_space<semaphore_mem>>) src(%dma_wait3A_742 : memref<1000x1024xf32, #tpu.memory_space<hbm>>) dst(%arg7 : memref<40x1024xf32, #tpu.memory_space<vmem>>)
    %add3A_743 = arith.constant 20 : i32
    %add3A_744 = arith.addi %mul3A_2, %add3A_743 : i32
    %add3A_745 = arith.constant 20 : i32
    %add3A_746 = arith.addi %mul3A_2, %add3A_745 : i32
    %add3A_747 = arith.constant 1 : i32
    %add3A_748 = arith.addi %add3A_746, %add3A_747 : i32
    %dma_start3A_749 = arith.constant 0 : i32
    %dma_start3A_750 = arith.constant 0 : i32
    %dma_start3A_751 = tpu.memref_slice %arg7[%dma_start3A_749, %dma_start3A_750] : memref<40x1024xf32, #tpu.memory_space<vmem>> -> memref<20x1000xf32, #tpu.memory_space<vmem>>
    %dma_start3A_752 = arith.constant 0 : i32
    %dma_start3A_753 = arith.constant 0 : i32
    %dma_start3A_754 = tpu.memref_slice %arg4[%add3A_744, %dma_start3A_752, %dma_start3A_753] : memref<1024x20x1000xf32, #tpu.memory_space<hbm>> -> memref<1x20x1000xf32, #tpu.memory_space<hbm>>
    %dma_start3A_755 = tpu.memref_squeeze %dma_start3A_754 : memref<1x20x1000xf32, #tpu.memory_space<hbm>> -> memref<20x1000xf32, #tpu.memory_space<hbm>>
    %dma_start3A_756 = arith.constant 0 : i32
    %dma_start3A_757 = arith.constant 0 : i32
    %dma_start3A_758 = tpu.memref_slice %arg4[%add3A_744, %dma_start3A_756, %dma_start3A_757] : memref<1024x20x1000xf32, #tpu.memory_space<hbm>> -> memref<1x20x1000xf32, #tpu.memory_space<hbm>>
    %dma_start3A_759 = tpu.memref_squeeze %dma_start3A_758 : memref<1x20x1000xf32, #tpu.memory_space<hbm>> -> memref<20x1000xf32, #tpu.memory_space<hbm>>
    %dma_start3A_760 = arith.constant 0 : i32
    %dma_start3A_761 = arith.constant 0 : i32
    %dma_start3A_762 = tpu.memref_slice %arg7[%dma_start3A_760, %dma_start3A_761] : memref<40x1024xf32, #tpu.memory_space<vmem>> -> memref<20x1000xf32, #tpu.memory_space<vmem>>
    tpu.enqueue_dma source(%dma_start3A_762 : memref<20x1000xf32, #tpu.memory_space<vmem>>) target(%dma_start3A_759 : memref<20x1000xf32, #tpu.memory_space<hbm>>) target_semaphore(%arg13 : memref<!tpu.dma_semaphore, #tpu.memory_space<semaphore_mem>>)
    %dma_start3A_763 = arith.constant 20 : i32
    %dma_start3A_764 = arith.constant 0 : i32
    %dma_start3A_765 = tpu.memref_slice %arg7[%dma_start3A_763, %dma_start3A_764] : memref<40x1024xf32, #tpu.memory_space<vmem>> -> memref<20x1000xf32, #tpu.memory_space<vmem>>
    %dma_start3A_766 = arith.constant 0 : i32
    %dma_start3A_767 = arith.constant 0 : i32
    %dma_start3A_768 = tpu.memref_slice %arg4[%add3A_748, %dma_start3A_766, %dma_start3A_767] : memref<1024x20x1000xf32, #tpu.memory_space<hbm>> -> memref<1x20x1000xf32, #tpu.memory_space<hbm>>
    %dma_start3A_769 = tpu.memref_squeeze %dma_start3A_768 : memref<1x20x1000xf32, #tpu.memory_space<hbm>> -> memref<20x1000xf32, #tpu.memory_space<hbm>>
    %dma_start3A_770 = arith.constant 0 : i32
    %dma_start3A_771 = arith.constant 0 : i32
    %dma_start3A_772 = tpu.memref_slice %arg4[%add3A_748, %dma_start3A_770, %dma_start3A_771] : memref<1024x20x1000xf32, #tpu.memory_space<hbm>> -> memref<1x20x1000xf32, #tpu.memory_space<hbm>>
    %dma_start3A_773 = tpu.memref_squeeze %dma_start3A_772 : memref<1x20x1000xf32, #tpu.memory_space<hbm>> -> memref<20x1000xf32, #tpu.memory_space<hbm>>
    %dma_start3A_774 = arith.constant 20 : i32
    %dma_start3A_775 = arith.constant 0 : i32
    %dma_start3A_776 = tpu.memref_slice %arg7[%dma_start3A_774, %dma_start3A_775] : memref<40x1024xf32, #tpu.memory_space<vmem>> -> memref<20x1000xf32, #tpu.memory_space<vmem>>
    tpu.enqueue_dma source(%dma_start3A_776 : memref<20x1000xf32, #tpu.memory_space<vmem>>) target(%dma_start3A_773 : memref<20x1000xf32, #tpu.memory_space<hbm>>) target_semaphore(%arg13 : memref<!tpu.dma_semaphore, #tpu.memory_space<semaphore_mem>>)
    %dma_wait3A_777 = arith.constant 0 : i32
    %dma_wait3A_778 = arith.constant 0 : i32
    %dma_wait3A_779 = tpu.memref_slice %arg7[%dma_wait3A_777, %dma_wait3A_778] : memref<40x1024xf32, #tpu.memory_space<vmem>> -> memref<20x1000xf32, #tpu.memory_space<vmem>>
    %dma_wait3A_780 = arith.constant 0 : i32
    %dma_wait3A_781 = arith.constant 0 : i32
    %dma_wait3A_782 = tpu.memref_slice %arg4[%add3A_744, %dma_wait3A_780, %dma_wait3A_781] : memref<1024x20x1000xf32, #tpu.memory_space<hbm>> -> memref<1x20x1000xf32, #tpu.memory_space<hbm>>
    %dma_wait3A_783 = tpu.memref_squeeze %dma_wait3A_782 : memref<1x20x1000xf32, #tpu.memory_space<hbm>> -> memref<20x1000xf32, #tpu.memory_space<hbm>>
    %dma_wait3A_784 = arith.constant 0 : i32
    %dma_wait3A_785 = arith.constant 0 : i32
    %dma_wait3A_786 = tpu.memref_slice %arg4[%add3A_744, %dma_wait3A_784, %dma_wait3A_785] : memref<1024x20x1000xf32, #tpu.memory_space<hbm>> -> memref<1x20x1000xf32, #tpu.memory_space<hbm>>
    %dma_wait3A_787 = tpu.memref_squeeze %dma_wait3A_786 : memref<1x20x1000xf32, #tpu.memory_space<hbm>> -> memref<20x1000xf32, #tpu.memory_space<hbm>>
    %dma_wait3A_788 = arith.constant 0 : i32
    %dma_wait3A_789 = arith.constant 0 : i32
    %dma_wait3A_790 = tpu.memref_slice %arg7[%dma_wait3A_788, %dma_wait3A_789] : memref<40x1024xf32, #tpu.memory_space<vmem>> -> memref<20x1000xf32, #tpu.memory_space<vmem>>
    tpu.wait_dma2 semaphore(%arg13 : memref<!tpu.dma_semaphore, #tpu.memory_space<semaphore_mem>>) src(%dma_wait3A_790 : memref<20x1000xf32, #tpu.memory_space<vmem>>) dst(%dma_wait3A_787 : memref<20x1000xf32, #tpu.memory_space<hbm>>)
    %dma_wait3A_791 = arith.constant 20 : i32
    %dma_wait3A_792 = arith.constant 0 : i32
    %dma_wait3A_793 = tpu.memref_slice %arg7[%dma_wait3A_791, %dma_wait3A_792] : memref<40x1024xf32, #tpu.memory_space<vmem>> -> memref<20x1000xf32, #tpu.memory_space<vmem>>
    %dma_wait3A_794 = arith.constant 0 : i32
    %dma_wait3A_795 = arith.constant 0 : i32
    %dma_wait3A_796 = tpu.memref_slice %arg4[%add3A_748, %dma_wait3A_794, %dma_wait3A_795] : memref<1024x20x1000xf32, #tpu.memory_space<hbm>> -> memref<1x20x1000xf32, #tpu.memory_space<hbm>>
    %dma_wait3A_797 = tpu.memref_squeeze %dma_wait3A_796 : memref<1x20x1000xf32, #tpu.memory_space<hbm>> -> memref<20x1000xf32, #tpu.memory_space<hbm>>
    %dma_wait3A_798 = arith.constant 0 : i32
    %dma_wait3A_799 = arith.constant 0 : i32
    %dma_wait3A_800 = tpu.memref_slice %arg4[%add3A_748, %dma_wait3A_798, %dma_wait3A_799] : memref<1024x20x1000xf32, #tpu.memory_space<hbm>> -> memref<1x20x1000xf32, #tpu.memory_space<hbm>>
    %dma_wait3A_801 = tpu.memref_squeeze %dma_wait3A_800 : memref<1x20x1000xf32, #tpu.memory_space<hbm>> -> memref<20x1000xf32, #tpu.memory_space<hbm>>
    %dma_wait3A_802 = arith.constant 20 : i32
    %dma_wait3A_803 = arith.constant 0 : i32
    %dma_wait3A_804 = tpu.memref_slice %arg7[%dma_wait3A_802, %dma_wait3A_803] : memref<40x1024xf32, #tpu.memory_space<vmem>> -> memref<20x1000xf32, #tpu.memory_space<vmem>>
    tpu.wait_dma2 semaphore(%arg13 : memref<!tpu.dma_semaphore, #tpu.memory_space<semaphore_mem>>) src(%dma_wait3A_804 : memref<20x1000xf32, #tpu.memory_space<vmem>>) dst(%dma_wait3A_801 : memref<20x1000xf32, #tpu.memory_space<hbm>>)
    %dma_start3A_805 = arith.constant 520 : i32
    %dma_start3A_806 = tpu.memref_slice %arg5[%dma_start3A_805] : memref<640xi32, #tpu.memory_space<vmem>> -> memref<40xi32, #tpu.memory_space<vmem>>
    %dma_start3A_807 = arith.constant 0 : i32
    %dma_start3A_808 = arith.constant 0 : i32
    %dma_start3A_809 = tpu.memref_slice %arg2[%dma_start3A_807, %dma_start3A_808] : memref<1000x1024xf32, #tpu.memory_space<hbm>> -> memref<1000x1024xf32, #tpu.memory_space<hbm>>
    tpu.enqueue_indirect_dma source(%dma_start3A_809 : memref<1000x1024xf32, #tpu.memory_space<hbm>>) target(%arg7 : memref<40x1024xf32, #tpu.memory_space<vmem>>) offsets(%dma_start3A_806 : memref<40xi32, #tpu.memory_space<vmem>>) semaphore(%arg10 : memref<!tpu.dma_semaphore, #tpu.memory_space<semaphore_mem>>)
    %dma_wait3A_810 = arith.constant 440 : i32
    %dma_wait3A_811 = tpu.memref_slice %arg5[%dma_wait3A_810] : memref<640xi32, #tpu.memory_space<vmem>> -> memref<40xi32, #tpu.memory_space<vmem>>
    %dma_wait3A_812 = arith.constant 0 : i32
    %dma_wait3A_813 = arith.constant 0 : i32
    %dma_wait3A_814 = tpu.memref_slice %arg2[%dma_wait3A_812, %dma_wait3A_813] : memref<1000x1024xf32, #tpu.memory_space<hbm>> -> memref<1000x1024xf32, #tpu.memory_space<hbm>>
    tpu.wait_indirect_dma semaphore(%arg11 : memref<!tpu.dma_semaphore, #tpu.memory_space<semaphore_mem>>) src(%dma_wait3A_814 : memref<1000x1024xf32, #tpu.memory_space<hbm>>) dst(%arg8 : memref<40x1024xf32, #tpu.memory_space<vmem>>)
    %add3A_815 = arith.constant 22 : i32
    %add3A_816 = arith.addi %mul3A_2, %add3A_815 : i32
    %add3A_817 = arith.constant 22 : i32
    %add3A_818 = arith.addi %mul3A_2, %add3A_817 : i32
    %add3A_819 = arith.constant 1 : i32
    %add3A_820 = arith.addi %add3A_818, %add3A_819 : i32
    %dma_start3A_821 = arith.constant 0 : i32
    %dma_start3A_822 = arith.constant 0 : i32
    %dma_start3A_823 = tpu.memref_slice %arg8[%dma_start3A_821, %dma_start3A_822] : memref<40x1024xf32, #tpu.memory_space<vmem>> -> memref<20x1000xf32, #tpu.memory_space<vmem>>
    %dma_start3A_824 = arith.constant 0 : i32
    %dma_start3A_825 = arith.constant 0 : i32
    %dma_start3A_826 = tpu.memref_slice %arg4[%add3A_816, %dma_start3A_824, %dma_start3A_825] : memref<1024x20x1000xf32, #tpu.memory_space<hbm>> -> memref<1x20x1000xf32, #tpu.memory_space<hbm>>
    %dma_start3A_827 = tpu.memref_squeeze %dma_start3A_826 : memref<1x20x1000xf32, #tpu.memory_space<hbm>> -> memref<20x1000xf32, #tpu.memory_space<hbm>>
    %dma_start3A_828 = arith.constant 0 : i32
    %dma_start3A_829 = arith.constant 0 : i32
    %dma_start3A_830 = tpu.memref_slice %arg4[%add3A_816, %dma_start3A_828, %dma_start3A_829] : memref<1024x20x1000xf32, #tpu.memory_space<hbm>> -> memref<1x20x1000xf32, #tpu.memory_space<hbm>>
    %dma_start3A_831 = tpu.memref_squeeze %dma_start3A_830 : memref<1x20x1000xf32, #tpu.memory_space<hbm>> -> memref<20x1000xf32, #tpu.memory_space<hbm>>
    %dma_start3A_832 = arith.constant 0 : i32
    %dma_start3A_833 = arith.constant 0 : i32
    %dma_start3A_834 = tpu.memref_slice %arg8[%dma_start3A_832, %dma_start3A_833] : memref<40x1024xf32, #tpu.memory_space<vmem>> -> memref<20x1000xf32, #tpu.memory_space<vmem>>
    tpu.enqueue_dma source(%dma_start3A_834 : memref<20x1000xf32, #tpu.memory_space<vmem>>) target(%dma_start3A_831 : memref<20x1000xf32, #tpu.memory_space<hbm>>) target_semaphore(%arg14 : memref<!tpu.dma_semaphore, #tpu.memory_space<semaphore_mem>>)
    %dma_start3A_835 = arith.constant 20 : i32
    %dma_start3A_836 = arith.constant 0 : i32
    %dma_start3A_837 = tpu.memref_slice %arg8[%dma_start3A_835, %dma_start3A_836] : memref<40x1024xf32, #tpu.memory_space<vmem>> -> memref<20x1000xf32, #tpu.memory_space<vmem>>
    %dma_start3A_838 = arith.constant 0 : i32
    %dma_start3A_839 = arith.constant 0 : i32
    %dma_start3A_840 = tpu.memref_slice %arg4[%add3A_820, %dma_start3A_838, %dma_start3A_839] : memref<1024x20x1000xf32, #tpu.memory_space<hbm>> -> memref<1x20x1000xf32, #tpu.memory_space<hbm>>
    %dma_start3A_841 = tpu.memref_squeeze %dma_start3A_840 : memref<1x20x1000xf32, #tpu.memory_space<hbm>> -> memref<20x1000xf32, #tpu.memory_space<hbm>>
    %dma_start3A_842 = arith.constant 0 : i32
    %dma_start3A_843 = arith.constant 0 : i32
    %dma_start3A_844 = tpu.memref_slice %arg4[%add3A_820, %dma_start3A_842, %dma_start3A_843] : memref<1024x20x1000xf32, #tpu.memory_space<hbm>> -> memref<1x20x1000xf32, #tpu.memory_space<hbm>>
    %dma_start3A_845 = tpu.memref_squeeze %dma_start3A_844 : memref<1x20x1000xf32, #tpu.memory_space<hbm>> -> memref<20x1000xf32, #tpu.memory_space<hbm>>
    %dma_start3A_846 = arith.constant 20 : i32
    %dma_start3A_847 = arith.constant 0 : i32
    %dma_start3A_848 = tpu.memref_slice %arg8[%dma_start3A_846, %dma_start3A_847] : memref<40x1024xf32, #tpu.memory_space<vmem>> -> memref<20x1000xf32, #tpu.memory_space<vmem>>
    tpu.enqueue_dma source(%dma_start3A_848 : memref<20x1000xf32, #tpu.memory_space<vmem>>) target(%dma_start3A_845 : memref<20x1000xf32, #tpu.memory_space<hbm>>) target_semaphore(%arg14 : memref<!tpu.dma_semaphore, #tpu.memory_space<semaphore_mem>>)
    %dma_wait3A_849 = arith.constant 0 : i32
    %dma_wait3A_850 = arith.constant 0 : i32
    %dma_wait3A_851 = tpu.memref_slice %arg8[%dma_wait3A_849, %dma_wait3A_850] : memref<40x1024xf32, #tpu.memory_space<vmem>> -> memref<20x1000xf32, #tpu.memory_space<vmem>>
    %dma_wait3A_852 = arith.constant 0 : i32
    %dma_wait3A_853 = arith.constant 0 : i32
    %dma_wait3A_854 = tpu.memref_slice %arg4[%add3A_816, %dma_wait3A_852, %dma_wait3A_853] : memref<1024x20x1000xf32, #tpu.memory_space<hbm>> -> memref<1x20x1000xf32, #tpu.memory_space<hbm>>
    %dma_wait3A_855 = tpu.memref_squeeze %dma_wait3A_854 : memref<1x20x1000xf32, #tpu.memory_space<hbm>> -> memref<20x1000xf32, #tpu.memory_space<hbm>>
    %dma_wait3A_856 = arith.constant 0 : i32
    %dma_wait3A_857 = arith.constant 0 : i32
    %dma_wait3A_858 = tpu.memref_slice %arg4[%add3A_816, %dma_wait3A_856, %dma_wait3A_857] : memref<1024x20x1000xf32, #tpu.memory_space<hbm>> -> memref<1x20x1000xf32, #tpu.memory_space<hbm>>
    %dma_wait3A_859 = tpu.memref_squeeze %dma_wait3A_858 : memref<1x20x1000xf32, #tpu.memory_space<hbm>> -> memref<20x1000xf32, #tpu.memory_space<hbm>>
    %dma_wait3A_860 = arith.constant 0 : i32
    %dma_wait3A_861 = arith.constant 0 : i32
    %dma_wait3A_862 = tpu.memref_slice %arg8[%dma_wait3A_860, %dma_wait3A_861] : memref<40x1024xf32, #tpu.memory_space<vmem>> -> memref<20x1000xf32, #tpu.memory_space<vmem>>
    tpu.wait_dma2 semaphore(%arg14 : memref<!tpu.dma_semaphore, #tpu.memory_space<semaphore_mem>>) src(%dma_wait3A_862 : memref<20x1000xf32, #tpu.memory_space<vmem>>) dst(%dma_wait3A_859 : memref<20x1000xf32, #tpu.memory_space<hbm>>)
    %dma_wait3A_863 = arith.constant 20 : i32
    %dma_wait3A_864 = arith.constant 0 : i32
    %dma_wait3A_865 = tpu.memref_slice %arg8[%dma_wait3A_863, %dma_wait3A_864] : memref<40x1024xf32, #tpu.memory_space<vmem>> -> memref<20x1000xf32, #tpu.memory_space<vmem>>
    %dma_wait3A_866 = arith.constant 0 : i32
    %dma_wait3A_867 = arith.constant 0 : i32
    %dma_wait3A_868 = tpu.memref_slice %arg4[%add3A_820, %dma_wait3A_866, %dma_wait3A_867] : memref<1024x20x1000xf32, #tpu.memory_space<hbm>> -> memref<1x20x1000xf32, #tpu.memory_space<hbm>>
    %dma_wait3A_869 = tpu.memref_squeeze %dma_wait3A_868 : memref<1x20x1000xf32, #tpu.memory_space<hbm>> -> memref<20x1000xf32, #tpu.memory_space<hbm>>
    %dma_wait3A_870 = arith.constant 0 : i32
    %dma_wait3A_871 = arith.constant 0 : i32
    %dma_wait3A_872 = tpu.memref_slice %arg4[%add3A_820, %dma_wait3A_870, %dma_wait3A_871] : memref<1024x20x1000xf32, #tpu.memory_space<hbm>> -> memref<1x20x1000xf32, #tpu.memory_space<hbm>>
    %dma_wait3A_873 = tpu.memref_squeeze %dma_wait3A_872 : memref<1x20x1000xf32, #tpu.memory_space<hbm>> -> memref<20x1000xf32, #tpu.memory_space<hbm>>
    %dma_wait3A_874 = arith.constant 20 : i32
    %dma_wait3A_875 = arith.constant 0 : i32
    %dma_wait3A_876 = tpu.memref_slice %arg8[%dma_wait3A_874, %dma_wait3A_875] : memref<40x1024xf32, #tpu.memory_space<vmem>> -> memref<20x1000xf32, #tpu.memory_space<vmem>>
    tpu.wait_dma2 semaphore(%arg14 : memref<!tpu.dma_semaphore, #tpu.memory_space<semaphore_mem>>) src(%dma_wait3A_876 : memref<20x1000xf32, #tpu.memory_space<vmem>>) dst(%dma_wait3A_873 : memref<20x1000xf32, #tpu.memory_space<hbm>>)
    %dma_start3A_877 = arith.constant 560 : i32
    %dma_start3A_878 = tpu.memref_slice %arg5[%dma_start3A_877] : memref<640xi32, #tpu.memory_space<vmem>> -> memref<40xi32, #tpu.memory_space<vmem>>
    %dma_start3A_879 = arith.constant 0 : i32
    %dma_start3A_880 = arith.constant 0 : i32
    %dma_start3A_881 = tpu.memref_slice %arg2[%dma_start3A_879, %dma_start3A_880] : memref<1000x1024xf32, #tpu.memory_space<hbm>> -> memref<1000x1024xf32, #tpu.memory_space<hbm>>
    tpu.enqueue_indirect_dma source(%dma_start3A_881 : memref<1000x1024xf32, #tpu.memory_space<hbm>>) target(%arg8 : memref<40x1024xf32, #tpu.memory_space<vmem>>) offsets(%dma_start3A_878 : memref<40xi32, #tpu.memory_space<vmem>>) semaphore(%arg11 : memref<!tpu.dma_semaphore, #tpu.memory_space<semaphore_mem>>)
    %dma_wait3A_882 = arith.constant 480 : i32
    %dma_wait3A_883 = tpu.memref_slice %arg5[%dma_wait3A_882] : memref<640xi32, #tpu.memory_space<vmem>> -> memref<40xi32, #tpu.memory_space<vmem>>
    %dma_wait3A_884 = arith.constant 0 : i32
    %dma_wait3A_885 = arith.constant 0 : i32
    %dma_wait3A_886 = tpu.memref_slice %arg2[%dma_wait3A_884, %dma_wait3A_885] : memref<1000x1024xf32, #tpu.memory_space<hbm>> -> memref<1000x1024xf32, #tpu.memory_space<hbm>>
    tpu.wait_indirect_dma semaphore(%arg9 : memref<!tpu.dma_semaphore, #tpu.memory_space<semaphore_mem>>) src(%dma_wait3A_886 : memref<1000x1024xf32, #tpu.memory_space<hbm>>) dst(%arg6 : memref<40x1024xf32, #tpu.memory_space<vmem>>)
    %add3A_887 = arith.constant 24 : i32
    %add3A_888 = arith.addi %mul3A_2, %add3A_887 : i32
    %add3A_889 = arith.constant 24 : i32
    %add3A_890 = arith.addi %mul3A_2, %add3A_889 : i32
    %add3A_891 = arith.constant 1 : i32
    %add3A_892 = arith.addi %add3A_890, %add3A_891 : i32
    %dma_start3A_893 = arith.constant 0 : i32
    %dma_start3A_894 = arith.constant 0 : i32
    %dma_start3A_895 = tpu.memref_slice %arg6[%dma_start3A_893, %dma_start3A_894] : memref<40x1024xf32, #tpu.memory_space<vmem>> -> memref<20x1000xf32, #tpu.memory_space<vmem>>
    %dma_start3A_896 = arith.constant 0 : i32
    %dma_start3A_897 = arith.constant 0 : i32
    %dma_start3A_898 = tpu.memref_slice %arg4[%add3A_888, %dma_start3A_896, %dma_start3A_897] : memref<1024x20x1000xf32, #tpu.memory_space<hbm>> -> memref<1x20x1000xf32, #tpu.memory_space<hbm>>
    %dma_start3A_899 = tpu.memref_squeeze %dma_start3A_898 : memref<1x20x1000xf32, #tpu.memory_space<hbm>> -> memref<20x1000xf32, #tpu.memory_space<hbm>>
    %dma_start3A_900 = arith.constant 0 : i32
    %dma_start3A_901 = arith.constant 0 : i32
    %dma_start3A_902 = tpu.memref_slice %arg4[%add3A_888, %dma_start3A_900, %dma_start3A_901] : memref<1024x20x1000xf32, #tpu.memory_space<hbm>> -> memref<1x20x1000xf32, #tpu.memory_space<hbm>>
    %dma_start3A_903 = tpu.memref_squeeze %dma_start3A_902 : memref<1x20x1000xf32, #tpu.memory_space<hbm>> -> memref<20x1000xf32, #tpu.memory_space<hbm>>
    %dma_start3A_904 = arith.constant 0 : i32
    %dma_start3A_905 = arith.constant 0 : i32
    %dma_start3A_906 = tpu.memref_slice %arg6[%dma_start3A_904, %dma_start3A_905] : memref<40x1024xf32, #tpu.memory_space<vmem>> -> memref<20x1000xf32, #tpu.memory_space<vmem>>
    tpu.enqueue_dma source(%dma_start3A_906 : memref<20x1000xf32, #tpu.memory_space<vmem>>) target(%dma_start3A_903 : memref<20x1000xf32, #tpu.memory_space<hbm>>) target_semaphore(%arg12 : memref<!tpu.dma_semaphore, #tpu.memory_space<semaphore_mem>>)
    %dma_start3A_907 = arith.constant 20 : i32
    %dma_start3A_908 = arith.constant 0 : i32
    %dma_start3A_909 = tpu.memref_slice %arg6[%dma_start3A_907, %dma_start3A_908] : memref<40x1024xf32, #tpu.memory_space<vmem>> -> memref<20x1000xf32, #tpu.memory_space<vmem>>
    %dma_start3A_910 = arith.constant 0 : i32
    %dma_start3A_911 = arith.constant 0 : i32
    %dma_start3A_912 = tpu.memref_slice %arg4[%add3A_892, %dma_start3A_910, %dma_start3A_911] : memref<1024x20x1000xf32, #tpu.memory_space<hbm>> -> memref<1x20x1000xf32, #tpu.memory_space<hbm>>
    %dma_start3A_913 = tpu.memref_squeeze %dma_start3A_912 : memref<1x20x1000xf32, #tpu.memory_space<hbm>> -> memref<20x1000xf32, #tpu.memory_space<hbm>>
    %dma_start3A_914 = arith.constant 0 : i32
    %dma_start3A_915 = arith.constant 0 : i32
    %dma_start3A_916 = tpu.memref_slice %arg4[%add3A_892, %dma_start3A_914, %dma_start3A_915] : memref<1024x20x1000xf32, #tpu.memory_space<hbm>> -> memref<1x20x1000xf32, #tpu.memory_space<hbm>>
    %dma_start3A_917 = tpu.memref_squeeze %dma_start3A_916 : memref<1x20x1000xf32, #tpu.memory_space<hbm>> -> memref<20x1000xf32, #tpu.memory_space<hbm>>
    %dma_start3A_918 = arith.constant 20 : i32
    %dma_start3A_919 = arith.constant 0 : i32
    %dma_start3A_920 = tpu.memref_slice %arg6[%dma_start3A_918, %dma_start3A_919] : memref<40x1024xf32, #tpu.memory_space<vmem>> -> memref<20x1000xf32, #tpu.memory_space<vmem>>
    tpu.enqueue_dma source(%dma_start3A_920 : memref<20x1000xf32, #tpu.memory_space<vmem>>) target(%dma_start3A_917 : memref<20x1000xf32, #tpu.memory_space<hbm>>) target_semaphore(%arg12 : memref<!tpu.dma_semaphore, #tpu.memory_space<semaphore_mem>>)
    %dma_wait3A_921 = arith.constant 0 : i32
    %dma_wait3A_922 = arith.constant 0 : i32
    %dma_wait3A_923 = tpu.memref_slice %arg6[%dma_wait3A_921, %dma_wait3A_922] : memref<40x1024xf32, #tpu.memory_space<vmem>> -> memref<20x1000xf32, #tpu.memory_space<vmem>>
    %dma_wait3A_924 = arith.constant 0 : i32
    %dma_wait3A_925 = arith.constant 0 : i32
    %dma_wait3A_926 = tpu.memref_slice %arg4[%add3A_888, %dma_wait3A_924, %dma_wait3A_925] : memref<1024x20x1000xf32, #tpu.memory_space<hbm>> -> memref<1x20x1000xf32, #tpu.memory_space<hbm>>
    %dma_wait3A_927 = tpu.memref_squeeze %dma_wait3A_926 : memref<1x20x1000xf32, #tpu.memory_space<hbm>> -> memref<20x1000xf32, #tpu.memory_space<hbm>>
    %dma_wait3A_928 = arith.constant 0 : i32
    %dma_wait3A_929 = arith.constant 0 : i32
    %dma_wait3A_930 = tpu.memref_slice %arg4[%add3A_888, %dma_wait3A_928, %dma_wait3A_929] : memref<1024x20x1000xf32, #tpu.memory_space<hbm>> -> memref<1x20x1000xf32, #tpu.memory_space<hbm>>
    %dma_wait3A_931 = tpu.memref_squeeze %dma_wait3A_930 : memref<1x20x1000xf32, #tpu.memory_space<hbm>> -> memref<20x1000xf32, #tpu.memory_space<hbm>>
    %dma_wait3A_932 = arith.constant 0 : i32
    %dma_wait3A_933 = arith.constant 0 : i32
    %dma_wait3A_934 = tpu.memref_slice %arg6[%dma_wait3A_932, %dma_wait3A_933] : memref<40x1024xf32, #tpu.memory_space<vmem>> -> memref<20x1000xf32, #tpu.memory_space<vmem>>
    tpu.wait_dma2 semaphore(%arg12 : memref<!tpu.dma_semaphore, #tpu.memory_space<semaphore_mem>>) src(%dma_wait3A_934 : memref<20x1000xf32, #tpu.memory_space<vmem>>) dst(%dma_wait3A_931 : memref<20x1000xf32, #tpu.memory_space<hbm>>)
    %dma_wait3A_935 = arith.constant 20 : i32
    %dma_wait3A_936 = arith.constant 0 : i32
    %dma_wait3A_937 = tpu.memref_slice %arg6[%dma_wait3A_935, %dma_wait3A_936] : memref<40x1024xf32, #tpu.memory_space<vmem>> -> memref<20x1000xf32, #tpu.memory_space<vmem>>
    %dma_wait3A_938 = arith.constant 0 : i32
    %dma_wait3A_939 = arith.constant 0 : i32
    %dma_wait3A_940 = tpu.memref_slice %arg4[%add3A_892, %dma_wait3A_938, %dma_wait3A_939] : memref<1024x20x1000xf32, #tpu.memory_space<hbm>> -> memref<1x20x1000xf32, #tpu.memory_space<hbm>>
    %dma_wait3A_941 = tpu.memref_squeeze %dma_wait3A_940 : memref<1x20x1000xf32, #tpu.memory_space<hbm>> -> memref<20x1000xf32, #tpu.memory_space<hbm>>
    %dma_wait3A_942 = arith.constant 0 : i32
    %dma_wait3A_943 = arith.constant 0 : i32
    %dma_wait3A_944 = tpu.memref_slice %arg4[%add3A_892, %dma_wait3A_942, %dma_wait3A_943] : memref<1024x20x1000xf32, #tpu.memory_space<hbm>> -> memref<1x20x1000xf32, #tpu.memory_space<hbm>>
    %dma_wait3A_945 = tpu.memref_squeeze %dma_wait3A_944 : memref<1x20x1000xf32, #tpu.memory_space<hbm>> -> memref<20x1000xf32, #tpu.memory_space<hbm>>
    %dma_wait3A_946 = arith.constant 20 : i32
    %dma_wait3A_947 = arith.constant 0 : i32
    %dma_wait3A_948 = tpu.memref_slice %arg6[%dma_wait3A_946, %dma_wait3A_947] : memref<40x1024xf32, #tpu.memory_space<vmem>> -> memref<20x1000xf32, #tpu.memory_space<vmem>>
    tpu.wait_dma2 semaphore(%arg12 : memref<!tpu.dma_semaphore, #tpu.memory_space<semaphore_mem>>) src(%dma_wait3A_948 : memref<20x1000xf32, #tpu.memory_space<vmem>>) dst(%dma_wait3A_945 : memref<20x1000xf32, #tpu.memory_space<hbm>>)
    %dma_start3A_949 = arith.constant 600 : i32
    %dma_start3A_950 = tpu.memref_slice %arg5[%dma_start3A_949] : memref<640xi32, #tpu.memory_space<vmem>> -> memref<40xi32, #tpu.memory_space<vmem>>
    %dma_start3A_951 = arith.constant 0 : i32
    %dma_start3A_952 = arith.constant 0 : i32
    %dma_start3A_953 = tpu.memref_slice %arg2[%dma_start3A_951, %dma_start3A_952] : memref<1000x1024xf32, #tpu.memory_space<hbm>> -> memref<1000x1024xf32, #tpu.memory_space<hbm>>
    tpu.enqueue_indirect_dma source(%dma_start3A_953 : memref<1000x1024xf32, #tpu.memory_space<hbm>>) target(%arg6 : memref<40x1024xf32, #tpu.memory_space<vmem>>) offsets(%dma_start3A_950 : memref<40xi32, #tpu.memory_space<vmem>>) semaphore(%arg9 : memref<!tpu.dma_semaphore, #tpu.memory_space<semaphore_mem>>)
    %dma_wait3A_954 = arith.constant 520 : i32
    %dma_wait3A_955 = tpu.memref_slice %arg5[%dma_wait3A_954] : memref<640xi32, #tpu.memory_space<vmem>> -> memref<40xi32, #tpu.memory_space<vmem>>
    %dma_wait3A_956 = arith.constant 0 : i32
    %dma_wait3A_957 = arith.constant 0 : i32
    %dma_wait3A_958 = tpu.memref_slice %arg2[%dma_wait3A_956, %dma_wait3A_957] : memref<1000x1024xf32, #tpu.memory_space<hbm>> -> memref<1000x1024xf32, #tpu.memory_space<hbm>>
    tpu.wait_indirect_dma semaphore(%arg10 : memref<!tpu.dma_semaphore, #tpu.memory_space<semaphore_mem>>) src(%dma_wait3A_958 : memref<1000x1024xf32, #tpu.memory_space<hbm>>) dst(%arg7 : memref<40x1024xf32, #tpu.memory_space<vmem>>)
    %add3A_959 = arith.constant 26 : i32
    %add3A_960 = arith.addi %mul3A_2, %add3A_959 : i32
    %add3A_961 = arith.constant 26 : i32
    %add3A_962 = arith.addi %mul3A_2, %add3A_961 : i32
    %add3A_963 = arith.constant 1 : i32
    %add3A_964 = arith.addi %add3A_962, %add3A_963 : i32
    %dma_start3A_965 = arith.constant 0 : i32
    %dma_start3A_966 = arith.constant 0 : i32
    %dma_start3A_967 = tpu.memref_slice %arg7[%dma_start3A_965, %dma_start3A_966] : memref<40x1024xf32, #tpu.memory_space<vmem>> -> memref<20x1000xf32, #tpu.memory_space<vmem>>
    %dma_start3A_968 = arith.constant 0 : i32
    %dma_start3A_969 = arith.constant 0 : i32
    %dma_start3A_970 = tpu.memref_slice %arg4[%add3A_960, %dma_start3A_968, %dma_start3A_969] : memref<1024x20x1000xf32, #tpu.memory_space<hbm>> -> memref<1x20x1000xf32, #tpu.memory_space<hbm>>
    %dma_start3A_971 = tpu.memref_squeeze %dma_start3A_970 : memref<1x20x1000xf32, #tpu.memory_space<hbm>> -> memref<20x1000xf32, #tpu.memory_space<hbm>>
    %dma_start3A_972 = arith.constant 0 : i32
    %dma_start3A_973 = arith.constant 0 : i32
    %dma_start3A_974 = tpu.memref_slice %arg4[%add3A_960, %dma_start3A_972, %dma_start3A_973] : memref<1024x20x1000xf32, #tpu.memory_space<hbm>> -> memref<1x20x1000xf32, #tpu.memory_space<hbm>>
    %dma_start3A_975 = tpu.memref_squeeze %dma_start3A_974 : memref<1x20x1000xf32, #tpu.memory_space<hbm>> -> memref<20x1000xf32, #tpu.memory_space<hbm>>
    %dma_start3A_976 = arith.constant 0 : i32
    %dma_start3A_977 = arith.constant 0 : i32
    %dma_start3A_978 = tpu.memref_slice %arg7[%dma_start3A_976, %dma_start3A_977] : memref<40x1024xf32, #tpu.memory_space<vmem>> -> memref<20x1000xf32, #tpu.memory_space<vmem>>
    tpu.enqueue_dma source(%dma_start3A_978 : memref<20x1000xf32, #tpu.memory_space<vmem>>) target(%dma_start3A_975 : memref<20x1000xf32, #tpu.memory_space<hbm>>) target_semaphore(%arg13 : memref<!tpu.dma_semaphore, #tpu.memory_space<semaphore_mem>>)
    %dma_start3A_979 = arith.constant 20 : i32
    %dma_start3A_980 = arith.constant 0 : i32
    %dma_start3A_981 = tpu.memref_slice %arg7[%dma_start3A_979, %dma_start3A_980] : memref<40x1024xf32, #tpu.memory_space<vmem>> -> memref<20x1000xf32, #tpu.memory_space<vmem>>
    %dma_start3A_982 = arith.constant 0 : i32
    %dma_start3A_983 = arith.constant 0 : i32
    %dma_start3A_984 = tpu.memref_slice %arg4[%add3A_964, %dma_start3A_982, %dma_start3A_983] : memref<1024x20x1000xf32, #tpu.memory_space<hbm>> -> memref<1x20x1000xf32, #tpu.memory_space<hbm>>
    %dma_start3A_985 = tpu.memref_squeeze %dma_start3A_984 : memref<1x20x1000xf32, #tpu.memory_space<hbm>> -> memref<20x1000xf32, #tpu.memory_space<hbm>>
    %dma_start3A_986 = arith.constant 0 : i32
    %dma_start3A_987 = arith.constant 0 : i32
    %dma_start3A_988 = tpu.memref_slice %arg4[%add3A_964, %dma_start3A_986, %dma_start3A_987] : memref<1024x20x1000xf32, #tpu.memory_space<hbm>> -> memref<1x20x1000xf32, #tpu.memory_space<hbm>>
    %dma_start3A_989 = tpu.memref_squeeze %dma_start3A_988 : memref<1x20x1000xf32, #tpu.memory_space<hbm>> -> memref<20x1000xf32, #tpu.memory_space<hbm>>
    %dma_start3A_990 = arith.constant 20 : i32
    %dma_start3A_991 = arith.constant 0 : i32
    %dma_start3A_992 = tpu.memref_slice %arg7[%dma_start3A_990, %dma_start3A_991] : memref<40x1024xf32, #tpu.memory_space<vmem>> -> memref<20x1000xf32, #tpu.memory_space<vmem>>
    tpu.enqueue_dma source(%dma_start3A_992 : memref<20x1000xf32, #tpu.memory_space<vmem>>) target(%dma_start3A_989 : memref<20x1000xf32, #tpu.memory_space<hbm>>) target_semaphore(%arg13 : memref<!tpu.dma_semaphore, #tpu.memory_space<semaphore_mem>>)
    %dma_wait3A_993 = arith.constant 560 : i32
    %dma_wait3A_994 = tpu.memref_slice %arg5[%dma_wait3A_993] : memref<640xi32, #tpu.memory_space<vmem>> -> memref<40xi32, #tpu.memory_space<vmem>>
    %dma_wait3A_995 = arith.constant 0 : i32
    %dma_wait3A_996 = arith.constant 0 : i32
    %dma_wait3A_997 = tpu.memref_slice %arg2[%dma_wait3A_995, %dma_wait3A_996] : memref<1000x1024xf32, #tpu.memory_space<hbm>> -> memref<1000x1024xf32, #tpu.memory_space<hbm>>
    tpu.wait_indirect_dma semaphore(%arg11 : memref<!tpu.dma_semaphore, #tpu.memory_space<semaphore_mem>>) src(%dma_wait3A_997 : memref<1000x1024xf32, #tpu.memory_space<hbm>>) dst(%arg8 : memref<40x1024xf32, #tpu.memory_space<vmem>>)
    %add3A_998 = arith.constant 28 : i32
    %add3A_999 = arith.addi %mul3A_2, %add3A_998 : i32
    %add3A_1000 = arith.constant 28 : i32
    %add3A_1001 = arith.addi %mul3A_2, %add3A_1000 : i32
    %add3A_1002 = arith.constant 1 : i32
    %add3A_1003 = arith.addi %add3A_1001, %add3A_1002 : i32
    %dma_start3A_1004 = arith.constant 0 : i32
    %dma_start3A_1005 = arith.constant 0 : i32
    %dma_start3A_1006 = tpu.memref_slice %arg8[%dma_start3A_1004, %dma_start3A_1005] : memref<40x1024xf32, #tpu.memory_space<vmem>> -> memref<20x1000xf32, #tpu.memory_space<vmem>>
    %dma_start3A_1007 = arith.constant 0 : i32
    %dma_start3A_1008 = arith.constant 0 : i32
    %dma_start3A_1009 = tpu.memref_slice %arg4[%add3A_999, %dma_start3A_1007, %dma_start3A_1008] : memref<1024x20x1000xf32, #tpu.memory_space<hbm>> -> memref<1x20x1000xf32, #tpu.memory_space<hbm>>
    %dma_start3A_1010 = tpu.memref_squeeze %dma_start3A_1009 : memref<1x20x1000xf32, #tpu.memory_space<hbm>> -> memref<20x1000xf32, #tpu.memory_space<hbm>>
    %dma_start3A_1011 = arith.constant 0 : i32
    %dma_start3A_1012 = arith.constant 0 : i32
    %dma_start3A_1013 = tpu.memref_slice %arg4[%add3A_999, %dma_start3A_1011, %dma_start3A_1012] : memref<1024x20x1000xf32, #tpu.memory_space<hbm>> -> memref<1x20x1000xf32, #tpu.memory_space<hbm>>
    %dma_start3A_1014 = tpu.memref_squeeze %dma_start3A_1013 : memref<1x20x1000xf32, #tpu.memory_space<hbm>> -> memref<20x1000xf32, #tpu.memory_space<hbm>>
    %dma_start3A_1015 = arith.constant 0 : i32
    %dma_start3A_1016 = arith.constant 0 : i32
    %dma_start3A_1017 = tpu.memref_slice %arg8[%dma_start3A_1015, %dma_start3A_1016] : memref<40x1024xf32, #tpu.memory_space<vmem>> -> memref<20x1000xf32, #tpu.memory_space<vmem>>
    tpu.enqueue_dma source(%dma_start3A_1017 : memref<20x1000xf32, #tpu.memory_space<vmem>>) target(%dma_start3A_1014 : memref<20x1000xf32, #tpu.memory_space<hbm>>) target_semaphore(%arg14 : memref<!tpu.dma_semaphore, #tpu.memory_space<semaphore_mem>>)
    %dma_start3A_1018 = arith.constant 20 : i32
    %dma_start3A_1019 = arith.constant 0 : i32
    %dma_start3A_1020 = tpu.memref_slice %arg8[%dma_start3A_1018, %dma_start3A_1019] : memref<40x1024xf32, #tpu.memory_space<vmem>> -> memref<20x1000xf32, #tpu.memory_space<vmem>>
    %dma_start3A_1021 = arith.constant 0 : i32
    %dma_start3A_1022 = arith.constant 0 : i32
    %dma_start3A_1023 = tpu.memref_slice %arg4[%add3A_1003, %dma_start3A_1021, %dma_start3A_1022] : memref<1024x20x1000xf32, #tpu.memory_space<hbm>> -> memref<1x20x1000xf32, #tpu.memory_space<hbm>>
    %dma_start3A_1024 = tpu.memref_squeeze %dma_start3A_1023 : memref<1x20x1000xf32, #tpu.memory_space<hbm>> -> memref<20x1000xf32, #tpu.memory_space<hbm>>
    %dma_start3A_1025 = arith.constant 0 : i32
    %dma_start3A_1026 = arith.constant 0 : i32
    %dma_start3A_1027 = tpu.memref_slice %arg4[%add3A_1003, %dma_start3A_1025, %dma_start3A_1026] : memref<1024x20x1000xf32, #tpu.memory_space<hbm>> -> memref<1x20x1000xf32, #tpu.memory_space<hbm>>
    %dma_start3A_1028 = tpu.memref_squeeze %dma_start3A_1027 : memref<1x20x1000xf32, #tpu.memory_space<hbm>> -> memref<20x1000xf32, #tpu.memory_space<hbm>>
    %dma_start3A_1029 = arith.constant 20 : i32
    %dma_start3A_1030 = arith.constant 0 : i32
    %dma_start3A_1031 = tpu.memref_slice %arg8[%dma_start3A_1029, %dma_start3A_1030] : memref<40x1024xf32, #tpu.memory_space<vmem>> -> memref<20x1000xf32, #tpu.memory_space<vmem>>
    tpu.enqueue_dma source(%dma_start3A_1031 : memref<20x1000xf32, #tpu.memory_space<vmem>>) target(%dma_start3A_1028 : memref<20x1000xf32, #tpu.memory_space<hbm>>) target_semaphore(%arg14 : memref<!tpu.dma_semaphore, #tpu.memory_space<semaphore_mem>>)
    %dma_wait3A_1032 = arith.constant 600 : i32
    %dma_wait3A_1033 = tpu.memref_slice %arg5[%dma_wait3A_1032] : memref<640xi32, #tpu.memory_space<vmem>> -> memref<40xi32, #tpu.memory_space<vmem>>
    %dma_wait3A_1034 = arith.constant 0 : i32
    %dma_wait3A_1035 = arith.constant 0 : i32
    %dma_wait3A_1036 = tpu.memref_slice %arg2[%dma_wait3A_1034, %dma_wait3A_1035] : memref<1000x1024xf32, #tpu.memory_space<hbm>> -> memref<1000x1024xf32, #tpu.memory_space<hbm>>
    tpu.wait_indirect_dma semaphore(%arg9 : memref<!tpu.dma_semaphore, #tpu.memory_space<semaphore_mem>>) src(%dma_wait3A_1036 : memref<1000x1024xf32, #tpu.memory_space<hbm>>) dst(%arg6 : memref<40x1024xf32, #tpu.memory_space<vmem>>)
    %add3A_1037 = arith.constant 30 : i32
    %add3A_1038 = arith.addi %mul3A_2, %add3A_1037 : i32
    %add3A_1039 = arith.constant 30 : i32
    %add3A_1040 = arith.addi %mul3A_2, %add3A_1039 : i32
    %add3A_1041 = arith.constant 1 : i32
    %add3A_1042 = arith.addi %add3A_1040, %add3A_1041 : i32
    %dma_start3A_1043 = arith.constant 0 : i32
    %dma_start3A_1044 = arith.constant 0 : i32
    %dma_start3A_1045 = tpu.memref_slice %arg6[%dma_start3A_1043, %dma_start3A_1044] : memref<40x1024xf32, #tpu.memory_space<vmem>> -> memref<20x1000xf32, #tpu.memory_space<vmem>>
    %dma_start3A_1046 = arith.constant 0 : i32
    %dma_start3A_1047 = arith.constant 0 : i32
    %dma_start3A_1048 = tpu.memref_slice %arg4[%add3A_1038, %dma_start3A_1046, %dma_start3A_1047] : memref<1024x20x1000xf32, #tpu.memory_space<hbm>> -> memref<1x20x1000xf32, #tpu.memory_space<hbm>>
    %dma_start3A_1049 = tpu.memref_squeeze %dma_start3A_1048 : memref<1x20x1000xf32, #tpu.memory_space<hbm>> -> memref<20x1000xf32, #tpu.memory_space<hbm>>
    %dma_start3A_1050 = arith.constant 0 : i32
    %dma_start3A_1051 = arith.constant 0 : i32
    %dma_start3A_1052 = tpu.memref_slice %arg4[%add3A_1038, %dma_start3A_1050, %dma_start3A_1051] : memref<1024x20x1000xf32, #tpu.memory_space<hbm>> -> memref<1x20x1000xf32, #tpu.memory_space<hbm>>
    %dma_start3A_1053 = tpu.memref_squeeze %dma_start3A_1052 : memref<1x20x1000xf32, #tpu.memory_space<hbm>> -> memref<20x1000xf32, #tpu.memory_space<hbm>>
    %dma_start3A_1054 = arith.constant 0 : i32
    %dma_start3A_1055 = arith.constant 0 : i32
    %dma_start3A_1056 = tpu.memref_slice %arg6[%dma_start3A_1054, %dma_start3A_1055] : memref<40x1024xf32, #tpu.memory_space<vmem>> -> memref<20x1000xf32, #tpu.memory_space<vmem>>
    tpu.enqueue_dma source(%dma_start3A_1056 : memref<20x1000xf32, #tpu.memory_space<vmem>>) target(%dma_start3A_1053 : memref<20x1000xf32, #tpu.memory_space<hbm>>) target_semaphore(%arg12 : memref<!tpu.dma_semaphore, #tpu.memory_space<semaphore_mem>>)
    %dma_start3A_1057 = arith.constant 20 : i32
    %dma_start3A_1058 = arith.constant 0 : i32
    %dma_start3A_1059 = tpu.memref_slice %arg6[%dma_start3A_1057, %dma_start3A_1058] : memref<40x1024xf32, #tpu.memory_space<vmem>> -> memref<20x1000xf32, #tpu.memory_space<vmem>>
    %dma_start3A_1060 = arith.constant 0 : i32
    %dma_start3A_1061 = arith.constant 0 : i32
    %dma_start3A_1062 = tpu.memref_slice %arg4[%add3A_1042, %dma_start3A_1060, %dma_start3A_1061] : memref<1024x20x1000xf32, #tpu.memory_space<hbm>> -> memref<1x20x1000xf32, #tpu.memory_space<hbm>>
    %dma_start3A_1063 = tpu.memref_squeeze %dma_start3A_1062 : memref<1x20x1000xf32, #tpu.memory_space<hbm>> -> memref<20x1000xf32, #tpu.memory_space<hbm>>
    %dma_start3A_1064 = arith.constant 0 : i32
    %dma_start3A_1065 = arith.constant 0 : i32
    %dma_start3A_1066 = tpu.memref_slice %arg4[%add3A_1042, %dma_start3A_1064, %dma_start3A_1065] : memref<1024x20x1000xf32, #tpu.memory_space<hbm>> -> memref<1x20x1000xf32, #tpu.memory_space<hbm>>
    %dma_start3A_1067 = tpu.memref_squeeze %dma_start3A_1066 : memref<1x20x1000xf32, #tpu.memory_space<hbm>> -> memref<20x1000xf32, #tpu.memory_space<hbm>>
    %dma_start3A_1068 = arith.constant 20 : i32
    %dma_start3A_1069 = arith.constant 0 : i32
    %dma_start3A_1070 = tpu.memref_slice %arg6[%dma_start3A_1068, %dma_start3A_1069] : memref<40x1024xf32, #tpu.memory_space<vmem>> -> memref<20x1000xf32, #tpu.memory_space<vmem>>
    tpu.enqueue_dma source(%dma_start3A_1070 : memref<20x1000xf32, #tpu.memory_space<vmem>>) target(%dma_start3A_1067 : memref<20x1000xf32, #tpu.memory_space<hbm>>) target_semaphore(%arg12 : memref<!tpu.dma_semaphore, #tpu.memory_space<semaphore_mem>>)
    %dma_wait3A_1071 = arith.constant 0 : i32
    %dma_wait3A_1072 = arith.constant 0 : i32
    %dma_wait3A_1073 = tpu.memref_slice %arg7[%dma_wait3A_1071, %dma_wait3A_1072] : memref<40x1024xf32, #tpu.memory_space<vmem>> -> memref<20x1000xf32, #tpu.memory_space<vmem>>
    %dma_wait3A_1074 = arith.constant 0 : i32
    %dma_wait3A_1075 = arith.constant 0 : i32
    %dma_wait3A_1076 = tpu.memref_slice %arg4[%add3A_960, %dma_wait3A_1074, %dma_wait3A_1075] : memref<1024x20x1000xf32, #tpu.memory_space<hbm>> -> memref<1x20x1000xf32, #tpu.memory_space<hbm>>
    %dma_wait3A_1077 = tpu.memref_squeeze %dma_wait3A_1076 : memref<1x20x1000xf32, #tpu.memory_space<hbm>> -> memref<20x1000xf32, #tpu.memory_space<hbm>>
    %dma_wait3A_1078 = arith.constant 0 : i32
    %dma_wait3A_1079 = arith.constant 0 : i32
    %dma_wait3A_1080 = tpu.memref_slice %arg4[%add3A_960, %dma_wait3A_1078, %dma_wait3A_1079] : memref<1024x20x1000xf32, #tpu.memory_space<hbm>> -> memref<1x20x1000xf32, #tpu.memory_space<hbm>>
    %dma_wait3A_1081 = tpu.memref_squeeze %dma_wait3A_1080 : memref<1x20x1000xf32, #tpu.memory_space<hbm>> -> memref<20x1000xf32, #tpu.memory_space<hbm>>
    %dma_wait3A_1082 = arith.constant 0 : i32
    %dma_wait3A_1083 = arith.constant 0 : i32
    %dma_wait3A_1084 = tpu.memref_slice %arg7[%dma_wait3A_1082, %dma_wait3A_1083] : memref<40x1024xf32, #tpu.memory_space<vmem>> -> memref<20x1000xf32, #tpu.memory_space<vmem>>
    tpu.wait_dma2 semaphore(%arg13 : memref<!tpu.dma_semaphore, #tpu.memory_space<semaphore_mem>>) src(%dma_wait3A_1084 : memref<20x1000xf32, #tpu.memory_space<vmem>>) dst(%dma_wait3A_1081 : memref<20x1000xf32, #tpu.memory_space<hbm>>)
    %dma_wait3A_1085 = arith.constant 20 : i32
    %dma_wait3A_1086 = arith.constant 0 : i32
    %dma_wait3A_1087 = tpu.memref_slice %arg7[%dma_wait3A_1085, %dma_wait3A_1086] : memref<40x1024xf32, #tpu.memory_space<vmem>> -> memref<20x1000xf32, #tpu.memory_space<vmem>>
    %dma_wait3A_1088 = arith.constant 0 : i32
    %dma_wait3A_1089 = arith.constant 0 : i32
    %dma_wait3A_1090 = tpu.memref_slice %arg4[%add3A_964, %dma_wait3A_1088, %dma_wait3A_1089] : memref<1024x20x1000xf32, #tpu.memory_space<hbm>> -> memref<1x20x1000xf32, #tpu.memory_space<hbm>>
    %dma_wait3A_1091 = tpu.memref_squeeze %dma_wait3A_1090 : memref<1x20x1000xf32, #tpu.memory_space<hbm>> -> memref<20x1000xf32, #tpu.memory_space<hbm>>
    %dma_wait3A_1092 = arith.constant 0 : i32
    %dma_wait3A_1093 = arith.constant 0 : i32
    %dma_wait3A_1094 = tpu.memref_slice %arg4[%add3A_964, %dma_wait3A_1092, %dma_wait3A_1093] : memref<1024x20x1000xf32, #tpu.memory_space<hbm>> -> memref<1x20x1000xf32, #tpu.memory_space<hbm>>
    %dma_wait3A_1095 = tpu.memref_squeeze %dma_wait3A_1094 : memref<1x20x1000xf32, #tpu.memory_space<hbm>> -> memref<20x1000xf32, #tpu.memory_space<hbm>>
    %dma_wait3A_1096 = arith.constant 20 : i32
    %dma_wait3A_1097 = arith.constant 0 : i32
    %dma_wait3A_1098 = tpu.memref_slice %arg7[%dma_wait3A_1096, %dma_wait3A_1097] : memref<40x1024xf32, #tpu.memory_space<vmem>> -> memref<20x1000xf32, #tpu.memory_space<vmem>>
    tpu.wait_dma2 semaphore(%arg13 : memref<!tpu.dma_semaphore, #tpu.memory_space<semaphore_mem>>) src(%dma_wait3A_1098 : memref<20x1000xf32, #tpu.memory_space<vmem>>) dst(%dma_wait3A_1095 : memref<20x1000xf32, #tpu.memory_space<hbm>>)
    %dma_wait3A_1099 = arith.constant 0 : i32
    %dma_wait3A_1100 = arith.constant 0 : i32
    %dma_wait3A_1101 = tpu.memref_slice %arg8[%dma_wait3A_1099, %dma_wait3A_1100] : memref<40x1024xf32, #tpu.memory_space<vmem>> -> memref<20x1000xf32, #tpu.memory_space<vmem>>
    %dma_wait3A_1102 = arith.constant 0 : i32
    %dma_wait3A_1103 = arith.constant 0 : i32
    %dma_wait3A_1104 = tpu.memref_slice %arg4[%add3A_999, %dma_wait3A_1102, %dma_wait3A_1103] : memref<1024x20x1000xf32, #tpu.memory_space<hbm>> -> memref<1x20x1000xf32, #tpu.memory_space<hbm>>
    %dma_wait3A_1105 = tpu.memref_squeeze %dma_wait3A_1104 : memref<1x20x1000xf32, #tpu.memory_space<hbm>> -> memref<20x1000xf32, #tpu.memory_space<hbm>>
    %dma_wait3A_1106 = arith.constant 0 : i32
    %dma_wait3A_1107 = arith.constant 0 : i32
    %dma_wait3A_1108 = tpu.memref_slice %arg4[%add3A_999, %dma_wait3A_1106, %dma_wait3A_1107] : memref<1024x20x1000xf32, #tpu.memory_space<hbm>> -> memref<1x20x1000xf32, #tpu.memory_space<hbm>>
    %dma_wait3A_1109 = tpu.memref_squeeze %dma_wait3A_1108 : memref<1x20x1000xf32, #tpu.memory_space<hbm>> -> memref<20x1000xf32, #tpu.memory_space<hbm>>
    %dma_wait3A_1110 = arith.constant 0 : i32
    %dma_wait3A_1111 = arith.constant 0 : i32
    %dma_wait3A_1112 = tpu.memref_slice %arg8[%dma_wait3A_1110, %dma_wait3A_1111] : memref<40x1024xf32, #tpu.memory_space<vmem>> -> memref<20x1000xf32, #tpu.memory_space<vmem>>
    tpu.wait_dma2 semaphore(%arg14 : memref<!tpu.dma_semaphore, #tpu.memory_space<semaphore_mem>>) src(%dma_wait3A_1112 : memref<20x1000xf32, #tpu.memory_space<vmem>>) dst(%dma_wait3A_1109 : memref<20x1000xf32, #tpu.memory_space<hbm>>)
    %dma_wait3A_1113 = arith.constant 20 : i32
    %dma_wait3A_1114 = arith.constant 0 : i32
    %dma_wait3A_1115 = tpu.memref_slice %arg8[%dma_wait3A_1113, %dma_wait3A_1114] : memref<40x1024xf32, #tpu.memory_space<vmem>> -> memref<20x1000xf32, #tpu.memory_space<vmem>>
    %dma_wait3A_1116 = arith.constant 0 : i32
    %dma_wait3A_1117 = arith.constant 0 : i32
    %dma_wait3A_1118 = tpu.memref_slice %arg4[%add3A_1003, %dma_wait3A_1116, %dma_wait3A_1117] : memref<1024x20x1000xf32, #tpu.memory_space<hbm>> -> memref<1x20x1000xf32, #tpu.memory_space<hbm>>
    %dma_wait3A_1119 = tpu.memref_squeeze %dma_wait3A_1118 : memref<1x20x1000xf32, #tpu.memory_space<hbm>> -> memref<20x1000xf32, #tpu.memory_space<hbm>>
    %dma_wait3A_1120 = arith.constant 0 : i32
    %dma_wait3A_1121 = arith.constant 0 : i32
    %dma_wait3A_1122 = tpu.memref_slice %arg4[%add3A_1003, %dma_wait3A_1120, %dma_wait3A_1121] : memref<1024x20x1000xf32, #tpu.memory_space<hbm>> -> memref<1x20x1000xf32, #tpu.memory_space<hbm>>
    %dma_wait3A_1123 = tpu.memref_squeeze %dma_wait3A_1122 : memref<1x20x1000xf32, #tpu.memory_space<hbm>> -> memref<20x1000xf32, #tpu.memory_space<hbm>>
    %dma_wait3A_1124 = arith.constant 20 : i32
    %dma_wait3A_1125 = arith.constant 0 : i32
    %dma_wait3A_1126 = tpu.memref_slice %arg8[%dma_wait3A_1124, %dma_wait3A_1125] : memref<40x1024xf32, #tpu.memory_space<vmem>> -> memref<20x1000xf32, #tpu.memory_space<vmem>>
    tpu.wait_dma2 semaphore(%arg14 : memref<!tpu.dma_semaphore, #tpu.memory_space<semaphore_mem>>) src(%dma_wait3A_1126 : memref<20x1000xf32, #tpu.memory_space<vmem>>) dst(%dma_wait3A_1123 : memref<20x1000xf32, #tpu.memory_space<hbm>>)
    %dma_wait3A_1127 = arith.constant 0 : i32
    %dma_wait3A_1128 = arith.constant 0 : i32
    %dma_wait3A_1129 = tpu.memref_slice %arg6[%dma_wait3A_1127, %dma_wait3A_1128] : memref<40x1024xf32, #tpu.memory_space<vmem>> -> memref<20x1000xf32, #tpu.memory_space<vmem>>
    %dma_wait3A_1130 = arith.constant 0 : i32
    %dma_wait3A_1131 = arith.constant 0 : i32
    %dma_wait3A_1132 = tpu.memref_slice %arg4[%add3A_1038, %dma_wait3A_1130, %dma_wait3A_1131] : memref<1024x20x1000xf32, #tpu.memory_space<hbm>> -> memref<1x20x1000xf32, #tpu.memory_space<hbm>>
    %dma_wait3A_1133 = tpu.memref_squeeze %dma_wait3A_1132 : memref<1x20x1000xf32, #tpu.memory_space<hbm>> -> memref<20x1000xf32, #tpu.memory_space<hbm>>
    %dma_wait3A_1134 = arith.constant 0 : i32
    %dma_wait3A_1135 = arith.constant 0 : i32
    %dma_wait3A_1136 = tpu.memref_slice %arg4[%add3A_1038, %dma_wait3A_1134, %dma_wait3A_1135] : memref<1024x20x1000xf32, #tpu.memory_space<hbm>> -> memref<1x20x1000xf32, #tpu.memory_space<hbm>>
    %dma_wait3A_1137 = tpu.memref_squeeze %dma_wait3A_1136 : memref<1x20x1000xf32, #tpu.memory_space<hbm>> -> memref<20x1000xf32, #tpu.memory_space<hbm>>
    %dma_wait3A_1138 = arith.constant 0 : i32
    %dma_wait3A_1139 = arith.constant 0 : i32
    %dma_wait3A_1140 = tpu.memref_slice %arg6[%dma_wait3A_1138, %dma_wait3A_1139] : memref<40x1024xf32, #tpu.memory_space<vmem>> -> memref<20x1000xf32, #tpu.memory_space<vmem>>
    tpu.wait_dma2 semaphore(%arg12 : memref<!tpu.dma_semaphore, #tpu.memory_space<semaphore_mem>>) src(%dma_wait3A_1140 : memref<20x1000xf32, #tpu.memory_space<vmem>>) dst(%dma_wait3A_1137 : memref<20x1000xf32, #tpu.memory_space<hbm>>)
    %dma_wait3A_1141 = arith.constant 20 : i32
    %dma_wait3A_1142 = arith.constant 0 : i32
    %dma_wait3A_1143 = tpu.memref_slice %arg6[%dma_wait3A_1141, %dma_wait3A_1142] : memref<40x1024xf32, #tpu.memory_space<vmem>> -> memref<20x1000xf32, #tpu.memory_space<vmem>>
    %dma_wait3A_1144 = arith.constant 0 : i32
    %dma_wait3A_1145 = arith.constant 0 : i32
    %dma_wait3A_1146 = tpu.memref_slice %arg4[%add3A_1042, %dma_wait3A_1144, %dma_wait3A_1145] : memref<1024x20x1000xf32, #tpu.memory_space<hbm>> -> memref<1x20x1000xf32, #tpu.memory_space<hbm>>
    %dma_wait3A_1147 = tpu.memref_squeeze %dma_wait3A_1146 : memref<1x20x1000xf32, #tpu.memory_space<hbm>> -> memref<20x1000xf32, #tpu.memory_space<hbm>>
    %dma_wait3A_1148 = arith.constant 0 : i32
    %dma_wait3A_1149 = arith.constant 0 : i32
    %dma_wait3A_1150 = tpu.memref_slice %arg4[%add3A_1042, %dma_wait3A_1148, %dma_wait3A_1149] : memref<1024x20x1000xf32, #tpu.memory_space<hbm>> -> memref<1x20x1000xf32, #tpu.memory_space<hbm>>
    %dma_wait3A_1151 = tpu.memref_squeeze %dma_wait3A_1150 : memref<1x20x1000xf32, #tpu.memory_space<hbm>> -> memref<20x1000xf32, #tpu.memory_space<hbm>>
    %dma_wait3A_1152 = arith.constant 20 : i32
    %dma_wait3A_1153 = arith.constant 0 : i32
    %dma_wait3A_1154 = tpu.memref_slice %arg6[%dma_wait3A_1152, %dma_wait3A_1153] : memref<40x1024xf32, #tpu.memory_space<vmem>> -> memref<20x1000xf32, #tpu.memory_space<vmem>>
    tpu.wait_dma2 semaphore(%arg12 : memref<!tpu.dma_semaphore, #tpu.memory_space<semaphore_mem>>) src(%dma_wait3A_1154 : memref<20x1000xf32, #tpu.memory_space<vmem>>) dst(%dma_wait3A_1151 : memref<20x1000xf32, #tpu.memory_space<hbm>>)
    return
  }
}

</mosaic_0001>

<sc_bundles>
// kernel: kernel.3.cloned.1.call-start
scs
__scs_entry_jumppad:
0x0: {  	(pc) =	sbr.rel $0x88, $3  }
0x1: {  	(tag) =	ssettag $0x0;
	lr =	simm.s32 $0x1  }
0x2: {  	[smem:$0x3F9F] =	sst lr;
	_ =	strace $0xD0000000  }
0x3: {  	_ = 	snop  }
0x4: {  	_ = 	snop  }
0x5: {  	_ = 	snop  }
0x6: {  	_ = 	snop  }
0x7: {  	_ = 	snop  }
__scs_overlays_trampoline_lowered:
0x8: {  	[smem:$0x3FAE] =	sst s0  }
0x9: {  	[smem:$0x3FAF] =	sst s1  }
0xa: {  	[smem:$0x3FB0] =	sst s2  }
0xb: {  	[smem:$0x3FB1] =	sst s3  }
0xc: {  	[smem:$0x3FB2] =	sst s4  }
0xd: {  	[smem:$0x3FB3] =	sst s5  }
0xe: {  	[smem:$0x3FB4] =	sst s6  }
0xf: {  	[smem:$0x3FB5] =	sst s7  }
0x10: {  	[smem:$0x3FB6] =	sst s8  }
0x11: {  	[smem:$0x3FB7] =	sst s9;
	s0 =	simm.s32 @!p0 $0x0  }
0x12: {  	s1 =	sld [smem:$0x3F9D];
	s0 =	simm.s32 @p0 $0x1  }
0x13: {  	[smem:$0x3FB8] =	sst s0;
	s0 =	simm.s32 @!p1 $0x0  }
0x14: {  	s2 =	sld [smem:$0x3F9C];
	s0 =	simm.s32 @p1 $0x1  }
0x15: {  	[smem:$0x3FB9] =	sst s0;
	s0 =	simm.s32 @!p2 $0x0  }
0x16: {  	s3 =	sld [smem:$0x3FDB];
	s0 =	simm.s32 @p2 $0x1  }
0x17: {  	s4 =	simm.s32 $0x1BF5;
	[smem:$0x3FBB] =	sst s0  }
0x18: {  	s0 =	sld [smem:$0x3F9E];
	_ =	swait.ge [sflag:s4], $0x0  }
0x19: {  	s7 =	sld [smem:$0x3F9F]  }
0x1a: {  	s8 =	sadd.s32 $0xFFFFE003, lr  }
0x1b: {  	s9 =	sadd.s32 $0xFFFFFEF7, lr;
	s5 =	simm.s32 $0xFFFFFFFF;
	p2 =	slt.u32 s8, $0xFFFFF086  }
0x1c: {  	p1 =	slt.u32 s9, $0xF7A;
	s5 =	simm.s32 @!p2 $0x0  }
0x1d: {  	s5 =	simm.s32 @p1 $0x1;
	p0 =	seq.s32 s7, s2  }
0x1e: {  	s7 =	smul.u32 @!p0 $0xF7A, s2;
	p2 =	seq.s32 @!p0 s5, $0x0  }
0x1f: {  	s9 =	smul.u32 $0xF7A, s1;
	s8 =	simm.s32 @!p0 $0x1BF5;
	p2 =	por !p2, p0  }
0x20: {  	[sflag:s8] =	ssyncset.s32 @!p0 $0xFFFFF086;
	s6 =	sadd.s32 @!p0 s3, s7;
	s7 =	simm.s32 @!p0 $0x108  }
0x21: {  	s3 =	sadd.s32 s3, s9;
	s6 =	sadd.s32 @!p0 $0x88, s6;
	s7 =	simm.s32 @p2 $0x1082  }
0x22: {  	[simem:s7], [sflag:s8] =	dma.local @!p0 [hbm:s6], $0xF7A  }
0x23: {  	s9 =	sor.u32 $0xD0000000, s2;
	s6 =	simm.s32 $0x108;
	_ =	swait.ge @!p0 [sflag:s8], $0x0  }
0x24: {  	s3 =	sadd.s32 $0x88, s3;
	s6 =	simm.s32 @!p1 $0x1082;
	[sflag:s4] =	ssyncset.s32 $0xFFFFF086  }
0x25: {  	[simem:s6], [sflag:s4] =	dma.local [hbm:s3], $0xF7A  }
0x26: {  	[smem:$0x3F9F] =	sst s1;
	(tag) =	ssettag s2;
	_ =	strace s9  }
0x27: {  	s1 =	sld [smem:$0x3FAF]  }
0x28: {  	s2 =	sld [smem:$0x3FB0]  }
0x29: {  	s4 =	sld [smem:$0x3FB2]  }
0x2a: {  	p0 =	seq.s32 s5, $0x0;
	s5 =	sld [smem:$0x3FB3]  }
0x2b: {  	s6 =	sld [smem:$0x3FB4]  }
0x2c: {  	s7 =	sld [smem:$0x3FB5]  }
0x2d: {  	s3 =	simm.s32 $0x108;
	s8 =	sld [smem:$0x3FB6]  }
0x2e: {  	s3 =	simm.s32 @!p0 $0x1082;
	s9 =	sld [smem:$0x3FB7]  }
0x2f: {  	lr =	sadd.s32 s0, s3;
	s0 =	sld [smem:$0x3FAE]  }
0x30: {  	s3 =	sld [smem:$0x3FB1]  }
0x31: {  	[smem:$0x3FBA] =	sst s10  }
0x32: {  	s10 =	sld [smem:$0x3FB8];
	_ =	sdelay $0x3  }
0x33: {  	p0 =	seq.s32 s10, $0x1;
	s10 =	sld [smem:$0x3FBA];
	_ =	sdelay $0x3  }
0x34: {  	[smem:$0x3FBA] =	sst s10  }
0x35: {  	s10 =	sld [smem:$0x3FB9];
	_ =	sdelay $0x3  }
0x36: {  	p1 =	seq.s32 s10, $0x1;
	s10 =	sld [smem:$0x3FBA];
	_ =	sdelay $0x3  }
0x37: {  	[smem:$0x3FBA] =	sst s10  }
0x38: {  	s10 =	sld [smem:$0x3FBB]  }
0x39: {  	_ = 	snop;
	(pc) =	sbr.ind lr, $3  }
0x3a: {  	_ = 	snop  }
0x3b: {  	_ = 	snop  }
0x3c: {  	p2 =	seq.s32 s10, $0x1;
	s10 =	sld [smem:$0x3FBA]  }
0x3d: {  	_ =	shalt  }
0x3e: {  	_ =	shalt  }
0x3f: {  	_ =	shalt  }
0x40: {  	_ =	shalt  }
0x41: {  	_ =	shalt  }
0x42: {  	_ =	shalt  }
0x43: {  	_ =	shalt  }
0x44: {  	_ =	shalt  }
0x45: {  	_ =	shalt  }
0x46: {  	_ =	shalt  }
0x47: {  	_ =	shalt  }
0x48: {  	_ =	shalt  }
0x49: {  	_ =	shalt  }
0x4a: {  	_ =	shalt  }
0x4b: {  	_ =	shalt  }
0x4c: {  	_ =	shalt  }
0x4d: {  	_ =	shalt  }
0x4e: {  	_ =	shalt  }
0x4f: {  	_ =	shalt  }
0x50: {  	_ =	shalt  }
0x51: {  	_ =	shalt  }
0x52: {  	_ =	shalt  }
0x53: {  	_ =	shalt  }
0x54: {  	_ =	shalt  }
0x55: {  	_ =	shalt  }
0x56: {  	_ =	shalt  }
0x57: {  	_ =	shalt  }
0x58: {  	_ =	shalt  }
0x59: {  	_ =	shalt  }
0x5a: {  	_ =	shalt  }
0x5b: {  	_ =	shalt  }
0x5c: {  	_ =	shalt  }
0x5d: {  	_ =	shalt  }
0x5e: {  	_ =	shalt  }
0x5f: {  	_ =	shalt  }
0x60: {  	_ =	shalt  }
0x61: {  	_ =	shalt  }
0x62: {  	_ =	shalt  }
0x63: {  	_ =	shalt  }
0x64: {  	_ =	shalt  }
0x65: {  	_ =	shalt  }
0x66: {  	_ =	shalt  }
0x67: {  	_ =	shalt  }
0x68: {  	_ =	shalt  }
0x69: {  	_ =	shalt  }
0x6a: {  	_ =	shalt  }
0x6b: {  	_ =	shalt  }
0x6c: {  	_ =	shalt  }
0x6d: {  	_ =	shalt  }
0x6e: {  	_ =	shalt  }
0x6f: {  	_ =	shalt  }
0x70: {  	_ =	shalt  }
0x71: {  	_ =	shalt  }
0x72: {  	_ =	shalt  }
0x73: {  	_ =	shalt  }
0x74: {  	_ =	shalt  }
0x75: {  	_ =	shalt  }
0x76: {  	_ =	shalt  }
0x77: {  	_ =	shalt  }
0x78: {  	_ =	shalt  }
0x79: {  	_ =	shalt  }
0x7a: {  	_ =	shalt  }
0x7b: {  	_ =	shalt  }
0x7c: {  	_ =	shalt  }
0x7d: {  	_ =	shalt  }
0x7e: {  	_ =	shalt  }
0x7f: {  	_ =	shalt  }
0x80: {  	_ =	shalt  }
0x81: {  	_ =	shalt  }
0x82: {  	_ =	shalt  }
0x83: {  	_ =	shalt  }
0x84: {  	_ =	shalt  }
0x85: {  	_ =	shalt  }
0x86: {  	_ =	shalt  }
0x87: {  	_ =	shalt  }
.Lfunc_end0:
.L_simem_size_0:
called_computation.1_lowered:
.L_overlay_start_0:
0x88: {  	s2 =	sld [smem:$0x3FD9]  }
0x89: {  	s3 =	sld [smem:$0x3FFE];
	_ =	sdelay $0x1  }
0x8a: {  	s1 =	srdreg.scid  }
0x8b: {  	s0 =	sand.u32 $0x1, s1  }
0x8c: {  	s17 =	sshll.u32 s0, $0xA;
	s2 =	sadd.s32 s3, s2  }
0x8d: {  	s2 =	sadd.s32 s2, s17  }
0x8e: {  	[smem:$0x3FC6] =	sst s2  }
0x8f: {  	_ = 	snop  }
0x90: {  	s2 =	sld [smem:$0x3FD0];
	(tm) =	ssettm $0x1  }
0x91: {  	s18 =	sld [smem:$0x3FFB];
	_ =	sdelay $0x3  }
0x92: {  	_ =	strace s18  }
0x93: {  	s3 =	sld [smem:$0x3FFC];
	_ =	sdelay $0x3  }
0x94: {  	_ =	strace s3  }
0x95: {  	s3 =	sld [smem:$0x3FFD];
	_ =	sdelay $0x3  }
0x96: {  	_ =	strace s3  }
0x97: {  	_ =	strace $0x8FFFFFFF  }
0x98: {  	s19 =	sld [smem:$0x3FDB];
	_ =	sdelay $0x1  }
0x99: {  	s4 =	simm.s32 $_scs_section_size  }
0x9a: {  	s5 =	simm.s32 $_size__tile_overlayer_lowered;
	s6 =	simm.s32 $_tile_overlayer_lowered  }
0x9b: {  	s22 =	simm.s32 $0x1BFF;
	s21 =	sshll.u32 s6, $0x1;
	s3 =	sadd.s32 s4, s19  }
0x9c: {  	s7 =	simm.s32 $0x0;
	s20 =	sshll.u32 s5, $0x1;
	s5 =	sadd.s32 s21, s3  }
0x9d: {  	[timem:s7], [sflag:s22] =	dma.local [hbm:s5], s20  }
0x9e: {  	_ =	swait.ge [sflag:s22], s20  }
0x9f: {  	s4 =	ssub.s32 $0x0, s20;
	[sflag:s22] =	ssyncset.done $0x0  }
0xa0: {  	[sflag:s22] =	ssyncadd.s32 s4;
	_ =	sdelay $0x1  }
0xa1: {  	s23 =	simm.s32 $0x1B8B  }
0xa2: {  	_ =	swait.ge [sflag:s23], $0x1  }
0xa3: {  	[sflag:s23] =	ssyncset.done $0x0  }
0xa4: {  	s25 =	simm.s32 $0x1B8E;
	s24 =	sld [smem:$0x3FFE];
	[sflag:s23] =	ssyncadd.s32 $0xFFFFFFFF  }
0xa5: {  	s26 =	simm.s32 $execute0_lowered;
	[smem:$0x3FD2] =	sst s25  }
0xa6: {  	s5 =	sshll.u32 s26, $0x1;
	_ =	strace $0x80000046;
	[dreg:$0x1] =	wrdreg $0xFFFFFFFF  }
0xa7: {  	s28 =	simm.s32 $_size_execute0_lowered;
	s3 =	sadd.s32 s3, s5;
	[dreg:$0x0] =	wrdreg $0x0  }
0xa8: {  	s5 =	sshll.u32 s28, $0x1;
	[dreg:$0x2] =	wrdreg s3  }
0xa9: {  	[dreg:$0x3] =	wrdreg s5  }
0xaa: {  	[dreg:$0x4] =	wrdreg $0xC0  }
0xab: {  	_ =	task [dreg:s7], $0x5FFFF  }
0xac: {  	[dreg:$0x1] =	wrdreg $0xFFFFFFFF  }
0xad: {  	[dreg:$0x0] =	wrdreg $0x60  }
0xae: {  	[dreg:$0x2] =	wrdreg s24  }
0xaf: {  	[dreg:$0x3] =	wrdreg s2  }
0xb0: {  	[dreg:$0x4] =	wrdreg $0x9  }
0xb1: {  	_ =	task.clear_ibuf [dreg:s7], $0x5FFFF;
	_ =	strace $0x90000046  }
0xb2: {  	s29 =	simm.s32 $0x9;
	_ =	strace $0x80000048  }
0xb3: {  	_ =	swait.ge [sflag:s29], $0x1  }
0xb4: {  	[sflag:s29] =	ssyncadd.s32 $0xFFFFFFFF  }
0xb5: {  	_ =	strace $0x90000048  }
0xb6: {  	_ =	sfence  }
0xb7: {  	s30 =	sld [smem:$0x0];
	_ =	sdelay $0x2  }
0xb8: {  	s31 =	sshll.u32 s1, $0xD;
	s1 =	sshrl.u32 s1, $0x2  }
0xb9: {  	s3 =	sand.u32 $0x4000, s31;
	s1 =	sadd.s32 s1, s30  }
0xba: {  	s0 =	sor.u32 s3, s0;
	s1 =	sshll.u32 s1, $0x11  }
0xbb: {  	s0 =	sor.u32 s1, s0  }
0xbc: {  	s0 =	sadd.s32 $0x8F2B, s0  }
0xbd: {  	[sflag:s0] =	ssyncadd.remote.s32 $0x1  }
0xbe: {  	_ =	sfence.sel $0xFFFF  }
0xbf: {  	[dreg:$0x0] =	wrdreg $0xFFFFFFFF;
	(pc) =	sbr.abs _section_cstart, $3  }
0xc0: {  	[dreg:$0x1] =	wrdreg $0xFFFFFFFF  }
0xc1: {  	_ =	task.clear_ibuf [dreg:s7], $0x2FFFF;
	_ =	strace $0x9FFFFFFF  }
0xc2: {  	(tm) =	ssettm $0x7FFFFFFF  }
0xc3: {  	_ =	shalt  }
tec
execute0_lowered:
.L_overlay_start_1:
0x0: {  	(tag) =	ssettag $0x1  }
0x1: {  	s3 =	srdreg.scid;
	s4 =	stileid.u32  }
0x2: {  	s0 =	rddreg [dreg:$0x0];
	s3 =	sand.u32 $0x1, s3;
	s4 =	sshll.u32 s4, $0x1  }
0x3: {  	s1 =	rddreg [dreg:$0x1];
	s4 =	sor.u32 s3, s4  }
0x4: {  	s2 =	simm.s32 $0x0;
	s3 =	ssub.s32 $0x2, s3;
	s5 =	smul.u32 $0x9C400, s4  }
0x5: {  	[smem:$0x7FF] =	sst s2;
	s9 =	smul.u32 $0x50, s4;
	s7 =	sshrl.u32 s3, $0x1  }
0x6: {  	s6 =	sadd.s32 $0x1200, s0;
	s4 =	smul.u32 $0x13880, s4;
	s7 =	ssub.s32 s3, s7  }
0x7: {  	_ =	strace $0x80000047;
	[dreg:$0x3] =	wrdreg s6;
	s7 =	smax.u32 s7, $0x1  }
0x8: {  	s0 =	sadd.s32 s9, s0;
	s8 =	sadd.s32 s1, s4;
	[dreg:$0x11] =	wrdreg s7  }
0x9: {  	s5 =	sshrl.u32 s5, $0x3;
	s0 =	sadd.s32 $0x800, s0;
	[dreg:$0x5] =	wrdreg s8  }
0xa: {  	s9 =	simm.s32 $0x0;
	s10 =	sadd.s32 s1, s5;
	[dreg:$0x4] =	wrdreg s0  }
0xb: {  	s11 =	sadd.s32 $0x9C4, s10;
	s22 =	sadd.s32 $0x1388, s10;
	s12 =	sadd.s32 $0x1D4C, s10  }
0xc: {  	s23 =	sadd.s32 $0x2710, s10;
	s13 =	sadd.s32 $0x30D4, s10;
	s24 =	sadd.s32 $0x3A98, s10  }
0xd: {  	s14 =	sadd.s32 $0x445C, s10;
	s25 =	sadd.s32 $0x4E20, s10;
	s15 =	sadd.s32 $0x57E4, s10  }
0xe: {  	s26 =	sadd.s32 $0x61A8, s10;
	s16 =	sadd.s32 $0x6B6C, s10;
	[dreg:$0x7] =	wrdreg s22  }
0xf: {  	s17 =	sadd.s32 $0x7530, s10;
	s18 =	sadd.s32 $0x7EF4, s10;
	[dreg:$0x9] =	wrdreg s23  }
0x10: {  	s19 =	sadd.s32 $0x88B8, s10;
	s20 =	sadd.s32 $0x927C, s10;
	[dreg:$0xb] =	wrdreg s24  }
0x11: {  	s21 =	sadd.s32 $0x9C40, s10;
	s28 =	sadd.s32 $0xD6D8, s10;
	[dreg:$0xd] =	wrdreg s25  }
0x12: {  	s29 =	sadd.s32 $0xE09C, s10;
	s30 =	sadd.s32 $0xEA60, s10;
	[dreg:$0xf] =	wrdreg s26  }
0x13: {  	s31 =	sadd.s32 $0xF424, s10;
	s0 =	sadd.s32 $0xFDE8, s10;
	[dreg:$0x6] =	wrdreg s11  }
0x14: {  	s1 =	sadd.s32 $0x107AC, s10;
	s4 =	sadd.s32 $0x11170, s10;
	[dreg:$0x8] =	wrdreg s12  }
0x15: {  	s3 =	sadd.s32 $0x11B34, s10;
	s5 =	sadd.s32 $0x124F8, s10;
	[dreg:$0xa] =	wrdreg s13  }
0x16: {  	s6 =	sadd.s32 $0x12EBC, s10;
	s22 =	sadd.s32 $0xA604, s10;
	[dreg:$0xc] =	wrdreg s14  }
0x17: {  	s23 =	sadd.s32 $0xAFC8, s10;
	s24 =	sadd.s32 $0xB98C, s10;
	[dreg:$0xe] =	wrdreg s15  }
0x18: {  	s25 =	sadd.s32 $0xC350, s10;
	s26 =	sadd.s32 $0xCD14, s10;
	[dreg:$0x10] =	wrdreg s16  }
.LBB2_1:
0x19: {  	[dreg:$0x12] =	wrdreg s9  }
0x1a: {  	s7 =	rddreg [dreg:$0x4];
	s11 =	simm.s32 $0x7  }
0x1b: {  	[tilespmem:s2], [sflag:$0x7] =	stream.linear.gather [hbm4b:s7+s2], $0x280, $0x38;
	[tilespmem:$0x1E280] =	vst v63  }
0x1c: {  	_ =	swait.ge [sflag:s11], $0x280  }
0x1d: {  	s13 =	simm.s32 $0x28;
	[sflag:s11] =	ssyncset.done $0x0  }
0x1e: {  	s10 =	simm.s32 $0x280;
	s12 =	rddreg [dreg:$0x3];
	[sflag:s11] =	ssyncadd.s32 $0xFFFFFD80  }
0x1f: {  	[tilespmem:s10], [sflag:$0x1] =	stream.indirect.gather [hbm4b:s12+s13], $0x400, s2, s13, $0xb8;
	[tilespmem:$0x1E280] =	vst v63  }
0x20: {  	s14 =	simm.s32 $0xA280  }
0x21: {  	[tilespmem:s14], [sflag:$0x2] =	stream.indirect.gather [hbm4b:s12+s13], $0x400, s13, s13, $0xb8;
	[tilespmem:$0x1E280] =	vst v63  }
0x22: {  	s15 =	simm.s32 $0x50;
	s16 =	simm.s32 $0x1;
	s11 =	simm.s32 $0x14280  }
0x23: {  	[tilespmem:s11], [sflag:$0x3] =	stream.indirect.gather [hbm4b:s12+s13], $0x400, s15, s13, $0xb8;
	[tilespmem:$0x1E280] =	vst v63  }
0x24: {  	s9 =	simm.s32 $0x280;
	_ =	swait.ge [sflag:s16], $0xA000  }
0x25: {  	s7 =	simm.s32 $0x7D;
	s10 =	sadd.s32 $0x0, s8;
	[sflag:s16] =	ssyncset.done $0x0  }
0x26: {  	s11 =	smov.u32 s8;
	s8 =	simm.s32 $0x680;
	[sflag:s16] =	ssyncadd.s32 $0xFFFF6000  }
.LBB2_2:
0x27: {  	[hbm4b:s10+s2] =	stream.linear.scatter [tilespmem:s9], [sflag:$0x4], $0x3E8, $0x38;
	[tilespmem:$0x1E280] =	vst v63  }
0x28: {  	s10 =	smov.u32 s7;
	s9 =	smov.u32 s8;
	p0 =	sne.s32 s7, $0x947  }
.Ltmp0:
0x29: {  	s7 =	sadd.s32 $0x7D, s7;
	(pc) =	sbr.rel @p0 .LBB2_2-.Ltmp0, $2  }
0x2a: {  	_ =	sdelay $0x2  }
0x2b: {  	s8 =	sadd.s32 $0x400, s8;
	s10 =	sadd.s32 s10, s11  }
0x2c: {  	[hbm4b:s10+s2] =	stream.linear.scatter [tilespmem:s9], [sflag:$0x4], $0x3E8, $0x38;
	[tilespmem:$0x1E280] =	vst v63  }
0x2d: {  	s7 =	simm.s32 $0x5280;
	s11 =	rddreg [dreg:$0x6]  }
0x2e: {  	s8 =	simm.s32 $0x7D;
	s9 =	simm.s32 $0x5680;
	s10 =	sadd.s32 $0x0, s11  }
.LBB2_4:
0x2f: {  	[hbm4b:s10+s2] =	stream.linear.scatter [tilespmem:s7], [sflag:$0x4], $0x3E8, $0x38;
	[tilespmem:$0x1E280] =	vst v63  }
0x30: {  	s10 =	smov.u32 s8;
	s7 =	smov.u32 s9;
	p0 =	sne.s32 s8, $0x947  }
.Ltmp1:
0x31: {  	s8 =	sadd.s32 $0x7D, s8;
	(pc) =	sbr.rel @p0 .LBB2_4-.Ltmp1, $2  }
0x32: {  	_ =	sdelay $0x2  }
0x33: {  	s9 =	sadd.s32 $0x400, s9;
	s10 =	sadd.s32 s10, s11  }
0x34: {  	[hbm4b:s10+s2] =	stream.linear.scatter [tilespmem:s7], [sflag:$0x4], $0x3E8, $0x38;
	[tilespmem:$0x1E280] =	vst v63  }
0x35: {  	s13 =	simm.s32 $0x4  }
0x36: {  	_ =	swait.ge [sflag:s13], $0x4E20  }
0x37: {  	[sflag:s13] =	ssyncset.done $0x0  }
0x38: {  	[sflag:s13] =	ssyncadd.s32 $0xFFFFB1E0  }
0x39: {  	s8 =	simm.s32 $0x28;
	_ =	swait.ge [sflag:s13], $0x4E20  }
0x3a: {  	s9 =	simm.s32 $0x78;
	s15 =	simm.s32 $0x280;
	[sflag:s13] =	ssyncset.done $0x0  }
0x3b: {  	s16 =	simm.s32 $0x2;
	s14 =	rddreg [dreg:$0x3];
	[sflag:s13] =	ssyncadd.s32 $0xFFFFB1E0  }
0x3c: {  	[tilespmem:s15], [sflag:$0x1] =	stream.indirect.gather [hbm4b:s14+s8], $0x400, s9, s8, $0xb8;
	[tilespmem:$0x1E280] =	vst v63  }
0x3d: {  	s7 =	simm.s32 $0xA280;
	_ =	swait.ge [sflag:s16], $0xA000  }
0x3e: {  	s8 =	simm.s32 $0x7D;
	[sflag:s16] =	ssyncset.done $0x0;
	s12 =	rddreg [dreg:$0x7]  }
0x3f: {  	s9 =	simm.s32 $0xA680;
	[sflag:s16] =	ssyncadd.s32 $0xFFFF6000;
	s10 =	sadd.s32 $0x0, s12  }
.LBB2_6:
0x40: {  	[hbm4b:s10+s2] =	stream.linear.scatter [tilespmem:s7], [sflag:$0x5], $0x3E8, $0x38;
	[tilespmem:$0x1E280] =	vst v63  }
0x41: {  	s10 =	smov.u32 s8;
	s7 =	smov.u32 s9;
	p0 =	sne.s32 s8, $0x947  }
.Ltmp2:
0x42: {  	s8 =	sadd.s32 $0x7D, s8;
	(pc) =	sbr.rel @p0 .LBB2_6-.Ltmp2, $2  }
0x43: {  	_ =	sdelay $0x2  }
0x44: {  	s9 =	sadd.s32 $0x400, s9;
	s10 =	sadd.s32 s10, s12  }
0x45: {  	[hbm4b:s10+s2] =	stream.linear.scatter [tilespmem:s7], [sflag:$0x5], $0x3E8, $0x38;
	[tilespmem:$0x1E280] =	vst v63  }
0x46: {  	s7 =	simm.s32 $0xF280;
	s12 =	rddreg [dreg:$0x8]  }
0x47: {  	s8 =	simm.s32 $0x7D;
	s9 =	simm.s32 $0xF680;
	s10 =	sadd.s32 $0x0, s12  }
.LBB2_8:
0x48: {  	[hbm4b:s10+s2] =	stream.linear.scatter [tilespmem:s7], [sflag:$0x5], $0x3E8, $0x38;
	[tilespmem:$0x1E280] =	vst v63  }
0x49: {  	s10 =	smov.u32 s8;
	s7 =	smov.u32 s9;
	p0 =	sne.s32 s8, $0x947  }
.Ltmp3:
0x4a: {  	s8 =	sadd.s32 $0x7D, s8;
	(pc) =	sbr.rel @p0 .LBB2_8-.Ltmp3, $2  }
0x4b: {  	_ =	sdelay $0x2  }
0x4c: {  	s9 =	sadd.s32 $0x400, s9;
	s10 =	sadd.s32 s10, s12  }
0x4d: {  	[hbm4b:s10+s2] =	stream.linear.scatter [tilespmem:s7], [sflag:$0x5], $0x3E8, $0x38;
	[tilespmem:$0x1E280] =	vst v63  }
0x4e: {  	s13 =	simm.s32 $0x5  }
0x4f: {  	_ =	swait.ge [sflag:s13], $0x4E20  }
0x50: {  	[sflag:s13] =	ssyncset.done $0x0  }
0x51: {  	[sflag:s13] =	ssyncadd.s32 $0xFFFFB1E0  }
0x52: {  	s8 =	simm.s32 $0x28;
	_ =	swait.ge [sflag:s13], $0x4E20  }
0x53: {  	s9 =	simm.s32 $0xA280;
	s15 =	simm.s32 $0xA0;
	[sflag:s13] =	ssyncset.done $0x0  }
0x54: {  	s16 =	simm.s32 $0x3;
	s14 =	rddreg [dreg:$0x3];
	[sflag:s13] =	ssyncadd.s32 $0xFFFFB1E0  }
0x55: {  	[tilespmem:s9], [sflag:$0x2] =	stream.indirect.gather [hbm4b:s14+s8], $0x400, s15, s8, $0xb8;
	[tilespmem:$0x1E280] =	vst v63  }
0x56: {  	s7 =	simm.s32 $0x14280;
	_ =	swait.ge [sflag:s16], $0xA000  }
0x57: {  	s8 =	simm.s32 $0x7D;
	[sflag:s16] =	ssyncset.done $0x0;
	s13 =	rddreg [dreg:$0x9]  }
0x58: {  	s9 =	simm.s32 $0x14680;
	[sflag:s16] =	ssyncadd.s32 $0xFFFF6000;
	s10 =	sadd.s32 $0x0, s13  }
.LBB2_10:
0x59: {  	[hbm4b:s10+s2] =	stream.linear.scatter [tilespmem:s7], [sflag:$0x6], $0x3E8, $0x38;
	[tilespmem:$0x1E280] =	vst v63  }
0x5a: {  	s10 =	smov.u32 s8;
	s7 =	smov.u32 s9;
	p0 =	sne.s32 s8, $0x947  }
.Ltmp4:
0x5b: {  	s8 =	sadd.s32 $0x7D, s8;
	(pc) =	sbr.rel @p0 .LBB2_10-.Ltmp4, $2  }
0x5c: {  	_ =	sdelay $0x2  }
0x5d: {  	s9 =	sadd.s32 $0x400, s9;
	s10 =	sadd.s32 s10, s13  }
0x5e: {  	[hbm4b:s10+s2] =	stream.linear.scatter [tilespmem:s7], [sflag:$0x6], $0x3E8, $0x38;
	[tilespmem:$0x1E280] =	vst v63  }
0x5f: {  	s7 =	simm.s32 $0x19280;
	s13 =	rddreg [dreg:$0xa]  }
0x60: {  	s8 =	simm.s32 $0x7D;
	s9 =	simm.s32 $0x19680;
	s10 =	sadd.s32 $0x0, s13  }
.LBB2_12:
0x61: {  	[hbm4b:s10+s2] =	stream.linear.scatter [tilespmem:s7], [sflag:$0x6], $0x3E8, $0x38;
	[tilespmem:$0x1E280] =	vst v63  }
0x62: {  	s10 =	smov.u32 s8;
	s7 =	smov.u32 s9;
	p0 =	sne.s32 s8, $0x947  }
.Ltmp5:
0x63: {  	s8 =	sadd.s32 $0x7D, s8;
	(pc) =	sbr.rel @p0 .LBB2_12-.Ltmp5, $2  }
0x64: {  	_ =	sdelay $0x2  }
0x65: {  	s9 =	sadd.s32 $0x400, s9;
	s10 =	sadd.s32 s10, s13  }
0x66: {  	[hbm4b:s10+s2] =	stream.linear.scatter [tilespmem:s7], [sflag:$0x6], $0x3E8, $0x38;
	[tilespmem:$0x1E280] =	vst v63  }
0x67: {  	s13 =	simm.s32 $0x6  }
0x68: {  	_ =	swait.ge [sflag:s13], $0x4E20  }
0x69: {  	[sflag:s13] =	ssyncset.done $0x0  }
0x6a: {  	[sflag:s13] =	ssyncadd.s32 $0xFFFFB1E0  }
0x6b: {  	s8 =	simm.s32 $0x28;
	_ =	swait.ge [sflag:s13], $0x4E20  }
0x6c: {  	s9 =	simm.s32 $0x14280;
	s15 =	simm.s32 $0xC8;
	[sflag:s13] =	ssyncset.done $0x0  }
0x6d: {  	s16 =	simm.s32 $0x1;
	s14 =	rddreg [dreg:$0x3];
	[sflag:s13] =	ssyncadd.s32 $0xFFFFB1E0  }
0x6e: {  	[tilespmem:s9], [sflag:$0x3] =	stream.indirect.gather [hbm4b:s14+s8], $0x400, s15, s8, $0xb8;
	[tilespmem:$0x1E280] =	vst v63  }
0x6f: {  	s7 =	simm.s32 $0x280;
	_ =	swait.ge [sflag:s16], $0xA000  }
0x70: {  	s8 =	simm.s32 $0x7D;
	[sflag:s16] =	ssyncset.done $0x0;
	s14 =	rddreg [dreg:$0xb]  }
0x71: {  	s9 =	simm.s32 $0x680;
	[sflag:s16] =	ssyncadd.s32 $0xFFFF6000;
	s10 =	sadd.s32 $0x0, s14  }
.LBB2_14:
0x72: {  	[hbm4b:s10+s2] =	stream.linear.scatter [tilespmem:s7], [sflag:$0x4], $0x3E8, $0x38;
	[tilespmem:$0x1E280] =	vst v63  }
0x73: {  	s10 =	smov.u32 s8;
	s7 =	smov.u32 s9;
	p0 =	sne.s32 s8, $0x947  }
.Ltmp6:
0x74: {  	s8 =	sadd.s32 $0x7D, s8;
	(pc) =	sbr.rel @p0 .LBB2_14-.Ltmp6, $2  }
0x75: {  	_ =	sdelay $0x2  }
0x76: {  	s9 =	sadd.s32 $0x400, s9;
	s10 =	sadd.s32 s10, s14  }
0x77: {  	[hbm4b:s10+s2] =	stream.linear.scatter [tilespmem:s7], [sflag:$0x4], $0x3E8, $0x38;
	[tilespmem:$0x1E280] =	vst v63  }
0x78: {  	s7 =	simm.s32 $0x5280;
	s14 =	rddreg [dreg:$0xc]  }
0x79: {  	s8 =	simm.s32 $0x7D;
	s9 =	simm.s32 $0x5680;
	s10 =	sadd.s32 $0x0, s14  }
.LBB2_16:
0x7a: {  	[hbm4b:s10+s2] =	stream.linear.scatter [tilespmem:s7], [sflag:$0x4], $0x3E8, $0x38;
	[tilespmem:$0x1E280] =	vst v63  }
0x7b: {  	s10 =	smov.u32 s8;
	s7 =	smov.u32 s9;
	p0 =	sne.s32 s8, $0x947  }
.Ltmp7:
0x7c: {  	s8 =	sadd.s32 $0x7D, s8;
	(pc) =	sbr.rel @p0 .LBB2_16-.Ltmp7, $2  }
0x7d: {  	_ =	sdelay $0x2  }
0x7e: {  	s9 =	sadd.s32 $0x400, s9;
	s10 =	sadd.s32 s10, s14  }
0x7f: {  	[hbm4b:s10+s2] =	stream.linear.scatter [tilespmem:s7], [sflag:$0x4], $0x3E8, $0x38;
	[tilespmem:$0x1E280] =	vst v63  }
0x80: {  	s13 =	simm.s32 $0x4  }
0x81: {  	_ =	swait.ge [sflag:s13], $0x4E20  }
0x82: {  	[sflag:s13] =	ssyncset.done $0x0  }
0x83: {  	[sflag:s13] =	ssyncadd.s32 $0xFFFFB1E0  }
0x84: {  	s8 =	simm.s32 $0x28;
	_ =	swait.ge [sflag:s13], $0x4E20  }
0x85: {  	s9 =	simm.s32 $0x280;
	s15 =	simm.s32 $0xF0;
	[sflag:s13] =	ssyncset.done $0x0  }
0x86: {  	s16 =	simm.s32 $0x2;
	s14 =	rddreg [dreg:$0x3];
	[sflag:s13] =	ssyncadd.s32 $0xFFFFB1E0  }
0x87: {  	[tilespmem:s9], [sflag:$0x1] =	stream.indirect.gather [hbm4b:s14+s8], $0x400, s15, s8, $0xb8;
	[tilespmem:$0x1E280] =	vst v63  }
0x88: {  	s7 =	simm.s32 $0xA280;
	_ =	swait.ge [sflag:s16], $0xA000  }
0x89: {  	s8 =	simm.s32 $0x7D;
	[sflag:s16] =	ssyncset.done $0x0;
	s15 =	rddreg [dreg:$0xd]  }
0x8a: {  	s9 =	simm.s32 $0xA680;
	[sflag:s16] =	ssyncadd.s32 $0xFFFF6000;
	s10 =	sadd.s32 $0x0, s15  }
.LBB2_18:
0x8b: {  	[hbm4b:s10+s2] =	stream.linear.scatter [tilespmem:s7], [sflag:$0x5], $0x3E8, $0x38;
	[tilespmem:$0x1E280] =	vst v63  }
0x8c: {  	s10 =	smov.u32 s8;
	s7 =	smov.u32 s9;
	p0 =	sne.s32 s8, $0x947  }
.Ltmp8:
0x8d: {  	s8 =	sadd.s32 $0x7D, s8;
	(pc) =	sbr.rel @p0 .LBB2_18-.Ltmp8, $2  }
0x8e: {  	_ =	sdelay $0x2  }
0x8f: {  	s9 =	sadd.s32 $0x400, s9;
	s10 =	sadd.s32 s10, s15  }
0x90: {  	[hbm4b:s10+s2] =	stream.linear.scatter [tilespmem:s7], [sflag:$0x5], $0x3E8, $0x38;
	[tilespmem:$0x1E280] =	vst v63  }
0x91: {  	s7 =	simm.s32 $0xF280;
	s15 =	rddreg [dreg:$0xe]  }
0x92: {  	s8 =	simm.s32 $0x7D;
	s9 =	simm.s32 $0xF680;
	s10 =	sadd.s32 $0x0, s15  }
.LBB2_20:
0x93: {  	[hbm4b:s10+s2] =	stream.linear.scatter [tilespmem:s7], [sflag:$0x5], $0x3E8, $0x38;
	[tilespmem:$0x1E280] =	vst v63  }
0x94: {  	s10 =	smov.u32 s8;
	s7 =	smov.u32 s9;
	p0 =	sne.s32 s8, $0x947  }
.Ltmp9:
0x95: {  	s8 =	sadd.s32 $0x7D, s8;
	(pc) =	sbr.rel @p0 .LBB2_20-.Ltmp9, $2  }
0x96: {  	_ =	sdelay $0x2  }
0x97: {  	s9 =	sadd.s32 $0x400, s9;
	s10 =	sadd.s32 s10, s15  }
0x98: {  	[hbm4b:s10+s2] =	stream.linear.scatter [tilespmem:s7], [sflag:$0x5], $0x3E8, $0x38;
	[tilespmem:$0x1E280] =	vst v63  }
0x99: {  	s13 =	simm.s32 $0x5  }
0x9a: {  	_ =	swait.ge [sflag:s13], $0x4E20  }
0x9b: {  	[sflag:s13] =	ssyncset.done $0x0  }
0x9c: {  	[sflag:s13] =	ssyncadd.s32 $0xFFFFB1E0  }
0x9d: {  	s8 =	simm.s32 $0x28;
	_ =	swait.ge [sflag:s13], $0x4E20  }
0x9e: {  	s9 =	simm.s32 $0xA280;
	s15 =	simm.s32 $0x118;
	[sflag:s13] =	ssyncset.done $0x0  }
0x9f: {  	s16 =	simm.s32 $0x3;
	s14 =	rddreg [dreg:$0x3];
	[sflag:s13] =	ssyncadd.s32 $0xFFFFB1E0  }
0xa0: {  	[tilespmem:s9], [sflag:$0x2] =	stream.indirect.gather [hbm4b:s14+s8], $0x400, s15, s8, $0xb8;
	[tilespmem:$0x1E280] =	vst v63  }
0xa1: {  	_ =	swait.ge [sflag:s16], $0xA000  }
0xa2: {  	[sflag:s16] =	ssyncset.done $0x0  }
0xa3: {  	s7 =	simm.s32 $0x14280;
	[sflag:s16] =	ssyncadd.s32 $0xFFFF6000;
	s16 =	rddreg [dreg:$0xf]  }
0xa4: {  	s8 =	simm.s32 $0x7D;
	s9 =	simm.s32 $0x14680;
	s10 =	sadd.s32 $0x0, s16  }
.LBB2_22:
0xa5: {  	[hbm4b:s10+s2] =	stream.linear.scatter [tilespmem:s7], [sflag:$0x6], $0x3E8, $0x38;
	[tilespmem:$0x1E280] =	vst v63  }
0xa6: {  	s10 =	smov.u32 s8;
	s7 =	smov.u32 s9;
	p0 =	sne.s32 s8, $0x947  }
.Ltmp10:
0xa7: {  	s8 =	sadd.s32 $0x7D, s8;
	(pc) =	sbr.rel @p0 .LBB2_22-.Ltmp10, $2  }
0xa8: {  	_ =	sdelay $0x2  }
0xa9: {  	s9 =	sadd.s32 $0x400, s9;
	s10 =	sadd.s32 s10, s16  }
0xaa: {  	[hbm4b:s10+s2] =	stream.linear.scatter [tilespmem:s7], [sflag:$0x6], $0x3E8, $0x38;
	[tilespmem:$0x1E280] =	vst v63  }
0xab: {  	s7 =	simm.s32 $0x19280;
	s16 =	rddreg [dreg:$0x10]  }
0xac: {  	s8 =	simm.s32 $0x7D;
	s9 =	simm.s32 $0x19680;
	s10 =	sadd.s32 $0x0, s16  }
.LBB2_24:
0xad: {  	[hbm4b:s10+s2] =	stream.linear.scatter [tilespmem:s7], [sflag:$0x6], $0x3E8, $0x38;
	[tilespmem:$0x1E280] =	vst v63  }
0xae: {  	s10 =	smov.u32 s8;
	s7 =	smov.u32 s9;
	p0 =	sne.s32 s8, $0x947  }
.Ltmp11:
0xaf: {  	s8 =	sadd.s32 $0x7D, s8;
	(pc) =	sbr.rel @p0 .LBB2_24-.Ltmp11, $2  }
0xb0: {  	_ =	sdelay $0x2  }
0xb1: {  	s9 =	sadd.s32 $0x400, s9;
	s10 =	sadd.s32 s10, s16  }
0xb2: {  	[hbm4b:s10+s2] =	stream.linear.scatter [tilespmem:s7], [sflag:$0x6], $0x3E8, $0x38;
	[tilespmem:$0x1E280] =	vst v63  }
0xb3: {  	s13 =	simm.s32 $0x6  }
0xb4: {  	_ =	swait.ge [sflag:s13], $0x4E20  }
0xb5: {  	[sflag:s13] =	ssyncset.done $0x0  }
0xb6: {  	[sflag:s13] =	ssyncadd.s32 $0xFFFFB1E0  }
0xb7: {  	s8 =	simm.s32 $0x28;
	_ =	swait.ge [sflag:s13], $0x4E20  }
0xb8: {  	s9 =	simm.s32 $0x14280;
	s15 =	simm.s32 $0x140;
	[sflag:s13] =	ssyncset.done $0x0  }
0xb9: {  	s16 =	simm.s32 $0x1;
	s14 =	rddreg [dreg:$0x3];
	[sflag:s13] =	ssyncadd.s32 $0xFFFFB1E0  }
0xba: {  	[tilespmem:s9], [sflag:$0x3] =	stream.indirect.gather [hbm4b:s14+s8], $0x400, s15, s8, $0xb8;
	[tilespmem:$0x1E280] =	vst v63  }
0xbb: {  	_ =	swait.ge [sflag:s16], $0xA000  }
0xbc: {  	s7 =	simm.s32 $0x280;
	s10 =	sadd.s32 $0x0, s17;
	[sflag:s16] =	ssyncset.done $0x0  }
0xbd: {  	s8 =	simm.s32 $0x7D;
	s9 =	simm.s32 $0x680;
	[sflag:s16] =	ssyncadd.s32 $0xFFFF6000  }
.LBB2_26:
0xbe: {  	[hbm4b:s10+s2] =	stream.linear.scatter [tilespmem:s7], [sflag:$0x4], $0x3E8, $0x38;
	[tilespmem:$0x1E280] =	vst v63  }
0xbf: {  	s10 =	smov.u32 s8;
	s7 =	smov.u32 s9;
	p0 =	sne.s32 s8, $0x947  }
.Ltmp12:
0xc0: {  	s8 =	sadd.s32 $0x7D, s8;
	(pc) =	sbr.rel @p0 .LBB2_26-.Ltmp12, $2  }
0xc1: {  	_ =	sdelay $0x2  }
0xc2: {  	s9 =	sadd.s32 $0x400, s9;
	s10 =	sadd.s32 s10, s17  }
0xc3: {  	[hbm4b:s10+s2] =	stream.linear.scatter [tilespmem:s7], [sflag:$0x4], $0x3E8, $0x38;
	[tilespmem:$0x1E280] =	vst v63  }
0xc4: {  	s7 =	simm.s32 $0x5280  }
0xc5: {  	s8 =	simm.s32 $0x7D;
	s10 =	sadd.s32 $0x0, s18;
	s9 =	simm.s32 $0x5680  }
.LBB2_28:
0xc6: {  	[hbm4b:s10+s2] =	stream.linear.scatter [tilespmem:s7], [sflag:$0x4], $0x3E8, $0x38;
	[tilespmem:$0x1E280] =	vst v63  }
0xc7: {  	s10 =	smov.u32 s8;
	s7 =	smov.u32 s9;
	p0 =	sne.s32 s8, $0x947  }
.Ltmp13:
0xc8: {  	s8 =	sadd.s32 $0x7D, s8;
	(pc) =	sbr.rel @p0 .LBB2_28-.Ltmp13, $2  }
0xc9: {  	_ =	sdelay $0x2  }
0xca: {  	s9 =	sadd.s32 $0x400, s9;
	s10 =	sadd.s32 s10, s18  }
0xcb: {  	[hbm4b:s10+s2] =	stream.linear.scatter [tilespmem:s7], [sflag:$0x4], $0x3E8, $0x38;
	[tilespmem:$0x1E280] =	vst v63  }
0xcc: {  	s13 =	simm.s32 $0x4  }
0xcd: {  	_ =	swait.ge [sflag:s13], $0x4E20  }
0xce: {  	[sflag:s13] =	ssyncset.done $0x0  }
0xcf: {  	[sflag:s13] =	ssyncadd.s32 $0xFFFFB1E0  }
0xd0: {  	s8 =	simm.s32 $0x28;
	_ =	swait.ge [sflag:s13], $0x4E20  }
0xd1: {  	s9 =	simm.s32 $0x280;
	s15 =	simm.s32 $0x168;
	[sflag:s13] =	ssyncset.done $0x0  }
0xd2: {  	s16 =	simm.s32 $0x2;
	s14 =	rddreg [dreg:$0x3];
	[sflag:s13] =	ssyncadd.s32 $0xFFFFB1E0  }
0xd3: {  	[tilespmem:s9], [sflag:$0x1] =	stream.indirect.gather [hbm4b:s14+s8], $0x400, s15, s8, $0xb8;
	[tilespmem:$0x1E280] =	vst v63  }
0xd4: {  	_ =	swait.ge [sflag:s16], $0xA000  }
0xd5: {  	s7 =	simm.s32 $0xA280;
	s10 =	sadd.s32 $0x0, s19;
	[sflag:s16] =	ssyncset.done $0x0  }
0xd6: {  	s8 =	simm.s32 $0x7D;
	s9 =	simm.s32 $0xA680;
	[sflag:s16] =	ssyncadd.s32 $0xFFFF6000  }
.LBB2_30:
0xd7: {  	[hbm4b:s10+s2] =	stream.linear.scatter [tilespmem:s7], [sflag:$0x5], $0x3E8, $0x38;
	[tilespmem:$0x1E280] =	vst v63  }
0xd8: {  	s10 =	smov.u32 s8;
	s7 =	smov.u32 s9;
	p0 =	sne.s32 s8, $0x947  }
.Ltmp14:
0xd9: {  	s8 =	sadd.s32 $0x7D, s8;
	(pc) =	sbr.rel @p0 .LBB2_30-.Ltmp14, $2  }
0xda: {  	_ =	sdelay $0x2  }
0xdb: {  	s9 =	sadd.s32 $0x400, s9;
	s10 =	sadd.s32 s10, s19  }
0xdc: {  	[hbm4b:s10+s2] =	stream.linear.scatter [tilespmem:s7], [sflag:$0x5], $0x3E8, $0x38;
	[tilespmem:$0x1E280] =	vst v63  }
0xdd: {  	s7 =	simm.s32 $0xF280  }
0xde: {  	s8 =	simm.s32 $0x7D;
	s10 =	sadd.s32 $0x0, s20;
	s9 =	simm.s32 $0xF680  }
.LBB2_32:
0xdf: {  	[hbm4b:s10+s2] =	stream.linear.scatter [tilespmem:s7], [sflag:$0x5], $0x3E8, $0x38;
	[tilespmem:$0x1E280] =	vst v63  }
0xe0: {  	s10 =	smov.u32 s8;
	s7 =	smov.u32 s9;
	p0 =	sne.s32 s8, $0x947  }
.Ltmp15:
0xe1: {  	s8 =	sadd.s32 $0x7D, s8;
	(pc) =	sbr.rel @p0 .LBB2_32-.Ltmp15, $2  }
0xe2: {  	_ =	sdelay $0x2  }
0xe3: {  	s9 =	sadd.s32 $0x400, s9;
	s10 =	sadd.s32 s10, s20  }
0xe4: {  	[hbm4b:s10+s2] =	stream.linear.scatter [tilespmem:s7], [sflag:$0x5], $0x3E8, $0x38;
	[tilespmem:$0x1E280] =	vst v63  }
0xe5: {  	s13 =	simm.s32 $0x5  }
0xe6: {  	_ =	swait.ge [sflag:s13], $0x4E20  }
0xe7: {  	[sflag:s13] =	ssyncset.done $0x0  }
0xe8: {  	[sflag:s13] =	ssyncadd.s32 $0xFFFFB1E0  }
0xe9: {  	s8 =	simm.s32 $0x28;
	_ =	swait.ge [sflag:s13], $0x4E20  }
0xea: {  	s9 =	simm.s32 $0xA280;
	s15 =	simm.s32 $0x190;
	[sflag:s13] =	ssyncset.done $0x0  }
0xeb: {  	s16 =	simm.s32 $0x3;
	s14 =	rddreg [dreg:$0x3];
	[sflag:s13] =	ssyncadd.s32 $0xFFFFB1E0  }
0xec: {  	[tilespmem:s9], [sflag:$0x2] =	stream.indirect.gather [hbm4b:s14+s8], $0x400, s15, s8, $0xb8;
	[tilespmem:$0x1E280] =	vst v63  }
0xed: {  	_ =	swait.ge [sflag:s16], $0xA000  }
0xee: {  	s7 =	simm.s32 $0x14280;
	s10 =	sadd.s32 $0x0, s21;
	[sflag:s16] =	ssyncset.done $0x0  }
0xef: {  	s8 =	simm.s32 $0x7D;
	s9 =	simm.s32 $0x14680;
	[sflag:s16] =	ssyncadd.s32 $0xFFFF6000  }
.LBB2_34:
0xf0: {  	[hbm4b:s10+s2] =	stream.linear.scatter [tilespmem:s7], [sflag:$0x6], $0x3E8, $0x38;
	[tilespmem:$0x1E280] =	vst v63  }
0xf1: {  	s10 =	smov.u32 s8;
	s7 =	smov.u32 s9;
	p0 =	sne.s32 s8, $0x947  }
.Ltmp16:
0xf2: {  	s8 =	sadd.s32 $0x7D, s8;
	(pc) =	sbr.rel @p0 .LBB2_34-.Ltmp16, $2  }
0xf3: {  	_ =	sdelay $0x2  }
0xf4: {  	s9 =	sadd.s32 $0x400, s9;
	s10 =	sadd.s32 s10, s21  }
0xf5: {  	[hbm4b:s10+s2] =	stream.linear.scatter [tilespmem:s7], [sflag:$0x6], $0x3E8, $0x38;
	[tilespmem:$0x1E280] =	vst v63  }
0xf6: {  	s7 =	simm.s32 $0x19280  }
0xf7: {  	s8 =	simm.s32 $0x7D;
	s10 =	sadd.s32 $0x0, s22;
	s9 =	simm.s32 $0x19680  }
.LBB2_36:
0xf8: {  	[hbm4b:s10+s2] =	stream.linear.scatter [tilespmem:s7], [sflag:$0x6], $0x3E8, $0x38;
	[tilespmem:$0x1E280] =	vst v63  }
0xf9: {  	s10 =	smov.u32 s8;
	s7 =	smov.u32 s9;
	p0 =	sne.s32 s8, $0x947  }
.Ltmp17:
0xfa: {  	s8 =	sadd.s32 $0x7D, s8;
	(pc) =	sbr.rel @p0 .LBB2_36-.Ltmp17, $2  }
0xfb: {  	_ =	sdelay $0x2  }
0xfc: {  	s9 =	sadd.s32 $0x400, s9;
	s10 =	sadd.s32 s10, s22  }
0xfd: {  	[hbm4b:s10+s2] =	stream.linear.scatter [tilespmem:s7], [sflag:$0x6], $0x3E8, $0x38;
	[tilespmem:$0x1E280] =	vst v63  }
0xfe: {  	s13 =	simm.s32 $0x6  }
0xff: {  	_ =	swait.ge [sflag:s13], $0x4E20  }
0x100: {  	[sflag:s13] =	ssyncset.done $0x0  }
0x101: {  	[sflag:s13] =	ssyncadd.s32 $0xFFFFB1E0  }
0x102: {  	s8 =	simm.s32 $0x28;
	_ =	swait.ge [sflag:s13], $0x4E20  }
0x103: {  	s9 =	simm.s32 $0x14280;
	s15 =	simm.s32 $0x1B8;
	[sflag:s13] =	ssyncset.done $0x0  }
0x104: {  	s16 =	simm.s32 $0x1;
	s14 =	rddreg [dreg:$0x3];
	[sflag:s13] =	ssyncadd.s32 $0xFFFFB1E0  }
0x105: {  	[tilespmem:s9], [sflag:$0x3] =	stream.indirect.gather [hbm4b:s14+s8], $0x400, s15, s8, $0xb8;
	[tilespmem:$0x1E280] =	vst v63  }
0x106: {  	_ =	swait.ge [sflag:s16], $0xA000  }
0x107: {  	s7 =	simm.s32 $0x280;
	s10 =	sadd.s32 $0x0, s23;
	[sflag:s16] =	ssyncset.done $0x0  }
0x108: {  	s8 =	simm.s32 $0x7D;
	s9 =	simm.s32 $0x680;
	[sflag:s16] =	ssyncadd.s32 $0xFFFF6000  }
.LBB2_38:
0x109: {  	[hbm4b:s10+s2] =	stream.linear.scatter [tilespmem:s7], [sflag:$0x4], $0x3E8, $0x38;
	[tilespmem:$0x1E280] =	vst v63  }
0x10a: {  	s10 =	smov.u32 s8;
	s7 =	smov.u32 s9;
	p0 =	sne.s32 s8, $0x947  }
.Ltmp18:
0x10b: {  	s8 =	sadd.s32 $0x7D, s8;
	(pc) =	sbr.rel @p0 .LBB2_38-.Ltmp18, $2  }
0x10c: {  	_ =	sdelay $0x2  }
0x10d: {  	s9 =	sadd.s32 $0x400, s9;
	s10 =	sadd.s32 s10, s23  }
0x10e: {  	[hbm4b:s10+s2] =	stream.linear.scatter [tilespmem:s7], [sflag:$0x4], $0x3E8, $0x38;
	[tilespmem:$0x1E280] =	vst v63  }
0x10f: {  	s7 =	simm.s32 $0x5280  }
0x110: {  	s8 =	simm.s32 $0x7D;
	s10 =	sadd.s32 $0x0, s24;
	s9 =	simm.s32 $0x5680  }
.LBB2_40:
0x111: {  	[hbm4b:s10+s2] =	stream.linear.scatter [tilespmem:s7], [sflag:$0x4], $0x3E8, $0x38;
	[tilespmem:$0x1E280] =	vst v63  }
0x112: {  	s10 =	smov.u32 s8;
	s7 =	smov.u32 s9;
	p0 =	sne.s32 s8, $0x947  }
.Ltmp19:
0x113: {  	s8 =	sadd.s32 $0x7D, s8;
	(pc) =	sbr.rel @p0 .LBB2_40-.Ltmp19, $2  }
0x114: {  	_ =	sdelay $0x2  }
0x115: {  	s9 =	sadd.s32 $0x400, s9;
	s10 =	sadd.s32 s10, s24  }
0x116: {  	[hbm4b:s10+s2] =	stream.linear.scatter [tilespmem:s7], [sflag:$0x4], $0x3E8, $0x38;
	[tilespmem:$0x1E280] =	vst v63  }
0x117: {  	s13 =	simm.s32 $0x4  }
0x118: {  	_ =	swait.ge [sflag:s13], $0x4E20  }
0x119: {  	[sflag:s13] =	ssyncset.done $0x0  }
0x11a: {  	[sflag:s13] =	ssyncadd.s32 $0xFFFFB1E0  }
0x11b: {  	s8 =	simm.s32 $0x28;
	_ =	swait.ge [sflag:s13], $0x4E20  }
0x11c: {  	s9 =	simm.s32 $0x280;
	s15 =	simm.s32 $0x1E0;
	[sflag:s13] =	ssyncset.done $0x0  }
0x11d: {  	s16 =	simm.s32 $0x2;
	s14 =	rddreg [dreg:$0x3];
	[sflag:s13] =	ssyncadd.s32 $0xFFFFB1E0  }
0x11e: {  	[tilespmem:s9], [sflag:$0x1] =	stream.indirect.gather [hbm4b:s14+s8], $0x400, s15, s8, $0xb8;
	[tilespmem:$0x1E280] =	vst v63  }
0x11f: {  	_ =	swait.ge [sflag:s16], $0xA000  }
0x120: {  	s7 =	simm.s32 $0xA280;
	s10 =	sadd.s32 $0x0, s25;
	[sflag:s16] =	ssyncset.done $0x0  }
0x121: {  	s8 =	simm.s32 $0x7D;
	s9 =	simm.s32 $0xA680;
	[sflag:s16] =	ssyncadd.s32 $0xFFFF6000  }
.LBB2_42:
0x122: {  	[hbm4b:s10+s2] =	stream.linear.scatter [tilespmem:s7], [sflag:$0x5], $0x3E8, $0x38;
	[tilespmem:$0x1E280] =	vst v63  }
0x123: {  	s10 =	smov.u32 s8;
	s7 =	smov.u32 s9;
	p0 =	sne.s32 s8, $0x947  }
.Ltmp20:
0x124: {  	s8 =	sadd.s32 $0x7D, s8;
	(pc) =	sbr.rel @p0 .LBB2_42-.Ltmp20, $2  }
0x125: {  	_ =	sdelay $0x2  }
0x126: {  	s9 =	sadd.s32 $0x400, s9;
	s10 =	sadd.s32 s10, s25  }
0x127: {  	[hbm4b:s10+s2] =	stream.linear.scatter [tilespmem:s7], [sflag:$0x5], $0x3E8, $0x38;
	[tilespmem:$0x1E280] =	vst v63  }
0x128: {  	s7 =	simm.s32 $0xF280  }
0x129: {  	s8 =	simm.s32 $0x7D;
	s10 =	sadd.s32 $0x0, s26;
	s9 =	simm.s32 $0xF680  }
.LBB2_44:
0x12a: {  	[hbm4b:s10+s2] =	stream.linear.scatter [tilespmem:s7], [sflag:$0x5], $0x3E8, $0x38;
	[tilespmem:$0x1E280] =	vst v63  }
0x12b: {  	s10 =	smov.u32 s8;
	s7 =	smov.u32 s9;
	p0 =	sne.s32 s8, $0x947  }
.Ltmp21:
0x12c: {  	s8 =	sadd.s32 $0x7D, s8;
	(pc) =	sbr.rel @p0 .LBB2_44-.Ltmp21, $2  }
0x12d: {  	_ =	sdelay $0x2  }
0x12e: {  	s9 =	sadd.s32 $0x400, s9;
	s10 =	sadd.s32 s10, s26  }
0x12f: {  	[hbm4b:s10+s2] =	stream.linear.scatter [tilespmem:s7], [sflag:$0x5], $0x3E8, $0x38;
	[tilespmem:$0x1E280] =	vst v63  }
0x130: {  	s13 =	simm.s32 $0x5  }
0x131: {  	_ =	swait.ge [sflag:s13], $0x4E20  }
0x132: {  	[sflag:s13] =	ssyncset.done $0x0  }
0x133: {  	[sflag:s13] =	ssyncadd.s32 $0xFFFFB1E0  }
0x134: {  	s8 =	simm.s32 $0x28;
	_ =	swait.ge [sflag:s13], $0x4E20  }
0x135: {  	s9 =	simm.s32 $0xA280;
	s15 =	simm.s32 $0x208;
	[sflag:s13] =	ssyncset.done $0x0  }
0x136: {  	s16 =	simm.s32 $0x3;
	s14 =	rddreg [dreg:$0x3];
	[sflag:s13] =	ssyncadd.s32 $0xFFFFB1E0  }
0x137: {  	[tilespmem:s9], [sflag:$0x2] =	stream.indirect.gather [hbm4b:s14+s8], $0x400, s15, s8, $0xb8;
	[tilespmem:$0x1E280] =	vst v63  }
0x138: {  	_ =	swait.ge [sflag:s16], $0xA000  }
0x139: {  	s7 =	simm.s32 $0x14280;
	s10 =	sadd.s32 $0x0, s28;
	[sflag:s16] =	ssyncset.done $0x0  }
0x13a: {  	s8 =	simm.s32 $0x7D;
	s9 =	simm.s32 $0x14680;
	[sflag:s16] =	ssyncadd.s32 $0xFFFF6000  }
.LBB2_46:
0x13b: {  	[hbm4b:s10+s2] =	stream.linear.scatter [tilespmem:s7], [sflag:$0x6], $0x3E8, $0x38;
	[tilespmem:$0x1E280] =	vst v63  }
0x13c: {  	s10 =	smov.u32 s8;
	s7 =	smov.u32 s9;
	p0 =	sne.s32 s8, $0x947  }
.Ltmp22:
0x13d: {  	s8 =	sadd.s32 $0x7D, s8;
	(pc) =	sbr.rel @p0 .LBB2_46-.Ltmp22, $2  }
0x13e: {  	_ =	sdelay $0x2  }
0x13f: {  	s9 =	sadd.s32 $0x400, s9;
	s10 =	sadd.s32 s10, s28  }
0x140: {  	[hbm4b:s10+s2] =	stream.linear.scatter [tilespmem:s7], [sflag:$0x6], $0x3E8, $0x38;
	[tilespmem:$0x1E280] =	vst v63  }
0x141: {  	s7 =	simm.s32 $0x19280  }
0x142: {  	s8 =	simm.s32 $0x7D;
	s10 =	sadd.s32 $0x0, s29;
	s9 =	simm.s32 $0x19680  }
.LBB2_48:
0x143: {  	[hbm4b:s10+s2] =	stream.linear.scatter [tilespmem:s7], [sflag:$0x6], $0x3E8, $0x38;
	[tilespmem:$0x1E280] =	vst v63  }
0x144: {  	s10 =	smov.u32 s8;
	s7 =	smov.u32 s9;
	p0 =	sne.s32 s8, $0x947  }
.Ltmp23:
0x145: {  	s8 =	sadd.s32 $0x7D, s8;
	(pc) =	sbr.rel @p0 .LBB2_48-.Ltmp23, $2  }
0x146: {  	_ =	sdelay $0x2  }
0x147: {  	s9 =	sadd.s32 $0x400, s9;
	s10 =	sadd.s32 s10, s29  }
0x148: {  	[hbm4b:s10+s2] =	stream.linear.scatter [tilespmem:s7], [sflag:$0x6], $0x3E8, $0x38;
	[tilespmem:$0x1E280] =	vst v63  }
0x149: {  	s13 =	simm.s32 $0x6  }
0x14a: {  	_ =	swait.ge [sflag:s13], $0x4E20  }
0x14b: {  	[sflag:s13] =	ssyncset.done $0x0  }
0x14c: {  	[sflag:s13] =	ssyncadd.s32 $0xFFFFB1E0  }
0x14d: {  	s8 =	simm.s32 $0x28;
	_ =	swait.ge [sflag:s13], $0x4E20  }
0x14e: {  	s9 =	simm.s32 $0x14280;
	s15 =	simm.s32 $0x230;
	[sflag:s13] =	ssyncset.done $0x0  }
0x14f: {  	s16 =	simm.s32 $0x1;
	s14 =	rddreg [dreg:$0x3];
	[sflag:s13] =	ssyncadd.s32 $0xFFFFB1E0  }
0x150: {  	[tilespmem:s9], [sflag:$0x3] =	stream.indirect.gather [hbm4b:s14+s8], $0x400, s15, s8, $0xb8;
	[tilespmem:$0x1E280] =	vst v63  }
0x151: {  	_ =	swait.ge [sflag:s16], $0xA000  }
0x152: {  	s7 =	simm.s32 $0x280;
	s10 =	sadd.s32 $0x0, s30;
	[sflag:s16] =	ssyncset.done $0x0  }
0x153: {  	s8 =	simm.s32 $0x7D;
	s9 =	simm.s32 $0x680;
	[sflag:s16] =	ssyncadd.s32 $0xFFFF6000  }
.LBB2_50:
0x154: {  	[hbm4b:s10+s2] =	stream.linear.scatter [tilespmem:s7], [sflag:$0x4], $0x3E8, $0x38;
	[tilespmem:$0x1E280] =	vst v63  }
0x155: {  	s10 =	smov.u32 s8;
	s7 =	smov.u32 s9;
	p0 =	sne.s32 s8, $0x947  }
.Ltmp24:
0x156: {  	s8 =	sadd.s32 $0x7D, s8;
	(pc) =	sbr.rel @p0 .LBB2_50-.Ltmp24, $2  }
0x157: {  	_ =	sdelay $0x2  }
0x158: {  	s9 =	sadd.s32 $0x400, s9;
	s10 =	sadd.s32 s10, s30  }
0x159: {  	[hbm4b:s10+s2] =	stream.linear.scatter [tilespmem:s7], [sflag:$0x4], $0x3E8, $0x38;
	[tilespmem:$0x1E280] =	vst v63  }
0x15a: {  	s7 =	simm.s32 $0x5280  }
0x15b: {  	s8 =	simm.s32 $0x7D;
	s10 =	sadd.s32 $0x0, s31;
	s9 =	simm.s32 $0x5680  }
.LBB2_52:
0x15c: {  	[hbm4b:s10+s2] =	stream.linear.scatter [tilespmem:s7], [sflag:$0x4], $0x3E8, $0x38;
	[tilespmem:$0x1E280] =	vst v63  }
0x15d: {  	s10 =	smov.u32 s8;
	s7 =	smov.u32 s9;
	p0 =	sne.s32 s8, $0x947  }
.Ltmp25:
0x15e: {  	s8 =	sadd.s32 $0x7D, s8;
	(pc) =	sbr.rel @p0 .LBB2_52-.Ltmp25, $2  }
0x15f: {  	_ =	sdelay $0x2  }
0x160: {  	s9 =	sadd.s32 $0x400, s9;
	s10 =	sadd.s32 s10, s31  }
0x161: {  	[hbm4b:s10+s2] =	stream.linear.scatter [tilespmem:s7], [sflag:$0x4], $0x3E8, $0x38;
	[tilespmem:$0x1E280] =	vst v63  }
0x162: {  	s13 =	simm.s32 $0x4  }
0x163: {  	_ =	swait.ge [sflag:s13], $0x4E20  }
0x164: {  	[sflag:s13] =	ssyncset.done $0x0  }
0x165: {  	[sflag:s13] =	ssyncadd.s32 $0xFFFFB1E0  }
0x166: {  	s8 =	simm.s32 $0x28;
	_ =	swait.ge [sflag:s13], $0x4E20  }
0x167: {  	s9 =	simm.s32 $0x280;
	s15 =	simm.s32 $0x258;
	[sflag:s13] =	ssyncset.done $0x0  }
0x168: {  	s16 =	simm.s32 $0x2;
	s14 =	rddreg [dreg:$0x3];
	[sflag:s13] =	ssyncadd.s32 $0xFFFFB1E0  }
0x169: {  	[tilespmem:s9], [sflag:$0x1] =	stream.indirect.gather [hbm4b:s14+s8], $0x400, s15, s8, $0xb8;
	[tilespmem:$0x1E280] =	vst v63  }
0x16a: {  	_ =	swait.ge [sflag:s16], $0xA000  }
0x16b: {  	s7 =	simm.s32 $0xA280;
	s10 =	sadd.s32 $0x0, s0;
	[sflag:s16] =	ssyncset.done $0x0  }
0x16c: {  	s8 =	simm.s32 $0x7D;
	s9 =	simm.s32 $0xA680;
	[sflag:s16] =	ssyncadd.s32 $0xFFFF6000  }
.LBB2_54:
0x16d: {  	[hbm4b:s10+s2] =	stream.linear.scatter [tilespmem:s7], [sflag:$0x5], $0x3E8, $0x38;
	[tilespmem:$0x1E280] =	vst v63  }
0x16e: {  	s10 =	smov.u32 s8;
	s7 =	smov.u32 s9;
	p0 =	sne.s32 s8, $0x947  }
.Ltmp26:
0x16f: {  	s8 =	sadd.s32 $0x7D, s8;
	(pc) =	sbr.rel @p0 .LBB2_54-.Ltmp26, $2  }
0x170: {  	_ =	sdelay $0x2  }
0x171: {  	s9 =	sadd.s32 $0x400, s9;
	s10 =	sadd.s32 s10, s0  }
0x172: {  	[hbm4b:s10+s2] =	stream.linear.scatter [tilespmem:s7], [sflag:$0x5], $0x3E8, $0x38;
	[tilespmem:$0x1E280] =	vst v63  }
0x173: {  	s7 =	simm.s32 $0xF280  }
0x174: {  	s8 =	simm.s32 $0x7D;
	s10 =	sadd.s32 $0x0, s1;
	s9 =	simm.s32 $0xF680  }
.LBB2_56:
0x175: {  	[hbm4b:s10+s2] =	stream.linear.scatter [tilespmem:s7], [sflag:$0x5], $0x3E8, $0x38;
	[tilespmem:$0x1E280] =	vst v63  }
0x176: {  	s10 =	smov.u32 s8;
	s7 =	smov.u32 s9;
	p0 =	sne.s32 s8, $0x947  }
.Ltmp27:
0x177: {  	s8 =	sadd.s32 $0x7D, s8;
	(pc) =	sbr.rel @p0 .LBB2_56-.Ltmp27, $2  }
0x178: {  	_ =	sdelay $0x2  }
0x179: {  	s9 =	sadd.s32 $0x400, s9;
	s10 =	sadd.s32 s10, s1  }
0x17a: {  	[hbm4b:s10+s2] =	stream.linear.scatter [tilespmem:s7], [sflag:$0x5], $0x3E8, $0x38;
	[tilespmem:$0x1E280] =	vst v63  }
0x17b: {  	s16 =	simm.s32 $0x3  }
0x17c: {  	_ =	swait.ge [sflag:s16], $0xA000  }
0x17d: {  	s7 =	simm.s32 $0x14280;
	s8 =	simm.s32 $0x7D;
	[sflag:s16] =	ssyncset.done $0x0  }
0x17e: {  	s10 =	sadd.s32 $0x0, s4;
	s9 =	simm.s32 $0x14680;
	[sflag:s16] =	ssyncadd.s32 $0xFFFF6000  }
.LBB2_58:
0x17f: {  	[hbm4b:s10+s2] =	stream.linear.scatter [tilespmem:s7], [sflag:$0x6], $0x3E8, $0x38;
	[tilespmem:$0x1E280] =	vst v63  }
0x180: {  	s10 =	smov.u32 s8;
	s7 =	smov.u32 s9;
	p0 =	sne.s32 s8, $0x947  }
.Ltmp28:
0x181: {  	s8 =	sadd.s32 $0x7D, s8;
	(pc) =	sbr.rel @p0 .LBB2_58-.Ltmp28, $2  }
0x182: {  	_ =	sdelay $0x2  }
0x183: {  	s9 =	sadd.s32 $0x400, s9;
	s10 =	sadd.s32 s10, s4  }
0x184: {  	[hbm4b:s10+s2] =	stream.linear.scatter [tilespmem:s7], [sflag:$0x6], $0x3E8, $0x38;
	[tilespmem:$0x1E280] =	vst v63  }
0x185: {  	s7 =	simm.s32 $0x19280  }
0x186: {  	s8 =	simm.s32 $0x7D;
	s10 =	sadd.s32 $0x0, s3;
	s9 =	simm.s32 $0x19680  }
.LBB2_60:
0x187: {  	[hbm4b:s10+s2] =	stream.linear.scatter [tilespmem:s7], [sflag:$0x6], $0x3E8, $0x38;
	[tilespmem:$0x1E280] =	vst v63  }
0x188: {  	s10 =	smov.u32 s8;
	s7 =	smov.u32 s9;
	p0 =	sne.s32 s8, $0x947  }
.Ltmp29:
0x189: {  	s8 =	sadd.s32 $0x7D, s8;
	(pc) =	sbr.rel @p0 .LBB2_60-.Ltmp29, $2  }
0x18a: {  	_ =	sdelay $0x2  }
0x18b: {  	s9 =	sadd.s32 $0x400, s9;
	s10 =	sadd.s32 s10, s3  }
0x18c: {  	[hbm4b:s10+s2] =	stream.linear.scatter [tilespmem:s7], [sflag:$0x6], $0x3E8, $0x38;
	[tilespmem:$0x1E280] =	vst v63  }
0x18d: {  	s16 =	simm.s32 $0x1  }
0x18e: {  	_ =	swait.ge [sflag:s16], $0xA000  }
0x18f: {  	s7 =	simm.s32 $0x280;
	s8 =	simm.s32 $0x7D;
	[sflag:s16] =	ssyncset.done $0x0  }
0x190: {  	s10 =	sadd.s32 $0x0, s5;
	s9 =	simm.s32 $0x680;
	[sflag:s16] =	ssyncadd.s32 $0xFFFF6000  }
.LBB2_62:
0x191: {  	[hbm4b:s10+s2] =	stream.linear.scatter [tilespmem:s7], [sflag:$0x4], $0x3E8, $0x38;
	[tilespmem:$0x1E280] =	vst v63  }
0x192: {  	s10 =	smov.u32 s8;
	s7 =	smov.u32 s9;
	p0 =	sne.s32 s8, $0x947  }
.Ltmp30:
0x193: {  	s8 =	sadd.s32 $0x7D, s8;
	(pc) =	sbr.rel @p0 .LBB2_62-.Ltmp30, $2  }
0x194: {  	_ =	sdelay $0x2  }
0x195: {  	s9 =	sadd.s32 $0x400, s9;
	s10 =	sadd.s32 s10, s5  }
0x196: {  	[hbm4b:s10+s2] =	stream.linear.scatter [tilespmem:s7], [sflag:$0x4], $0x3E8, $0x38;
	[tilespmem:$0x1E280] =	vst v63  }
0x197: {  	s7 =	simm.s32 $0x5280  }
0x198: {  	s8 =	simm.s32 $0x7D;
	s10 =	sadd.s32 $0x0, s6;
	s9 =	simm.s32 $0x5680  }
.LBB2_64:
0x199: {  	[hbm4b:s10+s2] =	stream.linear.scatter [tilespmem:s7], [sflag:$0x4], $0x3E8, $0x38;
	[tilespmem:$0x1E280] =	vst v63  }
0x19a: {  	s10 =	smov.u32 s8;
	s7 =	smov.u32 s9;
	p0 =	sne.s32 s8, $0x947  }
.Ltmp31:
0x19b: {  	s8 =	sadd.s32 $0x7D, s8;
	(pc) =	sbr.rel @p0 .LBB2_64-.Ltmp31, $2  }
0x19c: {  	_ =	sdelay $0x2  }
0x19d: {  	s9 =	sadd.s32 $0x400, s9;
	s10 =	sadd.s32 s10, s6  }
0x19e: {  	[hbm4b:s10+s2] =	stream.linear.scatter [tilespmem:s7], [sflag:$0x4], $0x3E8, $0x38;
	[tilespmem:$0x1E280] =	vst v63  }
0x19f: {  	s14 =	simm.s32 $0x5  }
0x1a0: {  	_ =	swait.ge [sflag:s14], $0x4E20  }
0x1a1: {  	[sflag:s14] =	ssyncset.done $0x0  }
0x1a2: {  	[sflag:s14] =	ssyncadd.s32 $0xFFFFB1E0  }
0x1a3: {  	_ =	swait.ge [sflag:s14], $0x4E20  }
0x1a4: {  	[sflag:s14] =	ssyncset.done $0x0  }
0x1a5: {  	s15 =	simm.s32 $0x6;
	[sflag:s14] =	ssyncadd.s32 $0xFFFFB1E0  }
0x1a6: {  	_ =	swait.ge [sflag:s15], $0x4E20  }
0x1a7: {  	[sflag:s15] =	ssyncset.done $0x0  }
0x1a8: {  	[sflag:s15] =	ssyncadd.s32 $0xFFFFB1E0  }
0x1a9: {  	_ =	swait.ge [sflag:s15], $0x4E20  }
0x1aa: {  	[sflag:s15] =	ssyncset.done $0x0  }
0x1ab: {  	s8 =	simm.s32 $0x4;
	[sflag:s15] =	ssyncadd.s32 $0xFFFFB1E0  }
0x1ac: {  	_ =	swait.ge [sflag:s8], $0x4E20  }
0x1ad: {  	[sflag:s8] =	ssyncset.done $0x0  }
0x1ae: {  	[sflag:s8] =	ssyncadd.s32 $0xFFFFB1E0  }
0x1af: {  	_ =	swait.ge [sflag:s8], $0x4E20  }
0x1b0: {  	s9 =	rddreg [dreg:$0x12]  }
0x1b1: {  	s16 =	rddreg [dreg:$0x11];
	s9 =	sadd.s32 $0x1, s9  }
0x1b2: {  	p0 =	sne.s32 s9, s16  }
.Ltmp32:
0x1b3: {  	_ = 	snop;
	(pc) =	sbr.rel @p0 .LBB2_1-.Ltmp32, $3  }
0x1b4: {  	_ =	sdelay $0x1  }
0x1b5: {  	[sflag:s8] =	ssyncset.done $0x0  }
0x1b6: {  	[sflag:s8] =	ssyncadd.s32 $0xFFFFB1E0;
	s8 =	rddreg [dreg:$0x5]  }
0x1b7: {  	_ =	sfence.sel $0x180000  }
0x1b8: {  	[bflag:$0x0] =	sbarrier.arrive $0xFFFF  }
0x1b9: {  	_ =	strace $0x90000047  }
0x1ba: {  	s0 =	stileid.u32;
	[bflag:$0x2] =	sbarrier.arrive $0xFFFF  }
0x1bb: {  	p0 =	sne.s32 s0, $0x0;
	s0 =	rddreg [dreg:$0x2]  }
0x1bc: {  	s0 =	sadd.s32 @!p0 $0x100000, s0  }
0x1bd: {  	[sflag:s0] =	ssyncadd.tile.s32 @!p0 $0x1;
	_ =	shalt  }
.Lfunc_end2:
_tile_overlayer_lowered:
.L_overlay_start_2:
0x1be: {  	(tag) =	ssettag $0x2  }
0x1bf: {  	s0 =	rddreg [dreg:$0x0];
	s2 =	stileid.u32  }
0x1c0: {  	s1 =	rddreg [dreg:$0x1];
	p0 =	sne.s32 s2, $0x0  }
0x1c1: {  	s3 =	rddreg [dreg:$0x2];
	[bflag:$0x3] =	sbarrier.arrive $0xFFFF;
	s2 =	simm.s32 @!p0 $0x1C07  }
0x1c2: {  	[timem:s3], [sflag:s2] =	dma.local @!p0 [hbm:s0], s1  }
0x1c3: {  	s0 =	simm.s32 @!p0 $0x7  }
0x1c4: {  	_ =	swait.ge @!p0 [sflag:s0], s1  }
0x1c5: {  	s1 =	ssub.s32 @!p0 $0x0, s1;
	[sflag:s0] =	ssyncset.done @!p0 $0x0  }
0x1c6: {  	[sflag:s0] =	ssyncadd.s32 @!p0 s1  }
0x1c7: {  	[bflag:$0x3] =	sbarrier.arrive $0xFFFF  }
0x1c8: {  	_ =	shalt  }

// kernel: sparse-core-data-format-call.cloned.1.call-start
scs
called_computation_lowered:
.L_overlay_start_0:
0x0: {  	s2 =	sld [smem:$0x3FD9]  }
0x1: {  	s3 =	sld [smem:$0x3FFE];
	_ =	sdelay $0x1  }
0x2: {  	s1 =	srdreg.scid  }
0x3: {  	s0 =	sand.u32 $0x1, s1  }
0x4: {  	s18 =	sshll.u32 s0, $0xA;
	s2 =	sadd.s32 s3, s2  }
0x5: {  	s2 =	sadd.s32 s2, s18  }
0x6: {  	[smem:$0x3FC6] =	sst s2  }
0x7: {  	_ = 	snop  }
0x8: {  	s2 =	sld [smem:$0x3FD0];
	(tm) =	ssettm $0x1  }
0x9: {  	s19 =	sld [smem:$0x3FFB];
	_ =	sdelay $0x3  }
0xa: {  	_ =	strace s19  }
0xb: {  	s3 =	sld [smem:$0x3FFC];
	_ =	sdelay $0x3  }
0xc: {  	_ =	strace s3  }
0xd: {  	s3 =	sld [smem:$0x3FFD];
	_ =	sdelay $0x3  }
0xe: {  	_ =	strace s3  }
0xf: {  	_ =	strace $0x8FFFFFFF  }
0x10: {  	s20 =	sld [smem:$0x3FDB];
	_ =	sdelay $0x1  }
0x11: {  	s4 =	simm.s32 $_scs_section_size  }
0x12: {  	s5 =	simm.s32 $_size__tile_overlayer_lowered;
	s6 =	simm.s32 $_tile_overlayer_lowered  }
0x13: {  	s23 =	simm.s32 $0x1BFF;
	s22 =	sshll.u32 s6, $0x1;
	s3 =	sadd.s32 s4, s20  }
0x14: {  	s7 =	simm.s32 $0x0;
	s21 =	sshll.u32 s5, $0x1;
	s5 =	sadd.s32 s22, s3  }
0x15: {  	[timem:s7], [sflag:s23] =	dma.local [hbm:s5], s21  }
0x16: {  	_ =	swait.ge [sflag:s23], s21  }
0x17: {  	s4 =	ssub.s32 $0x0, s21;
	[sflag:s23] =	ssyncset.done $0x0  }
0x18: {  	[sflag:s23] =	ssyncadd.s32 s4;
	_ =	sdelay $0x1  }
0x19: {  	s24 =	simm.s32 $0x1B8B  }
0x1a: {  	_ =	swait.ge [sflag:s24], $0x1  }
0x1b: {  	[sflag:s24] =	ssyncset.done $0x0  }
0x1c: {  	s26 =	simm.s32 $0x1B8E;
	s25 =	sld [smem:$0x3FFE];
	[sflag:s24] =	ssyncadd.s32 $0xFFFFFFFF  }
0x1d: {  	s27 =	simm.s32 $execute0_lowered;
	[smem:$0x3FD2] =	sst s26  }
0x1e: {  	s5 =	sshll.u32 s27, $0x1;
	_ =	strace $0x80000049;
	[dreg:$0x1] =	wrdreg $0xFFFFFFFF  }
0x1f: {  	s28 =	simm.s32 $_size_execute0_lowered;
	s3 =	sadd.s32 s3, s5;
	[dreg:$0x0] =	wrdreg $0x0  }
0x20: {  	s5 =	sshll.u32 s28, $0x1;
	[dreg:$0x2] =	wrdreg s3  }
0x21: {  	[dreg:$0x3] =	wrdreg s5  }
0x22: {  	[dreg:$0x4] =	wrdreg $0xC0  }
0x23: {  	_ =	task [dreg:s7], $0x5FFFF  }
0x24: {  	[dreg:$0x1] =	wrdreg $0xFFFFFFFF  }
0x25: {  	[dreg:$0x0] =	wrdreg $0x60  }
0x26: {  	[dreg:$0x2] =	wrdreg s25  }
0x27: {  	[dreg:$0x3] =	wrdreg s2  }
0x28: {  	[dreg:$0x4] =	wrdreg $0x9  }
0x29: {  	_ =	task.clear_ibuf [dreg:s7], $0x5FFFF;
	_ =	strace $0x90000049  }
0x2a: {  	s29 =	simm.s32 $0x9;
	_ =	strace $0x8000004B  }
0x2b: {  	_ =	swait.ge [sflag:s29], $0x1  }
0x2c: {  	[sflag:s29] =	ssyncadd.s32 $0xFFFFFFFF  }
0x2d: {  	_ =	strace $0x9000004B  }
0x2e: {  	_ =	sfence  }
0x2f: {  	s30 =	sld [smem:$0x0];
	_ =	sdelay $0x2  }
0x30: {  	s31 =	sshll.u32 s1, $0xD;
	s1 =	sshrl.u32 s1, $0x2  }
0x31: {  	s3 =	sand.u32 $0x4000, s31;
	s1 =	sadd.s32 s1, s30  }
0x32: {  	s0 =	sor.u32 s3, s0;
	s1 =	sshll.u32 s1, $0x11  }
0x33: {  	s0 =	sor.u32 s1, s0  }
0x34: {  	s0 =	sadd.s32 $0x8F2B, s0  }
0x35: {  	[sflag:s0] =	ssyncadd.remote.s32 $0x1  }
0x36: {  	_ =	sfence.sel $0xFFFF  }
0x37: {  	[dreg:$0x0] =	wrdreg $0xFFFFFFFF;
	(pc) =	sbr.abs _section_cstart, $3  }
0x38: {  	[dreg:$0x1] =	wrdreg $0xFFFFFFFF  }
0x39: {  	_ =	task.clear_ibuf [dreg:s7], $0x2FFFF;
	_ =	strace $0x9FFFFFFF  }
0x3a: {  	(tm) =	ssettm $0x7FFFFFFF  }
0x3b: {  	_ =	shalt  }
tec
execute0_lowered:
.L_overlay_start_1:
0x0: {  	(tag) =	ssettag $0x1  }
0x1: {  	s4 =	rddreg [dreg:$0x0]  }
0x2: {  	s0 =	stileid.u32;
	s2 =	rddreg [dreg:$0x1]  }
0x3: {  	s7 =	srdreg.scid;
	s31 =	simm.s32 $0x2;
	s17 =	simm.s32 $0x0  }
0x4: {  	s9 =	simm.s32 $0x2000;
	s19 =	simm.s32 $0x0;
	s18 =	simm.s32 $0x0  }
0x5: {  	s10 =	simm.s32 $0x0;
	s11 =	simm.s32 $0x0;
	s1 =	sshll.u32 s0, $0x7  }
0x6: {  	s12 =	simm.s32 $0x0;
	s14 =	simm.s32 $0x0;
	s3 =	sand.u32 $0x380, s1  }
0x7: {  	s16 =	simm.s32 $0x0;
	s4 =	sadd.s32 $0x800, s4;
	s5 =	ssub.s32 $0x400, s3  }
0x8: {  	s8 =	sshll.u32 s0, $0x4;
	s7 =	sshll.u32 s7, $0x8;
	s6 =	sand.u32 $0x380, s5  }
0x9: {  	s1 =	rddreg [dreg:$0x2];
	p0 =	sne.s32 s6, $0x0;
	s6 =	simm.s32 $0x1  }
.Ltmp0:
0xa: {  	s5 =	sshrl.u32 s5, $0xA;
	s6 =	simm.s32 @!p0 $0x0;
	(pc) =	sbr.rel .LBB1_1-.Ltmp0, $4  }
0xb: {  	_ =	strace $0x8000004A;
	s7 =	sor.u32 s8, s7;
	s6 =	sadd.s32 s6, s5  }
0xc: {  	s7 =	sand.u32 $0x180, s7;
	s5 =	simm.s32 $0x1;
	s6 =	smul.u32 $0x28, s6  }
0xd: {  	s15 =	smov.u32 s3;
	s13 =	smov.u32 s7;
	[sflag:s5] =	ssyncpa.u1 $0x0  }
0xe: {  	p0 =	por $0x0, $0x0;
	[sflag:s31] =	ssyncpa.u1 $0x0;
	s8 =	sor.u32 $0x1, s6  }
.LBB1_4:
0xf: {  	s25 =	sshll.u32 s10, $0xA;
	s24 =	sshra.s32 s24, $0x2;
	s26 =	sshll.u32 s12, $0x3  }
0x10: {  	p1 =	sgt.s32 s11, $0x13;
	s27 =	smov.u32 s11;
	s28 =	sshra.s32 s11, $0x1F  }
0x11: {  	p2 =	sgt.s32 s12, $0x380;
	s31 =	sshra.s32 s12, $0x1F;
	s25 =	sand.u32 $0xFFFFE000, s25  }
0x12: {  	s26 =	sand.u32 $0xFFFFFC00, s26;
	s27 =	simm.s32 @!p1 $0x13;
	s28 =	sand.u32 s28, s11  }
0x13: {  	[tilespmem:s22+$0x2040 ss:$0x81] =	vst.msk $0xffff, v4;
	s23 =	sadd.s32 s24, s23;
	s29 =	sadd.s32 s26, s25;
	s25 =	ssub.s32 s27, s28  }
0x14: {  	[tilespmem:s22+$0x2850 ss:$0x81] =	vst.msk $0xffff, v3;
	s27 =	smov.u32 s12;
	s28 =	smov.u32 s10;
	s26 =	sand.u32 s31, s12  }
0x15: {  	[tilespmem:s22+$0x3060 ss:$0x81] =	vst.msk $0xffff, v2;
	s24 =	sshrl.u32 s29, $0xA;
	s30 =	sadd.s32 $0xFFFFFFED, s25;
	s27 =	simm.s32 @!p2 $0x380  }
0x16: {  	v5 =	vld [tilespmem:s21+$0xFFFFFFD0];
	[tilespmem:s22+$0x0 ss:$0x81] =	vst.msk $0xffff, v1;
	p2 =	sgt.s32 s10, $0x368;
	s29 =	sshra.s32 s10, $0x1F;
	s22 =	ssub.s32 $0x14, s25  }
0x17: {  	v58 =	vld [tilespmem:s21+$0xFFFFFFE0];
	p1 =	sgt.s32 s30, $0x0;
	s28 =	simm.s32 @!p2 $0x368;
	s29 =	sand.u32 s29, s10  }
0x18: {  	v59 =	vld [tilespmem:s21+$0xFFFFFFF0];
	s26 =	ssub.s32 s27, s26;
	s27 =	smulhi.u32 $0x418938, s24;
	s28 =	ssub.s32 s28, s29  }
0x19: {  	v60 =	vld [tilespmem:s21+$0x0];
	s30 =	sadd.s32 $0xFFFFFC80, s26;
	s25 =	ssub.s32 $0x400, s26;
	s22 =	simm.s32 @p1 $0x0  }
0x1a: {  	v61 =	vld [tilespmem:s21+$0x10];
	[tilespmem:s23+$0x3870 ss:$0x81] =	vst.msk $0xffff, v0;
	s29 =	sand.u32 $0x78, s12;
	p2 =	sgt.s32 s30, $0x7F;
	s31 =	sadd.s32 $0xFFFFFC98, s28  }
0x1b: {  	v62 =	vld [tilespmem:s21+$0x20];
	[tilespmem:s23+$0x810 ss:$0x81] =	vst.msk $0xffff, v5;
	s27 =	smul.u32 $0x3E8, s27;
	s30 =	sshll.u32 s10, $0x7;
	s28 =	ssub.s32 $0x3E8, s28  }
0x1c: {  	v63 =	vld [tilespmem:s21+$0xFFFFFFC0];
	[tilespmem:s23+$0x1020 ss:$0x81] =	vst.msk $0xffff, v58;
	s25 =	simm.s32 @p2 $0x0;
	p1 =	sgt.s32 s31, $0x7F;
	s31 =	smul.u32 $0x1F400, s11  }
0x1d: {  	[tilespmem:s23+$0x1830 ss:$0x81] =	vst.msk $0xffff, v59;
	s21 =	sand.u32 $0x380, s30;
	s22 =	smul.u32 s25, s22;
	s28 =	simm.s32 @p1 $0x0  }
0x1e: {  	[tilespmem:s23+$0x2040 ss:$0x81] =	vst.msk $0xffff, v60;
	s21 =	sor.u32 s29, s21;
	s24 =	ssub.s32 s24, s27;
	s29 =	sand.u32 $0x7, s12  }
0x1f: {  	[tilespmem:s23+$0x2850 ss:$0x81] =	vst.msk $0xffff, v61;
	s21 =	sshrl.u32 s21, $0x3;
	s25 =	sadd.s32 s2, s31;
	s22 =	smul.u32 s28, s22  }
0x20: {  	[tilespmem:s23+$0x3060 ss:$0x81] =	vst.msk $0xffff, v62;
	s24 =	sshll.u32 s24, $0x7;
	s30 =	sshll.u32 s29, $0x12;
	s21 =	sadd.s32 s21, s25  }
0x21: {  	[tilespmem:s23+$0x0 ss:$0x81] =	vst.msk $0xffff, v63;
	s31 =	sor.u32 $0x400, s30;
	s21 =	sadd.s32 s24, s21;
	s22 =	sand.u32 $0x3FFFFFFF, s22  }
0x22: {  	[hbm4b:s21+s31] =	stream.strided.scatter [tilespmem:s20], [sflag:$0x2], s22, s9, s31, $0x20;
	[tilespmem:$0x10100] =	vst v63  }
.LBB1_5:
0x23: {  	p1 =	slt.u32 s16, $0x2  }
0x24: {  	p2 =	sgt.s32 @!p1 s19, $0x13  }
0x25: {  	s20 =	smov.u32 s19;
	s21 =	sshra.s32 @!p1 s19, $0x1F;
	p2 =	por !p2, p1  }
0x26: {  	s19 =	sand.u32 @!p1 s21, s19;
	s20 =	simm.s32 @p2 $0x13  }
0x27: {  	p3 =	sgt.s32 @!p1 s17, $0x368;
	s19 =	ssub.s32 @!p1 s20, s19  }
0x28: {  	p4 =	sgt.s32 @!p1 s18, $0x380;
	s22 =	sshra.s32 @!p1 s18, $0x1F;
	s20 =	sadd.s32 @!p1 $0xFFFFFFED, s19  }
0x29: {  	s21 =	smov.u32 s17;
	p2 =	sgt.s32 @!p1 s20, $0x0;
	s20 =	sshra.s32 @!p1 s17, $0x1F  }
0x2a: {  	p4 =	por !p4, p1;
	s17 =	sand.u32 @!p1 s20, s17;
	s20 =	smov.u32 s18  }
0x2b: {  	p3 =	por !p3, p1;
	s18 =	sand.u32 @!p1 s22, s18;
	s20 =	simm.s32 @p4 $0x380  }
0x2c: {  	s21 =	simm.s32 @p3 $0x368;
	s19 =	ssub.s32 @!p1 $0x14, s19;
	s18 =	ssub.s32 @!p1 s20, s18  }
0x2d: {  	p2 =	por !p2, p1;
	s17 =	ssub.s32 @!p1 s21, s17;
	s21 =	sadd.s32 @!p1 $0xFFFFFC80, s18  }
0x2e: {  	s19 =	simm.s32 @!p2 $0x0;
	p3 =	sgt.s32 @!p1 s21, $0x7F  }
0x2f: {  	s20 =	sadd.s32 @!p1 $0xFFFFFC98, s17;
	s18 =	ssub.s32 @!p1 $0x400, s18;
	p3 =	por !p3, p1  }
0x30: {  	p2 =	sgt.s32 @!p1 s20, $0x7F;
	s20 =	sadd.s32 $0x200, s13;
	s18 =	simm.s32 @!p3 $0x0  }
0x31: {  	p3 =	sgt.s32 s20, $0x3E7;
	s18 =	smul.u32 @!p1 s18, s19;
	s19 =	simm.s32 $0x1  }
0x32: {  	s17 =	ssub.s32 @!p1 $0x3E8, s17;
	p2 =	por !p2, p1;
	s19 =	simm.s32 @!p3 $0x0  }
0x33: {  	s22 =	smov.u32 s15;
	s17 =	simm.s32 @!p2 $0x0;
	s21 =	sadd.s32 s19, s14  }
0x34: {  	s17 =	smul.u32 @!p1 s17, s18;
	s18 =	sadd.s32 $0x400, s15;
	p2 =	sgt.s32 s21, $0x13  }
0x35: {  	p0 =	por !p0, !p0;
	s23 =	simm.s32 @!p1 $0x2;
	s22 =	smov.u32 @p2 s18  }
0x36: {  	s20 =	smov.u32 @p3 s7;
	s21 =	simm.s32 @p2 $0x0;
	p2 =	sgt.s32 s22, $0x3FF  }
0x37: {  	s19 =	smov.u32 s11;
	s22 =	smov.u32 @p2 s3;
	p2 =	sne.s32 s16, s8  }
.Ltmp1:
0x38: {  	s11 =	smov.u32 s14;
	s17 =	sand.u32 @!p1 $0x3FFFFFFF, s17;
	(pc) =	sbr.rel @!p2 .LBB1_6-.Ltmp1, $4  }
0x39: {  	s18 =	smov.u32 s12;
	s12 =	smov.u32 s15;
	_ =	swait.ge @!p1 [sflag:s23], s17  }
0x3a: {  	s24 =	ssub.s32 @!p1 $0x0, s17;
	s17 =	smov.u32 s10;
	s10 =	smov.u32 s13  }
0x3b: {  	s13 =	smov.u32 s20;
	s14 =	smov.u32 s21;
	[sflag:s23] =	ssyncset.done @!p1 $0x0  }
0x3c: {  	s16 =	sadd.s32 $0x1, s16;
	[sflag:s23] =	ssyncadd.s32 @!p1 s24;
	s15 =	smov.u32 s22  }
.LBB1_1:
0x3d: {  	p1 =	sge.u32 s16, s6  }
0x3e: {  	s20 =	sshll.u32 @!p1 s14, $0xA  }
0x3f: {  	s21 =	sshll.u32 @!p1 s13, $0x3;
	s20 =	sand.u32 @!p1 $0xFFFFE000, s20  }
0x40: {  	s20 =	sadd.s32 @!p1 s20, s21  }
0x41: {  	s20 =	sshrl.u32 @!p1 s20, $0xA  }
0x42: {  	s21 =	smulhi.u32 @!p1 $0xAAAAAAB, s20  }
0x43: {  	s22 =	sshll.u32 @!p1 s14, $0x7;
	s24 =	smul.u32 @!p1 $0xC00, s15  }
0x44: {  	s23 =	sand.u32 @!p1 $0x78, s13;
	s22 =	sand.u32 @!p1 $0x380, s22;
	s21 =	smul.u32 @!p1 $0x18, s21  }
0x45: {  	s31 =	sadd.s32 $0xFFFFFFFF, s16;
	s22 =	sor.u32 @!p1 s23, s22;
	s23 =	sadd.s32 @!p1 s4, s24  }
0x46: {  	s22 =	sshrl.u32 @!p1 s22, $0x3;
	s20 =	ssub.s32 @!p1 s20, s21;
	s21 =	sxor.u32 @!p1 $0xFFFFFFFF, s16  }
0x47: {  	s22 =	sadd.s32 @!p1 s22, s23;
	s23 =	sand.u32 @!p1 $0x7, s13;
	s21 =	sshll.u32 @!p1 s21, $0xE  }
0x48: {  	s23 =	sshll.u32 @!p1 s23, $0x12;
	s20 =	sshll.u32 @!p1 s20, $0x7;
	s21 =	sand.u32 @!p1 $0x4000, s21  }
0x49: {  	s20 =	sadd.s32 @!p1 s20, s22;
	s22 =	sor.u32 @!p1 $0x80, s23;
	s23 =	simm.s32 @!p1 $0x6000  }
0x4a: {  	[tilespmem:s21], [sflag:$0x1] =	stream.strided.gather @!p1 [hbm4b:s20+s22], $0x4000, s23, s22, $0x38;
	[tilespmem:$0x10100] =	vst v63  }
0x4b: {  	p1 =	sge.u32 s31, s6  }
.Ltmp2:
0x4c: {  	_ = 	snop;
	(pc) =	sbr.rel @p1 .LBB1_5-.Ltmp2, $1  }
0x4d: {  	_ =	sdelay $0x3  }
0x4e: {  	s20 =	simm.s32 $0x1  }
0x4f: {  	_ =	swait.ge [sflag:s5], $0x4000;
	s20 =	simm.s32 @!p0 $0x0  }
0x50: {  	[sflag:s5] =	ssyncset.done $0x0;
	s21 =	sshll.u32 s20, $0xE  }
0x51: {  	[sflag:s5] =	ssyncadd.s32 $0xFFFFC000;
	s21 =	sor.u32 $0x40, s21  }
0x52: {  	s20 =	smul.u32 $0x10200, s20;
	v0 =	vld [tilespmem:s21+$0x30]  }
0x53: {  	v1 =	vld [tilespmem:s21+$0xFFFFFFD0]  }
0x54: {  	s20 =	sshrl.u32 s20, $0x2;
	v5 =	vld [tilespmem:s21+$0xFFFFFFE0]  }
0x55: {  	v6 =	vld [tilespmem:s21+$0xFFFFFFF0];
	s23 =	sor.u32 $0x8000, s20  }
0x56: {  	s31 =	sand.u32 $0x1, s16;
	v4 =	vld [tilespmem:s21+$0x0];
	s22 =	sadd.s32 $0x0, s23  }
0x57: {  	v3 =	vld [tilespmem:s21+$0x10];
	s20 =	smul.u32 $0x10200, s31;
	[tilespmem:s22+$0x3870 ss:$0x81] =	vst.msk $0xffff, v0  }
0x58: {  	v2 =	vld [tilespmem:s21+$0x20];
	[tilespmem:s22+$0x810 ss:$0x81] =	vst.msk $0xffff, v1  }
0x59: {  	s20 =	sshrl.u32 s20, $0x2;
	v1 =	vld [tilespmem:s21+$0xFFFFFFC0];
	[tilespmem:s22+$0x1020 ss:$0x81] =	vst.msk $0xffff, v5;
	s21 =	sadd.s32 $0x80, s21  }
0x5a: {  	s24 =	simm.s32 $0x4;
	s25 =	simm.s32 $0x8;
	s20 =	sor.u32 $0x8000, s20;
	[tilespmem:s22+$0x1830 ss:$0x81] =	vst.msk $0xffff, v6;
	v0 =	vld [tilespmem:s21+$0x30]  }
.LBB1_3:
0x5b: {  	p1 =	sne.s32 s25, $0x1FC;
	v5 =	vld [tilespmem:s21+$0xFFFFFFD0];
	[tilespmem:s22+$0x2040 ss:$0x81] =	vst.msk $0xffff, v4  }
0x5c: {  	v6 =	vld [tilespmem:s21+$0xFFFFFFE0];
	[tilespmem:s22+$0x2850 ss:$0x81] =	vst.msk $0xffff, v3  }
0x5d: {  	s26 =	sshra.s32 s24, $0x2;
	s24 =	smov.u32 s25;
	v7 =	vld [tilespmem:s21+$0xFFFFFFF0];
	[tilespmem:s22+$0x3060 ss:$0x81] =	vst.msk $0xffff, v2  }
.Ltmp3:
0x5e: {  	v4 =	vld [tilespmem:s21+$0x0];
	[tilespmem:s22+$0x0 ss:$0x81] =	vst.msk $0xffff, v1;
	s22 =	sadd.s32 s26, s23;
	(pc) =	sbr.rel @p1 .LBB1_3-.Ltmp3, $4  }
0x5f: {  	v3 =	vld [tilespmem:s21+$0x10];
	[tilespmem:s22+$0x3870 ss:$0x81] =	vst.msk $0xffff, v0  }
0x60: {  	[tilespmem:s22+$0x810 ss:$0x81] =	vst.msk $0xffff, v5;
	v2 =	vld [tilespmem:s21+$0x20]  }
0x61: {  	v1 =	vld [tilespmem:s21+$0xFFFFFFC0];
	[tilespmem:s22+$0x1020 ss:$0x81] =	vst.msk $0xffff, v6;
	s21 =	sadd.s32 $0x80, s21  }
0x62: {  	s25 =	sadd.s32 $0x4, s25;
	v0 =	vld [tilespmem:s21+$0x30];
	[tilespmem:s22+$0x1830 ss:$0x81] =	vst.msk $0xffff, v7  }
.Ltmp4:
0x63: {  	_ = 	snop;
	(pc) =	sbr.rel .LBB1_4-.Ltmp4, $1  }
0x64: {  	_ =	sdelay $0x3  }
.LBB1_6:
0x65: {  	_ =	sfence.sel $0x180000  }
0x66: {  	s2 =	simm.s32 $0x1;
	[bflag:$0x0] =	sbarrier.arrive $0xFFFF  }
0x67: {  	s31 =	simm.s32 $0x2;
	[sflag:s2] =	ssyncpa.u1 $0x1  }
0x68: {  	[sflag:s31] =	ssyncpa.u1 $0x1  }
0x69: {  	p0 =	sne.s32 s0, $0x0;
	_ =	strace $0x9000004A  }
0x6a: {  	s0 =	sadd.s32 @!p0 $0x100000, s1;
	[bflag:$0x2] =	sbarrier.arrive $0xFFFF  }
0x6b: {  	[sflag:s0] =	ssyncadd.tile.s32 @!p0 $0x1;
	_ =	shalt  }
.Lfunc_end1:
_tile_overlayer_lowered:
.L_overlay_start_2:
0x6c: {  	(tag) =	ssettag $0x2  }
0x6d: {  	s0 =	rddreg [dreg:$0x0];
	s2 =	stileid.u32  }
0x6e: {  	s1 =	rddreg [dreg:$0x1];
	p0 =	sne.s32 s2, $0x0  }
0x6f: {  	s3 =	rddreg [dreg:$0x2];
	[bflag:$0x3] =	sbarrier.arrive $0xFFFF;
	s2 =	simm.s32 @!p0 $0x1C01  }
0x70: {  	[timem:s3], [sflag:s2] =	dma.local @!p0 [hbm:s0], s1  }
0x71: {  	s0 =	simm.s32 @!p0 $0x1  }
0x72: {  	_ =	swait.ge @!p0 [sflag:s0], s1  }
0x73: {  	s1 =	ssub.s32 @!p0 $0x0, s1;
	[sflag:s0] =	ssyncset.done @!p0 $0x0  }
0x74: {  	[sflag:s0] =	ssyncadd.s32 @!p0 s1  }
0x75: {  	[bflag:$0x3] =	sbarrier.arrive $0xFFFF  }
0x76: {  	_ =	shalt  }

</sc_bundles>
